<compile_context>
chip_gen: v7x
topology: tpu7x:2x2x1
jax: 0.10.2.dev20260603
libtpu: 0.0.44.dev20260713+nightly
codegen_flags: <defaults>
</compile_context>

<pallas_src>
import functools

import jax
import jax.numpy as jnp
from jax import lax
from jax.experimental import pallas as pl
from jax.experimental.pallas import tpu as pltpu
from jax.experimental.pallas import tpu_sc as plsc

N_NODES = 10000
N_EDGES = 320000
D = 128
ALPHA = 0.5

NC, NS = 2, 16
NPAD = 10240
ROWS_PER_SUB = NPAD // NS
IDX_ROWS_P = 2560
E_PAD = IDX_ROWS_P * 128
NLOC = IDX_ROWS_P // NS
GRP = 16
NGRP = NLOC // GRP


def _sc_mesh():
    return plsc.VectorSubcoreMesh(core_axis_name="c", subcore_axis_name="s")


def _degree_kernel(sidx_r, zvec):

    @functools.partial(
        pl.kernel,
        out_type=jax.ShapeDtypeStruct((NC, NPAD), jnp.float32),
        mesh=_sc_mesh(),
        scratch_types=[
            pltpu.VMEM((3, GRP, 128), jnp.int32),
            pltpu.VMEM((128,), jnp.float32),
            pltpu.VMEM_SHARED((NPAD,), jnp.float32),
            pltpu.SemaphoreType.DMA((3,)),
            pltpu.SemaphoreType.DMA((2,)),
        ],
    )
    def k(sidx_hbm, zvec_hbm, deg_hbm, si_v, ones_v, acc, isem, ssem):
        c = lax.axis_index("c")
        s = lax.axis_index("s")
        r0 = s * NLOC

        @pl.loop(0, 128, step=16)
        def _(i):
            ones_v[pl.ds(i, 16)] = jnp.full((16,), 1.0, jnp.float32)

        for g in range(2):
            pltpu.async_copy(sidx_hbm.at[c, pl.ds(r0 + g * GRP, GRP)],
                             si_v.at[g], isem.at[g])

        pltpu.sync_copy(zvec_hbm, acc.at[pl.ds(s * ROWS_PER_SUB, ROWS_PER_SUB)])
        plsc.subcore_barrier()

        def wait_idx(bb):
            pltpu.make_async_copy(sidx_hbm.at[c, pl.ds(r0, GRP)],
                                  si_v.at[bb], isem.at[bb]).wait()

        def wait_sa(bx):
            pltpu.make_async_copy(ones_v, acc.at[si_v.at[0, 0]],
                                  ssem.at[bx]).wait()

        @pl.loop(0, NLOC, step=2)
        def _(k0):
            for ph in range(2):
                kk = k0 + ph
                g = kk // GRP
                j = lax.rem(kk, GRP)
                bg = lax.rem(g, 3)

                @pl.when(kk >= 2)
                def _():
                    wait_sa(ph)

                @pl.when(j == 0)
                def _():
                    for bb in range(3):
                        @pl.when(bg == bb)
                        def _():
                            wait_idx(bb)

                @pl.when(j == 1)
                def _():
                    for bb in range(3):
                        @pl.when((bg == bb) & (g + 2 < NGRP))
                        def _():
                            bn = (bb + 2) % 3
                            pltpu.async_copy(
                                sidx_hbm.at[c, pl.ds(r0 + (g + 2) * GRP, GRP)],
                                si_v.at[bn], isem.at[bn])

                pltpu.async_copy(ones_v, acc.at[si_v.at[bg, j]], ssem.at[ph],
                                 add=True)

        wait_sa(0)
        wait_sa(1)
        plsc.subcore_barrier()
        sl = pl.ds(s * ROWS_PER_SUB, ROWS_PER_SUB)
        pltpu.sync_copy(acc.at[sl], deg_hbm.at[c, sl])

    return k(sidx_r, zvec)


def _aggregate_kernel(zcat, gidx_r, sidx_r):

    @functools.partial(
        pl.kernel,
        out_type=jax.ShapeDtypeStruct((NC, NPAD, D), jnp.float32),
        mesh=_sc_mesh(),
        scratch_types=[
            pltpu.VMEM((3, GRP, 128), jnp.int32),
            pltpu.VMEM((3, GRP, 128), jnp.int32),
            pltpu.VMEM((2, 128, D), jnp.float32),
            pltpu.VMEM_SHARED((NPAD, D), jnp.float32),
            pltpu.SemaphoreType.DMA((3,)),
            pltpu.SemaphoreType.DMA((3,)),
            pltpu.SemaphoreType.DMA((2,)),
            pltpu.SemaphoreType.DMA((2,)),
        ],
    )
    def k(zcat_hbm, gidx_hbm, sidx_hbm, s_hbm,
          gi_v, si_v, gbuf, acc, isem_g, isem_s, gsem, ssem):
        c = lax.axis_index("c")
        s = lax.axis_index("s")
        r0 = s * NLOC

        for g in range(2):
            pltpu.async_copy(gidx_hbm.at[c, pl.ds(r0 + g * GRP, GRP)],
                             gi_v.at[g], isem_g.at[g])
            pltpu.async_copy(sidx_hbm.at[c, pl.ds(r0 + g * GRP, GRP)],
                             si_v.at[g], isem_s.at[g])

        @pl.loop(0, 32)
        def _(i):
            @pl.loop(0, D, step=16)
            def _(cc):
                gbuf[0, i, pl.ds(cc, 16)] = jnp.zeros((16,), jnp.float32)

        @pl.loop(0, ROWS_PER_SUB, step=32)
        def _(r):
            pltpu.async_copy(gbuf.at[0, pl.ds(0, 32)],
                             acc.at[pl.ds(s * ROWS_PER_SUB + r, 32)],
                             gsem.at[0])

        @pl.loop(0, ROWS_PER_SUB, step=32)
        def _(r):
            pltpu.make_async_copy(gbuf.at[0, pl.ds(0, 32)],
                                  acc.at[pl.ds(0, 32)], gsem.at[0]).wait()

        plsc.subcore_barrier()

        def wait_idx(bb):
            pltpu.make_async_copy(gidx_hbm.at[c, pl.ds(r0, GRP)],
                                  gi_v.at[bb], isem_g.at[bb]).wait()
            pltpu.make_async_copy(sidx_hbm.at[c, pl.ds(r0, GRP)],
                                  si_v.at[bb], isem_s.at[bb]).wait()

        def wait_gather(bx):
            pltpu.make_async_copy(zcat_hbm.at[gi_v.at[0, 0]], gbuf.at[bx],
                                  gsem.at[bx]).wait()

        def wait_sa(bx):
            pltpu.make_async_copy(gbuf.at[bx], acc.at[si_v.at[0, 0]],
                                  ssem.at[bx]).wait()

        def issue_sa(kk, bx):
            g = kk // GRP
            j = lax.rem(kk, GRP)
            bg = lax.rem(g, 3)
            pltpu.async_copy(gbuf.at[bx], acc.at[si_v.at[bg, j]],
                             ssem.at[bx], add=True)

        @pl.loop(0, NLOC, step=2)
        def _(k0):
            for ph in range(2):
                kk = k0 + ph
                g = kk // GRP
                j = lax.rem(kk, GRP)
                bg = lax.rem(g, 3)

                @pl.when(kk >= 2)
                def _():
                    wait_sa(ph)

                @pl.when(j == 0)
                def _():
                    for bb in range(3):
                        @pl.when(bg == bb)
                        def _():
                            wait_idx(bb)

                @pl.when(j == 1)
                def _():
                    for bb in range(3):
                        @pl.when((bg == bb) & (g + 2 < NGRP))
                        def _():
                            bn = (bb + 2) % 3
                            pltpu.async_copy(
                                gidx_hbm.at[c, pl.ds(r0 + (g + 2) * GRP, GRP)],
                                gi_v.at[bn], isem_g.at[bn])
                            pltpu.async_copy(
                                sidx_hbm.at[c, pl.ds(r0 + (g + 2) * GRP, GRP)],
                                si_v.at[bn], isem_s.at[bn])

                pltpu.async_copy(zcat_hbm.at[gi_v.at[bg, j]], gbuf.at[ph],
                                 gsem.at[ph])

                @pl.when(kk >= 1)
                def _():
                    wait_gather(1 - ph)
                    issue_sa(kk - 1, 1 - ph)

        wait_gather(1)
        issue_sa(NLOC - 1, 1)
        wait_sa(0)
        wait_sa(1)
        plsc.subcore_barrier()
        sl = pl.ds(s * ROWS_PER_SUB, ROWS_PER_SUB)
        pltpu.sync_copy(acc.at[sl], s_hbm.at[c, sl])

    return k(zcat, gidx_r, sidx_r)


_BLK = 2560
_NBLK = NPAD // _BLK


def _inv_sqrt_cols(deg_blk):
    degt = jnp.transpose(deg_blk)
    oinv = jnp.where(degt[:, 0:1] > 0, lax.rsqrt(degt[:, 0:1]), 0.0)
    iinv = jnp.where(degt[:, 1:2] > 0, lax.rsqrt(degt[:, 1:2]), 0.0)
    return oinv, iinv


def _transform_body(x_ref, w_ref, deg_ref, z_ref):
    y = jnp.dot(x_ref[...], w_ref[...], precision=lax.Precision.HIGHEST,
                preferred_element_type=jnp.float32)
    oinv, iinv = _inv_sqrt_cols(deg_ref[...])
    z_ref[0] = iinv * y[:, :D]
    z_ref[1] = oinv * y[:, D:]


def _transform(x, wcat, deg):
    return pl.pallas_call(
        _transform_body,
        grid=(_NBLK,),
        in_specs=[
            pl.BlockSpec((_BLK, D), lambda i: (i, 0)),
            pl.BlockSpec((D, 2 * D), lambda i: (0, 0)),
            pl.BlockSpec((2, _BLK), lambda i: (0, i)),
        ],
        out_specs=pl.BlockSpec((2, _BLK, D), lambda i: (0, i, 0)),
        out_shape=jax.ShapeDtypeStruct((2, NPAD, D), jnp.float32),
    )(x, wcat, deg)


def _combine_body(s_ref, deg_ref, b_ref, o_ref):
    oinv, iinv = _inv_sqrt_cols(deg_ref[...])
    o_ref[...] = oinv * s_ref[0] + iinv * s_ref[1] + b_ref[...]


def _combine(S, deg, bias):
    return pl.pallas_call(
        _combine_body,
        grid=(_NBLK,),
        in_specs=[
            pl.BlockSpec((2, _BLK, D), lambda i: (0, i, 0)),
            pl.BlockSpec((2, _BLK), lambda i: (0, i)),
            pl.BlockSpec((1, D), lambda i: (0, 0)),
        ],
        out_specs=pl.BlockSpec((_BLK, D), lambda i: (i, 0)),
        out_shape=jax.ShapeDtypeStruct((N_NODES, D), jnp.float32),
    )(S, deg, bias)


def kernel(x, edge_index, W_src, b_src, W_dst, b_dst):
    pad_n = E_PAD - N_EDGES
    j = jnp.arange(pad_n, dtype=jnp.int32)
    pad_s = N_NODES + jnp.remainder(j, NPAD - N_NODES)
    pad_g = jnp.remainder(j, N_NODES)
    pad_s2 = jnp.stack([pad_s, pad_s])
    sidx_r = jnp.concatenate([edge_index, pad_s2], axis=1) \
                .reshape(NC, IDX_ROWS_P, 128)
    g0 = jnp.concatenate([edge_index[1], pad_g])
    g1 = jnp.concatenate([edge_index[0], pad_g]) + NPAD
    gidx = jnp.stack([g0, g1]).reshape(NC, IDX_ROWS_P, 128)

    zvec = jnp.zeros((ROWS_PER_SUB,), jnp.float32)

    deg = _degree_kernel(sidx_r, zvec)

    wcat = jnp.concatenate([ALPHA * W_src, (1.0 - ALPHA) * W_dst], axis=1)
    zcat = _transform(x, wcat, deg).reshape(2 * NPAD, D)

    S = _aggregate_kernel(zcat, gidx, sidx_r)

    bias = (ALPHA * b_src + (1.0 - ALPHA) * b_dst).reshape(1, D)
    return _combine(S, deg, bias)

# --- scband reference (transcript-rebuilt; emitter-appended) ---
"""Pipeline reference for scband-gnn-52939766890541 (READ-ONLY COPY).

The authoritative reference and input builder live on the scoring server;
editing this copy changes nothing except your own understanding.
"""

import jax, jax.numpy as jnp
import numpy as np

N_NODES = 10000
N_EDGES = 320000
D_IN = 128
D_OUT = 128
ALPHA = 0.5


def setup_inputs(seed: int = 0) -> dict:
    key = jax.random.key(seed)
    k1, k2, k3, k4, k5, k6 = jax.random.split(key, 6)
    x = jax.random.normal(k1, (N_NODES, D_IN), dtype=jnp.float32)
    edge_index = jax.random.randint(k2, (2, N_EDGES), 0, N_NODES, dtype=jnp.int32)
    bound = 1.0 / np.sqrt(D_IN)
    W_src = jax.random.uniform(k3, (D_IN, D_OUT), dtype=jnp.float32, minval=-bound, maxval=bound)
    b_src = jax.random.uniform(k4, (D_OUT,), dtype=jnp.float32, minval=-bound, maxval=bound)
    W_dst = jax.random.uniform(k5, (D_IN, D_OUT), dtype=jnp.float32, minval=-bound, maxval=bound)
    b_dst = jax.random.uniform(k6, (D_OUT,), dtype=jnp.float32, minval=-bound, maxval=bound)
    return {"x": x, "edge_index": edge_index, "W_src": W_src, "b_src": b_src, "W_dst": W_dst, "b_dst": b_dst}


def reference(x, edge_index, W_src, b_src, W_dst, b_dst):
    # DirGCNConv: alpha * Lin_s2d(D_out^-1/2 A D_in^-1/2 @ x) + (1-alpha) * Lin_d2s(D_in^-1/2 A^T D_out^-1/2 @ x)
    N = x.shape[0]
    row = edge_index[0]
    col = edge_index[1]
    ones = jnp.ones((row.shape[0],), dtype=x.dtype)
    out_deg = jax.ops.segment_sum(ones, row, num_segments=N)  # row-sum of A
    in_deg = jax.ops.segment_sum(ones, col, num_segments=N)   # col-sum of A
    out_inv_sqrt = jnp.where(out_deg > 0, out_deg ** -0.5, 0.0)
    in_inv_sqrt = jnp.where(in_deg > 0, in_deg ** -0.5, 0.0)
    # per-edge normalized weight 1/sqrt(out_deg[row]*in_deg[col]) (same for A and A^T norm)
    w = out_inv_sqrt[row] * in_inv_sqrt[col]
    # adj_norm @ x : gather src features x[col], scatter-add to row
    agg_s2d = jax.ops.segment_sum(w[:, None] * x[col], row, num_segments=N)
    # adj_t_norm @ x : gather x[row], scatter-add to col
    agg_d2s = jax.ops.segment_sum(w[:, None] * x[row], col, num_segments=N)
    out = ALPHA * (agg_s2d @ W_src + b_src) + (1.0 - ALPHA) * (agg_d2s @ W_dst + b_dst)
    return out

if __name__ == "__main__":
    import jax
    _d = setup_inputs()
    print(jax.jit(kernel)(*tuple(_d.values())))

</pallas_src>

<mosaic_0001>
#map = affine_map<(d0, d1) -> (0, 0, 0)>
#map1 = affine_map<(d0, d1) -> (0)>
#map2 = affine_map<(d0, d1) -> (0, 0)>
module attributes {stable_mosaic.version = 14 : i64} {
  func.func @k(%arg0: i32, %arg1: i32, %arg2: memref<2x2560x128xi32, #tpu.memory_space<hbm>>, %arg3: memref<640xf32, #tpu.memory_space<hbm>>, %arg4: memref<2x10240xf32, #tpu.memory_space<hbm>>, %arg5: memref<3x16x128xi32, #tpu.memory_space<vmem>>, %arg6: memref<128xf32, #tpu.memory_space<vmem>>, %arg7: memref<10240xf32, #tpu.memory_space<vmem_shared>>, %arg8: memref<3x!tpu.dma_semaphore, #tpu.memory_space<semaphore_mem>>, %arg9: memref<2x!tpu.dma_semaphore, #tpu.memory_space<semaphore_mem>>) attributes {dimension_semantics = [#tpu.dimension_semantics<core_parallel>, #tpu.dimension_semantics<subcore_parallel>], iteration_bounds = array<i64: 2, 16>, scalar_prefetch = 0 : i64, scratch_operands = 5 : i64, tpu.core_type = #tpu.core_type<sc_vector_subcore>, window_params = [{transform_indices = #map}, {transform_indices = #map1}, {transform_indices = #map2}]} {
    %mul3A = arith.constant 160 : i32
    %mul3A_0 = arith.muli %arg1, %mul3A : i32
    %scan3A = arith.constant 0 : i32
    %scan3A_1 = arith.constant 8 : i32
    %scan3A_2 = arith.addi %scan3A, %scan3A_1 : i32
    %scan3A_3 = arith.constant 1 : i32
    scf.for %scan3A_72 = %scan3A to %scan3A_2 step %scan3A_3  : i32 {
      %mul3A_73 = arith.constant 16 : i32
      %mul3A_74 = arith.muli %scan3A_72, %mul3A_73 : i32
      %add3A_75 = arith.constant 0 : i32
      %add3A_76 = arith.addi %add3A_75, %mul3A_74 : i32
      %broadcast_in_dim3A = arith.constant 1.000000e+00 : f32
      %broadcast_in_dim3A_77 = vector.broadcast %broadcast_in_dim3A : f32 to vector<16xf32>
      %swap3A = arith.index_cast %add3A_76 : i32 to index
      %swap3A_78 = tpu.vector_load %arg6[%swap3A] {strides = array<i32>} : memref<128xf32, #tpu.memory_space<vmem>>, vector<16xf32>,
      %swap3A_79 = vector.shape_cast %swap3A_78 : vector<16xf32> to vector<16xf32>
      %swap3A_80 = vector.shape_cast %broadcast_in_dim3A_77 : vector<16xf32> to vector<16xf32>
      tpu.vector_store %arg6[%swap3A], %swap3A_80 {strides = array<i32>} : memref<128xf32, #tpu.memory_space<vmem>>, vector<16xf32>,
    }
    %scan3A_4 = arith.constant 8 : i32
    %add3A = arith.constant 0 : i32
    %add3A_5 = arith.addi %mul3A_0, %add3A : i32
    %dma_start3A = arith.constant 0 : i32
    %dma_start3A_6 = arith.constant 0 : i32
    %dma_start3A_7 = arith.constant 0 : i32
    %dma_start3A_8 = arith.constant 0 : i32
    %dma_start3A_9 = tpu.memref_slice %arg5[%dma_start3A, %dma_start3A_7, %dma_start3A_8] : memref<3x16x128xi32, #tpu.memory_space<vmem>> -> memref<1x16x128xi32, #tpu.memory_space<vmem>>
    %dma_start3A_10 = tpu.memref_squeeze %dma_start3A_9 : memref<1x16x128xi32, #tpu.memory_space<vmem>> -> memref<16x128xi32, #tpu.memory_space<vmem>>
    %dma_start3A_11 = arith.constant 0 : i32
    %dma_start3A_12 = tpu.memref_slice %arg2[%arg0, %add3A_5, %dma_start3A_11] : memref<2x2560x128xi32, #tpu.memory_space<hbm>> -> memref<1x16x128xi32, #tpu.memory_space<hbm>>
    %dma_start3A_13 = tpu.memref_squeeze %dma_start3A_12 : memref<1x16x128xi32, #tpu.memory_space<hbm>> -> memref<16x128xi32, #tpu.memory_space<hbm>>
    %dma_start3A_14 = tpu.memref_slice %arg8[%dma_start3A_6] : memref<3x!tpu.dma_semaphore, #tpu.memory_space<semaphore_mem>> -> memref<1x!tpu.dma_semaphore, #tpu.memory_space<semaphore_mem>>
    %dma_start3A_15 = tpu.memref_squeeze %dma_start3A_14 : memref<1x!tpu.dma_semaphore, #tpu.memory_space<semaphore_mem>> -> memref<!tpu.dma_semaphore, #tpu.memory_space<semaphore_mem>>
    %dma_start3A_16 = arith.constant 0 : i32
    %dma_start3A_17 = arith.constant 0 : i32
    %dma_start3A_18 = tpu.memref_slice %arg5[%dma_start3A, %dma_start3A_16, %dma_start3A_17] : memref<3x16x128xi32, #tpu.memory_space<vmem>> -> memref<1x16x128xi32, #tpu.memory_space<vmem>>
    %dma_start3A_19 = tpu.memref_squeeze %dma_start3A_18 : memref<1x16x128xi32, #tpu.memory_space<vmem>> -> memref<16x128xi32, #tpu.memory_space<vmem>>
    %dma_start3A_20 = arith.constant 0 : i32
    %dma_start3A_21 = tpu.memref_slice %arg2[%arg0, %add3A_5, %dma_start3A_20] : memref<2x2560x128xi32, #tpu.memory_space<hbm>> -> memref<1x16x128xi32, #tpu.memory_space<hbm>>
    %dma_start3A_22 = tpu.memref_squeeze %dma_start3A_21 : memref<1x16x128xi32, #tpu.memory_space<hbm>> -> memref<16x128xi32, #tpu.memory_space<hbm>>
    tpu.enqueue_dma source(%dma_start3A_22 : memref<16x128xi32, #tpu.memory_space<hbm>>) target(%dma_start3A_19 : memref<16x128xi32, #tpu.memory_space<vmem>>) target_semaphore(%dma_start3A_15 : memref<!tpu.dma_semaphore, #tpu.memory_space<semaphore_mem>>)
    %add3A_23 = arith.constant 16 : i32
    %add3A_24 = arith.addi %mul3A_0, %add3A_23 : i32
    %dma_start3A_25 = arith.constant 1 : i32
    %dma_start3A_26 = arith.constant 1 : i32
    %dma_start3A_27 = arith.constant 0 : i32
    %dma_start3A_28 = arith.constant 0 : i32
    %dma_start3A_29 = tpu.memref_slice %arg5[%dma_start3A_25, %dma_start3A_27, %dma_start3A_28] : memref<3x16x128xi32, #tpu.memory_space<vmem>> -> memref<1x16x128xi32, #tpu.memory_space<vmem>>
    %dma_start3A_30 = tpu.memref_squeeze %dma_start3A_29 : memref<1x16x128xi32, #tpu.memory_space<vmem>> -> memref<16x128xi32, #tpu.memory_space<vmem>>
    %dma_start3A_31 = arith.constant 0 : i32
    %dma_start3A_32 = tpu.memref_slice %arg2[%arg0, %add3A_24, %dma_start3A_31] : memref<2x2560x128xi32, #tpu.memory_space<hbm>> -> memref<1x16x128xi32, #tpu.memory_space<hbm>>
    %dma_start3A_33 = tpu.memref_squeeze %dma_start3A_32 : memref<1x16x128xi32, #tpu.memory_space<hbm>> -> memref<16x128xi32, #tpu.memory_space<hbm>>
    %dma_start3A_34 = tpu.memref_slice %arg8[%dma_start3A_26] : memref<3x!tpu.dma_semaphore, #tpu.memory_space<semaphore_mem>> -> memref<1x!tpu.dma_semaphore, #tpu.memory_space<semaphore_mem>>
    %dma_start3A_35 = tpu.memref_squeeze %dma_start3A_34 : memref<1x!tpu.dma_semaphore, #tpu.memory_space<semaphore_mem>> -> memref<!tpu.dma_semaphore, #tpu.memory_space<semaphore_mem>>
    %dma_start3A_36 = arith.constant 0 : i32
    %dma_start3A_37 = arith.constant 0 : i32
    %dma_start3A_38 = tpu.memref_slice %arg5[%dma_start3A_25, %dma_start3A_36, %dma_start3A_37] : memref<3x16x128xi32, #tpu.memory_space<vmem>> -> memref<1x16x128xi32, #tpu.memory_space<vmem>>
    %dma_start3A_39 = tpu.memref_squeeze %dma_start3A_38 : memref<1x16x128xi32, #tpu.memory_space<vmem>> -> memref<16x128xi32, #tpu.memory_space<vmem>>
    %dma_start3A_40 = arith.constant 0 : i32
    %dma_start3A_41 = tpu.memref_slice %arg2[%arg0, %add3A_24, %dma_start3A_40] : memref<2x2560x128xi32, #tpu.memory_space<hbm>> -> memref<1x16x128xi32, #tpu.memory_space<hbm>>
    %dma_start3A_42 = tpu.memref_squeeze %dma_start3A_41 : memref<1x16x128xi32, #tpu.memory_space<hbm>> -> memref<16x128xi32, #tpu.memory_space<hbm>>
    tpu.enqueue_dma source(%dma_start3A_42 : memref<16x128xi32, #tpu.memory_space<hbm>>) target(%dma_start3A_39 : memref<16x128xi32, #tpu.memory_space<vmem>>) target_semaphore(%dma_start3A_35 : memref<!tpu.dma_semaphore, #tpu.memory_space<semaphore_mem>>)
    %mul3A_43 = arith.constant 640 : i32
    %mul3A_44 = arith.muli %arg1, %mul3A_43 : i32
    "tpu.region"() ({
      %run_scoped3A = tpu.sem_alloc : memref<!tpu.dma_semaphore, #tpu.memory_space<semaphore_mem>>
      %dma_start3A_72 = tpu.memref_slice %arg7[%mul3A_44] : memref<10240xf32, #tpu.memory_space<vmem_shared>> -> memref<640xf32, #tpu.memory_space<vmem_shared>>
      tpu.enqueue_dma source(%arg3 : memref<640xf32, #tpu.memory_space<hbm>>) target(%dma_start3A_72 : memref<640xf32, #tpu.memory_space<vmem_shared>>) target_semaphore(%run_scoped3A : memref<!tpu.dma_semaphore, #tpu.memory_space<semaphore_mem>>)
      %dma_wait3A_73 = tpu.memref_slice %arg7[%mul3A_44] : memref<10240xf32, #tpu.memory_space<vmem_shared>> -> memref<640xf32, #tpu.memory_space<vmem_shared>>
      tpu.wait_dma2 semaphore(%run_scoped3A : memref<!tpu.dma_semaphore, #tpu.memory_space<semaphore_mem>>) src(%arg3 : memref<640xf32, #tpu.memory_space<hbm>>) dst(%dma_wait3A_73 : memref<640xf32, #tpu.memory_space<vmem_shared>>)
      tpu.yield
    }) : () -> ()
    %barrier3A = arith.constant 0 : index
    tpu.barrier barrier_id(%barrier3A)
    %scan3A_45 = arith.constant 0 : i32
    %scan3A_46 = arith.constant 80 : i32
    %scan3A_47 = arith.addi %scan3A_45, %scan3A_46 : i32
    %scan3A_48 = arith.constant 1 : i32
    scf.for %scan3A_72 = %scan3A_45 to %scan3A_47 step %scan3A_48  : i32 {
      %mul3A_73 = arith.constant 2 : i32
      %mul3A_74 = arith.muli %scan3A_72, %mul3A_73 : i32
      %add3A_75 = arith.constant 0 : i32
      %add3A_76 = arith.addi %add3A_75, %mul3A_74 : i32
      %add3A_77 = arith.constant 0 : i32
      %add3A_78 = arith.addi %add3A_76, %add3A_77 : i32
      %jit3A = arith.constant 16 : i32
      %div3A = arith.divsi %add3A_78, %jit3A : i32
      %sign3A = arith.constant 0 : i32
      %sign3A_79 = arith.cmpi sgt, %add3A_78, %sign3A : i32
      %sign3A_80 = arith.extui %sign3A_79 : i1 to i32
      %sign3A_81 = arith.constant 0 : i32
      %sign3A_82 = arith.cmpi slt, %add3A_78, %sign3A_81 : i32
      %sign3A_83 = arith.extui %sign3A_82 : i1 to i32
      %sign3A_84 = arith.subi %sign3A_80, %sign3A_83 : i32
      %sign3A_85 = arith.constant 0 : i32
      %sign3A_86 = arith.cmpi sgt, %jit3A, %sign3A_85 : i32
      %sign3A_87 = arith.extui %sign3A_86 : i1 to i32
      %sign3A_88 = arith.constant 0 : i32
      %sign3A_89 = arith.cmpi slt, %jit3A, %sign3A_88 : i32
      %sign3A_90 = arith.extui %sign3A_89 : i1 to i32
      %sign3A_91 = arith.subi %sign3A_87, %sign3A_90 : i32
      %ne3A = arith.cmpi ne, %sign3A_84, %sign3A_91 : i32
      %rem3A = arith.remsi %add3A_78, %jit3A : i32
      %ne3A_92 = arith.constant 0 : i32
      %ne3A_93 = arith.cmpi ne, %rem3A, %ne3A_92 : i32
      %and3A = arith.andi %ne3A, %ne3A_93 : i1
      %sub3A = arith.constant 1 : i32
      %sub3A_94 = arith.subi %div3A, %sub3A : i32
      %select_n3A = arith.select %and3A, %sub3A_94, %div3A : i32
      %rem3A_95 = arith.constant 16 : i32
      %rem3A_96 = arith.remsi %add3A_78, %rem3A_95 : i32
      %rem3A_97 = arith.constant 3 : i32
      %rem3A_98 = arith.remsi %select_n3A, %rem3A_97 : i32
      %ge3A = arith.constant 2 : i32
      %ge3A_99 = arith.cmpi sge, %add3A_78, %ge3A : i32
      %convert_element_type3A = arith.extui %ge3A_99 : i1 to i32
      %cond3A = arith.constant 0 : i32
      %cond3A_100 = arith.cmpi ne, %convert_element_type3A, %cond3A : i32
      scf.if %cond3A_100 {
        %dma_wait3A_171 = arith.constant 0 : i32
        %dma_wait3A_172 = arith.constant 0 : i32
        %dma_wait3A_173 = arith.constant 0 : i32
        %dma_wait3A_174 = arith.constant 0 : i32
        %dma_wait3A_175 = tpu.memref_slice %arg5[%dma_wait3A_171, %dma_wait3A_172, %dma_wait3A_174] : memref<3x16x128xi32, #tpu.memory_space<vmem>> -> memref<1x1x128xi32, #tpu.memory_space<vmem>>
        %dma_wait3A_176 = tpu.memref_squeeze %dma_wait3A_175 : memref<1x1x128xi32, #tpu.memory_space<vmem>> -> memref<128xi32, #tpu.memory_space<vmem>>
        %dma_wait3A_177 = arith.constant 0 : i32
        %dma_wait3A_178 = tpu.memref_slice %arg7[%dma_wait3A_177] : memref<10240xf32, #tpu.memory_space<vmem_shared>> -> memref<10240xf32, #tpu.memory_space<vmem_shared>>
        %dma_wait3A_179 = tpu.memref_slice %arg9[%dma_wait3A_173] : memref<2x!tpu.dma_semaphore, #tpu.memory_space<semaphore_mem>> -> memref<1x!tpu.dma_semaphore, #tpu.memory_space<semaphore_mem>>
        %dma_wait3A_180 = tpu.memref_squeeze %dma_wait3A_179 : memref<1x!tpu.dma_semaphore, #tpu.memory_space<semaphore_mem>> -> memref<!tpu.dma_semaphore, #tpu.memory_space<semaphore_mem>>
        tpu.wait_indirect_dma semaphore(%dma_wait3A_180 : memref<!tpu.dma_semaphore, #tpu.memory_space<semaphore_mem>>) src(%arg6 : memref<128xf32, #tpu.memory_space<vmem>>) dst(%dma_wait3A_178 : memref<10240xf32, #tpu.memory_space<vmem_shared>>)
      } else {
      }
      %eq3A = arith.constant 0 : i32
      %eq3A_101 = arith.cmpi eq, %rem3A_96, %eq3A : i32
      %convert_element_type3A_102 = arith.extui %eq3A_101 : i1 to i32
      %cond3A_103 = arith.constant 0 : i32
      %cond3A_104 = arith.cmpi ne, %convert_element_type3A_102, %cond3A_103 : i32
      scf.if %cond3A_104 {
        %eq3A_171 = arith.constant 0 : i32
        %eq3A_172 = arith.cmpi eq, %rem3A_98, %eq3A_171 : i32
        %convert_element_type3A_173 = arith.extui %eq3A_172 : i1 to i32
        %cond3A_174 = arith.constant 0 : i32
        %cond3A_175 = arith.cmpi ne, %convert_element_type3A_173, %cond3A_174 : i32
        scf.if %cond3A_175 {
          %dma_wait3A_186 = arith.constant 0 : i32
          %dma_wait3A_187 = arith.constant 0 : i32
          %dma_wait3A_188 = arith.constant 0 : i32
          %dma_wait3A_189 = arith.constant 0 : i32
          %dma_wait3A_190 = tpu.memref_slice %arg5[%dma_wait3A_186, %dma_wait3A_188, %dma_wait3A_189] : memref<3x16x128xi32, #tpu.memory_space<vmem>> -> memref<1x16x128xi32, #tpu.memory_space<vmem>>
          %dma_wait3A_191 = tpu.memref_squeeze %dma_wait3A_190 : memref<1x16x128xi32, #tpu.memory_space<vmem>> -> memref<16x128xi32, #tpu.memory_space<vmem>>
          %dma_wait3A_192 = arith.constant 0 : i32
          %dma_wait3A_193 = tpu.memref_slice %arg2[%arg0, %mul3A_0, %dma_wait3A_192] : memref<2x2560x128xi32, #tpu.memory_space<hbm>> -> memref<1x16x128xi32, #tpu.memory_space<hbm>>
          %dma_wait3A_194 = tpu.memref_squeeze %dma_wait3A_193 : memref<1x16x128xi32, #tpu.memory_space<hbm>> -> memref<16x128xi32, #tpu.memory_space<hbm>>
          %dma_wait3A_195 = tpu.memref_slice %arg8[%dma_wait3A_187] : memref<3x!tpu.dma_semaphore, #tpu.memory_space<semaphore_mem>> -> memref<1x!tpu.dma_semaphore, #tpu.memory_space<semaphore_mem>>
          %dma_wait3A_196 = tpu.memref_squeeze %dma_wait3A_195 : memref<1x!tpu.dma_semaphore, #tpu.memory_space<semaphore_mem>> -> memref<!tpu.dma_semaphore, #tpu.memory_space<semaphore_mem>>
          %dma_wait3A_197 = arith.constant 0 : i32
          %dma_wait3A_198 = arith.constant 0 : i32
          %dma_wait3A_199 = tpu.memref_slice %arg5[%dma_wait3A_186, %dma_wait3A_197, %dma_wait3A_198] : memref<3x16x128xi32, #tpu.memory_space<vmem>> -> memref<1x16x128xi32, #tpu.memory_space<vmem>>
          %dma_wait3A_200 = tpu.memref_squeeze %dma_wait3A_199 : memref<1x16x128xi32, #tpu.memory_space<vmem>> -> memref<16x128xi32, #tpu.memory_space<vmem>>
          %dma_wait3A_201 = arith.constant 0 : i32
          %dma_wait3A_202 = tpu.memref_slice %arg2[%arg0, %mul3A_0, %dma_wait3A_201] : memref<2x2560x128xi32, #tpu.memory_space<hbm>> -> memref<1x16x128xi32, #tpu.memory_space<hbm>>
          %dma_wait3A_203 = tpu.memref_squeeze %dma_wait3A_202 : memref<1x16x128xi32, #tpu.memory_space<hbm>> -> memref<16x128xi32, #tpu.memory_space<hbm>>
          tpu.wait_dma2 semaphore(%dma_wait3A_196 : memref<!tpu.dma_semaphore, #tpu.memory_space<semaphore_mem>>) src(%dma_wait3A_203 : memref<16x128xi32, #tpu.memory_space<hbm>>) dst(%dma_wait3A_200 : memref<16x128xi32, #tpu.memory_space<vmem>>)
        } else {
        }
        %eq3A_176 = arith.constant 1 : i32
        %eq3A_177 = arith.cmpi eq, %rem3A_98, %eq3A_176 : i32
        %convert_element_type3A_178 = arith.extui %eq3A_177 : i1 to i32
        %cond3A_179 = arith.constant 0 : i32
        %cond3A_180 = arith.cmpi ne, %convert_element_type3A_178, %cond3A_179 : i32
        scf.if %cond3A_180 {
          %dma_wait3A_186 = arith.constant 1 : i32
          %dma_wait3A_187 = arith.constant 1 : i32
          %dma_wait3A_188 = arith.constant 0 : i32
          %dma_wait3A_189 = arith.constant 0 : i32
          %dma_wait3A_190 = tpu.memref_slice %arg5[%dma_wait3A_186, %dma_wait3A_188, %dma_wait3A_189] : memref<3x16x128xi32, #tpu.memory_space<vmem>> -> memref<1x16x128xi32, #tpu.memory_space<vmem>>
          %dma_wait3A_191 = tpu.memref_squeeze %dma_wait3A_190 : memref<1x16x128xi32, #tpu.memory_space<vmem>> -> memref<16x128xi32, #tpu.memory_space<vmem>>
          %dma_wait3A_192 = arith.constant 0 : i32
          %dma_wait3A_193 = tpu.memref_slice %arg2[%arg0, %mul3A_0, %dma_wait3A_192] : memref<2x2560x128xi32, #tpu.memory_space<hbm>> -> memref<1x16x128xi32, #tpu.memory_space<hbm>>
          %dma_wait3A_194 = tpu.memref_squeeze %dma_wait3A_193 : memref<1x16x128xi32, #tpu.memory_space<hbm>> -> memref<16x128xi32, #tpu.memory_space<hbm>>
          %dma_wait3A_195 = tpu.memref_slice %arg8[%dma_wait3A_187] : memref<3x!tpu.dma_semaphore, #tpu.memory_space<semaphore_mem>> -> memref<1x!tpu.dma_semaphore, #tpu.memory_space<semaphore_mem>>
          %dma_wait3A_196 = tpu.memref_squeeze %dma_wait3A_195 : memref<1x!tpu.dma_semaphore, #tpu.memory_space<semaphore_mem>> -> memref<!tpu.dma_semaphore, #tpu.memory_space<semaphore_mem>>
          %dma_wait3A_197 = arith.constant 0 : i32
          %dma_wait3A_198 = arith.constant 0 : i32
          %dma_wait3A_199 = tpu.memref_slice %arg5[%dma_wait3A_186, %dma_wait3A_197, %dma_wait3A_198] : memref<3x16x128xi32, #tpu.memory_space<vmem>> -> memref<1x16x128xi32, #tpu.memory_space<vmem>>
          %dma_wait3A_200 = tpu.memref_squeeze %dma_wait3A_199 : memref<1x16x128xi32, #tpu.memory_space<vmem>> -> memref<16x128xi32, #tpu.memory_space<vmem>>
          %dma_wait3A_201 = arith.constant 0 : i32
          %dma_wait3A_202 = tpu.memref_slice %arg2[%arg0, %mul3A_0, %dma_wait3A_201] : memref<2x2560x128xi32, #tpu.memory_space<hbm>> -> memref<1x16x128xi32, #tpu.memory_space<hbm>>
          %dma_wait3A_203 = tpu.memref_squeeze %dma_wait3A_202 : memref<1x16x128xi32, #tpu.memory_space<hbm>> -> memref<16x128xi32, #tpu.memory_space<hbm>>
          tpu.wait_dma2 semaphore(%dma_wait3A_196 : memref<!tpu.dma_semaphore, #tpu.memory_space<semaphore_mem>>) src(%dma_wait3A_203 : memref<16x128xi32, #tpu.memory_space<hbm>>) dst(%dma_wait3A_200 : memref<16x128xi32, #tpu.memory_space<vmem>>)
        } else {
        }
        %eq3A_181 = arith.constant 2 : i32
        %eq3A_182 = arith.cmpi eq, %rem3A_98, %eq3A_181 : i32
        %convert_element_type3A_183 = arith.extui %eq3A_182 : i1 to i32
        %cond3A_184 = arith.constant 0 : i32
        %cond3A_185 = arith.cmpi ne, %convert_element_type3A_183, %cond3A_184 : i32
        scf.if %cond3A_185 {
          %dma_wait3A_186 = arith.constant 2 : i32
          %dma_wait3A_187 = arith.constant 2 : i32
          %dma_wait3A_188 = arith.constant 0 : i32
          %dma_wait3A_189 = arith.constant 0 : i32
          %dma_wait3A_190 = tpu.memref_slice %arg5[%dma_wait3A_186, %dma_wait3A_188, %dma_wait3A_189] : memref<3x16x128xi32, #tpu.memory_space<vmem>> -> memref<1x16x128xi32, #tpu.memory_space<vmem>>
          %dma_wait3A_191 = tpu.memref_squeeze %dma_wait3A_190 : memref<1x16x128xi32, #tpu.memory_space<vmem>> -> memref<16x128xi32, #tpu.memory_space<vmem>>
          %dma_wait3A_192 = arith.constant 0 : i32
          %dma_wait3A_193 = tpu.memref_slice %arg2[%arg0, %mul3A_0, %dma_wait3A_192] : memref<2x2560x128xi32, #tpu.memory_space<hbm>> -> memref<1x16x128xi32, #tpu.memory_space<hbm>>
          %dma_wait3A_194 = tpu.memref_squeeze %dma_wait3A_193 : memref<1x16x128xi32, #tpu.memory_space<hbm>> -> memref<16x128xi32, #tpu.memory_space<hbm>>
          %dma_wait3A_195 = tpu.memref_slice %arg8[%dma_wait3A_187] : memref<3x!tpu.dma_semaphore, #tpu.memory_space<semaphore_mem>> -> memref<1x!tpu.dma_semaphore, #tpu.memory_space<semaphore_mem>>
          %dma_wait3A_196 = tpu.memref_squeeze %dma_wait3A_195 : memref<1x!tpu.dma_semaphore, #tpu.memory_space<semaphore_mem>> -> memref<!tpu.dma_semaphore, #tpu.memory_space<semaphore_mem>>
          %dma_wait3A_197 = arith.constant 0 : i32
          %dma_wait3A_198 = arith.constant 0 : i32
          %dma_wait3A_199 = tpu.memref_slice %arg5[%dma_wait3A_186, %dma_wait3A_197, %dma_wait3A_198] : memref<3x16x128xi32, #tpu.memory_space<vmem>> -> memref<1x16x128xi32, #tpu.memory_space<vmem>>
          %dma_wait3A_200 = tpu.memref_squeeze %dma_wait3A_199 : memref<1x16x128xi32, #tpu.memory_space<vmem>> -> memref<16x128xi32, #tpu.memory_space<vmem>>
          %dma_wait3A_201 = arith.constant 0 : i32
          %dma_wait3A_202 = tpu.memref_slice %arg2[%arg0, %mul3A_0, %dma_wait3A_201] : memref<2x2560x128xi32, #tpu.memory_space<hbm>> -> memref<1x16x128xi32, #tpu.memory_space<hbm>>
          %dma_wait3A_203 = tpu.memref_squeeze %dma_wait3A_202 : memref<1x16x128xi32, #tpu.memory_space<hbm>> -> memref<16x128xi32, #tpu.memory_space<hbm>>
          tpu.wait_dma2 semaphore(%dma_wait3A_196 : memref<!tpu.dma_semaphore, #tpu.memory_space<semaphore_mem>>) src(%dma_wait3A_203 : memref<16x128xi32, #tpu.memory_space<hbm>>) dst(%dma_wait3A_200 : memref<16x128xi32, #tpu.memory_space<vmem>>)
        } else {
        }
      } else {
      }
      %eq3A_105 = arith.constant 1 : i32
      %eq3A_106 = arith.cmpi eq, %rem3A_96, %eq3A_105 : i32
      %convert_element_type3A_107 = arith.extui %eq3A_106 : i1 to i32
      %cond3A_108 = arith.constant 0 : i32
      %cond3A_109 = arith.cmpi ne, %convert_element_type3A_107, %cond3A_108 : i32
      scf.if %cond3A_109 {
        %eq3A_171 = arith.constant 0 : i32
        %eq3A_172 = arith.cmpi eq, %rem3A_98, %eq3A_171 : i32
        %add3A_173 = arith.constant 2 : i32
        %add3A_174 = arith.addi %select_n3A, %add3A_173 : i32
        %lt3A = arith.constant 10 : i32
        %lt3A_175 = arith.cmpi slt, %add3A_174, %lt3A : i32
        %and3A_176 = arith.andi %eq3A_172, %lt3A_175 : i1
        %convert_element_type3A_177 = arith.extui %and3A_176 : i1 to i32
        %cond3A_178 = arith.constant 0 : i32
        %cond3A_179 = arith.cmpi ne, %convert_element_type3A_177, %cond3A_178 : i32
        scf.if %cond3A_179 {
          %add3A_200 = arith.constant 2 : i32
          %add3A_201 = arith.addi %select_n3A, %add3A_200 : i32
          %mul3A_202 = arith.constant 16 : i32
          %mul3A_203 = arith.muli %add3A_201, %mul3A_202 : i32
          %add3A_204 = arith.addi %mul3A_0, %mul3A_203 : i32
          %dma_start3A_205 = arith.constant 2 : i32
          %dma_start3A_206 = arith.constant 2 : i32
          %dma_start3A_207 = arith.constant 0 : i32
          %dma_start3A_208 = arith.constant 0 : i32
          %dma_start3A_209 = tpu.memref_slice %arg5[%dma_start3A_205, %dma_start3A_207, %dma_start3A_208] : memref<3x16x128xi32, #tpu.memory_space<vmem>> -> memref<1x16x128xi32, #tpu.memory_space<vmem>>
          %dma_start3A_210 = tpu.memref_squeeze %dma_start3A_209 : memref<1x16x128xi32, #tpu.memory_space<vmem>> -> memref<16x128xi32, #tpu.memory_space<vmem>>
          %dma_start3A_211 = arith.constant 0 : i32
          %dma_start3A_212 = tpu.memref_slice %arg2[%arg0, %add3A_204, %dma_start3A_211] : memref<2x2560x128xi32, #tpu.memory_space<hbm>> -> memref<1x16x128xi32, #tpu.memory_space<hbm>>
          %dma_start3A_213 = tpu.memref_squeeze %dma_start3A_212 : memref<1x16x128xi32, #tpu.memory_space<hbm>> -> memref<16x128xi32, #tpu.memory_space<hbm>>
          %dma_start3A_214 = tpu.memref_slice %arg8[%dma_start3A_206] : memref<3x!tpu.dma_semaphore, #tpu.memory_space<semaphore_mem>> -> memref<1x!tpu.dma_semaphore, #tpu.memory_space<semaphore_mem>>
          %dma_start3A_215 = tpu.memref_squeeze %dma_start3A_214 : memref<1x!tpu.dma_semaphore, #tpu.memory_space<semaphore_mem>> -> memref<!tpu.dma_semaphore, #tpu.memory_space<semaphore_mem>>
          %dma_start3A_216 = arith.constant 0 : i32
          %dma_start3A_217 = arith.constant 0 : i32
          %dma_start3A_218 = tpu.memref_slice %arg5[%dma_start3A_205, %dma_start3A_216, %dma_start3A_217] : memref<3x16x128xi32, #tpu.memory_space<vmem>> -> memref<1x16x128xi32, #tpu.memory_space<vmem>>
          %dma_start3A_219 = tpu.memref_squeeze %dma_start3A_218 : memref<1x16x128xi32, #tpu.memory_space<vmem>> -> memref<16x128xi32, #tpu.memory_space<vmem>>
          %dma_start3A_220 = arith.constant 0 : i32
          %dma_start3A_221 = tpu.memref_slice %arg2[%arg0, %add3A_204, %dma_start3A_220] : memref<2x2560x128xi32, #tpu.memory_space<hbm>> -> memref<1x16x128xi32, #tpu.memory_space<hbm>>
          %dma_start3A_222 = tpu.memref_squeeze %dma_start3A_221 : memref<1x16x128xi32, #tpu.memory_space<hbm>> -> memref<16x128xi32, #tpu.memory_space<hbm>>
          tpu.enqueue_dma source(%dma_start3A_222 : memref<16x128xi32, #tpu.memory_space<hbm>>) target(%dma_start3A_219 : memref<16x128xi32, #tpu.memory_space<vmem>>) target_semaphore(%dma_start3A_215 : memref<!tpu.dma_semaphore, #tpu.memory_space<semaphore_mem>>)
        } else {
        }
        %eq3A_180 = arith.constant 1 : i32
        %eq3A_181 = arith.cmpi eq, %rem3A_98, %eq3A_180 : i32
        %add3A_182 = arith.constant 2 : i32
        %add3A_183 = arith.addi %select_n3A, %add3A_182 : i32
        %lt3A_184 = arith.constant 10 : i32
        %lt3A_185 = arith.cmpi slt, %add3A_183, %lt3A_184 : i32
        %and3A_186 = arith.andi %eq3A_181, %lt3A_185 : i1
        %convert_element_type3A_187 = arith.extui %and3A_186 : i1 to i32
        %cond3A_188 = arith.constant 0 : i32
        %cond3A_189 = arith.cmpi ne, %convert_element_type3A_187, %cond3A_188 : i32
        scf.if %cond3A_189 {
          %add3A_200 = arith.constant 2 : i32
          %add3A_201 = arith.addi %select_n3A, %add3A_200 : i32
          %mul3A_202 = arith.constant 16 : i32
          %mul3A_203 = arith.muli %add3A_201, %mul3A_202 : i32
          %add3A_204 = arith.addi %mul3A_0, %mul3A_203 : i32
          %dma_start3A_205 = arith.constant 0 : i32
          %dma_start3A_206 = arith.constant 0 : i32
          %dma_start3A_207 = arith.constant 0 : i32
          %dma_start3A_208 = arith.constant 0 : i32
          %dma_start3A_209 = tpu.memref_slice %arg5[%dma_start3A_205, %dma_start3A_207, %dma_start3A_208] : memref<3x16x128xi32, #tpu.memory_space<vmem>> -> memref<1x16x128xi32, #tpu.memory_space<vmem>>
          %dma_start3A_210 = tpu.memref_squeeze %dma_start3A_209 : memref<1x16x128xi32, #tpu.memory_space<vmem>> -> memref<16x128xi32, #tpu.memory_space<vmem>>
          %dma_start3A_211 = arith.constant 0 : i32
          %dma_start3A_212 = tpu.memref_slice %arg2[%arg0, %add3A_204, %dma_start3A_211] : memref<2x2560x128xi32, #tpu.memory_space<hbm>> -> memref<1x16x128xi32, #tpu.memory_space<hbm>>
          %dma_start3A_213 = tpu.memref_squeeze %dma_start3A_212 : memref<1x16x128xi32, #tpu.memory_space<hbm>> -> memref<16x128xi32, #tpu.memory_space<hbm>>
          %dma_start3A_214 = tpu.memref_slice %arg8[%dma_start3A_206] : memref<3x!tpu.dma_semaphore, #tpu.memory_space<semaphore_mem>> -> memref<1x!tpu.dma_semaphore, #tpu.memory_space<semaphore_mem>>
          %dma_start3A_215 = tpu.memref_squeeze %dma_start3A_214 : memref<1x!tpu.dma_semaphore, #tpu.memory_space<semaphore_mem>> -> memref<!tpu.dma_semaphore, #tpu.memory_space<semaphore_mem>>
          %dma_start3A_216 = arith.constant 0 : i32
          %dma_start3A_217 = arith.constant 0 : i32
          %dma_start3A_218 = tpu.memref_slice %arg5[%dma_start3A_205, %dma_start3A_216, %dma_start3A_217] : memref<3x16x128xi32, #tpu.memory_space<vmem>> -> memref<1x16x128xi32, #tpu.memory_space<vmem>>
          %dma_start3A_219 = tpu.memref_squeeze %dma_start3A_218 : memref<1x16x128xi32, #tpu.memory_space<vmem>> -> memref<16x128xi32, #tpu.memory_space<vmem>>
          %dma_start3A_220 = arith.constant 0 : i32
          %dma_start3A_221 = tpu.memref_slice %arg2[%arg0, %add3A_204, %dma_start3A_220] : memref<2x2560x128xi32, #tpu.memory_space<hbm>> -> memref<1x16x128xi32, #tpu.memory_space<hbm>>
          %dma_start3A_222 = tpu.memref_squeeze %dma_start3A_221 : memref<1x16x128xi32, #tpu.memory_space<hbm>> -> memref<16x128xi32, #tpu.memory_space<hbm>>
          tpu.enqueue_dma source(%dma_start3A_222 : memref<16x128xi32, #tpu.memory_space<hbm>>) target(%dma_start3A_219 : memref<16x128xi32, #tpu.memory_space<vmem>>) target_semaphore(%dma_start3A_215 : memref<!tpu.dma_semaphore, #tpu.memory_space<semaphore_mem>>)
        } else {
        }
        %eq3A_190 = arith.constant 2 : i32
        %eq3A_191 = arith.cmpi eq, %rem3A_98, %eq3A_190 : i32
        %add3A_192 = arith.constant 2 : i32
        %add3A_193 = arith.addi %select_n3A, %add3A_192 : i32
        %lt3A_194 = arith.constant 10 : i32
        %lt3A_195 = arith.cmpi slt, %add3A_193, %lt3A_194 : i32
        %and3A_196 = arith.andi %eq3A_191, %lt3A_195 : i1
        %convert_element_type3A_197 = arith.extui %and3A_196 : i1 to i32
        %cond3A_198 = arith.constant 0 : i32
        %cond3A_199 = arith.cmpi ne, %convert_element_type3A_197, %cond3A_198 : i32
        scf.if %cond3A_199 {
          %add3A_200 = arith.constant 2 : i32
          %add3A_201 = arith.addi %select_n3A, %add3A_200 : i32
          %mul3A_202 = arith.constant 16 : i32
          %mul3A_203 = arith.muli %add3A_201, %mul3A_202 : i32
          %add3A_204 = arith.addi %mul3A_0, %mul3A_203 : i32
          %dma_start3A_205 = arith.constant 1 : i32
          %dma_start3A_206 = arith.constant 1 : i32
          %dma_start3A_207 = arith.constant 0 : i32
          %dma_start3A_208 = arith.constant 0 : i32
          %dma_start3A_209 = tpu.memref_slice %arg5[%dma_start3A_205, %dma_start3A_207, %dma_start3A_208] : memref<3x16x128xi32, #tpu.memory_space<vmem>> -> memref<1x16x128xi32, #tpu.memory_space<vmem>>
          %dma_start3A_210 = tpu.memref_squeeze %dma_start3A_209 : memref<1x16x128xi32, #tpu.memory_space<vmem>> -> memref<16x128xi32, #tpu.memory_space<vmem>>
          %dma_start3A_211 = arith.constant 0 : i32
          %dma_start3A_212 = tpu.memref_slice %arg2[%arg0, %add3A_204, %dma_start3A_211] : memref<2x2560x128xi32, #tpu.memory_space<hbm>> -> memref<1x16x128xi32, #tpu.memory_space<hbm>>
          %dma_start3A_213 = tpu.memref_squeeze %dma_start3A_212 : memref<1x16x128xi32, #tpu.memory_space<hbm>> -> memref<16x128xi32, #tpu.memory_space<hbm>>
          %dma_start3A_214 = tpu.memref_slice %arg8[%dma_start3A_206] : memref<3x!tpu.dma_semaphore, #tpu.memory_space<semaphore_mem>> -> memref<1x!tpu.dma_semaphore, #tpu.memory_space<semaphore_mem>>
          %dma_start3A_215 = tpu.memref_squeeze %dma_start3A_214 : memref<1x!tpu.dma_semaphore, #tpu.memory_space<semaphore_mem>> -> memref<!tpu.dma_semaphore, #tpu.memory_space<semaphore_mem>>
          %dma_start3A_216 = arith.constant 0 : i32
          %dma_start3A_217 = arith.constant 0 : i32
          %dma_start3A_218 = tpu.memref_slice %arg5[%dma_start3A_205, %dma_start3A_216, %dma_start3A_217] : memref<3x16x128xi32, #tpu.memory_space<vmem>> -> memref<1x16x128xi32, #tpu.memory_space<vmem>>
          %dma_start3A_219 = tpu.memref_squeeze %dma_start3A_218 : memref<1x16x128xi32, #tpu.memory_space<vmem>> -> memref<16x128xi32, #tpu.memory_space<vmem>>
          %dma_start3A_220 = arith.constant 0 : i32
          %dma_start3A_221 = tpu.memref_slice %arg2[%arg0, %add3A_204, %dma_start3A_220] : memref<2x2560x128xi32, #tpu.memory_space<hbm>> -> memref<1x16x128xi32, #tpu.memory_space<hbm>>
          %dma_start3A_222 = tpu.memref_squeeze %dma_start3A_221 : memref<1x16x128xi32, #tpu.memory_space<hbm>> -> memref<16x128xi32, #tpu.memory_space<hbm>>
          tpu.enqueue_dma source(%dma_start3A_222 : memref<16x128xi32, #tpu.memory_space<hbm>>) target(%dma_start3A_219 : memref<16x128xi32, #tpu.memory_space<vmem>>) target_semaphore(%dma_start3A_215 : memref<!tpu.dma_semaphore, #tpu.memory_space<semaphore_mem>>)
        } else {
        }
      } else {
      }
      %dma_start3A_110 = arith.constant 0 : i32
      %dma_start3A_111 = arith.constant 0 : i32
      %dma_start3A_112 = tpu.memref_slice %arg5[%rem3A_98, %rem3A_96, %dma_start3A_111] : memref<3x16x128xi32, #tpu.memory_space<vmem>> -> memref<1x1x128xi32, #tpu.memory_space<vmem>>
      %dma_start3A_113 = tpu.memref_squeeze %dma_start3A_112 : memref<1x1x128xi32, #tpu.memory_space<vmem>> -> memref<128xi32, #tpu.memory_space<vmem>>
      %dma_start3A_114 = arith.constant 0 : i32
      %dma_start3A_115 = tpu.memref_slice %arg7[%dma_start3A_114] : memref<10240xf32, #tpu.memory_space<vmem_shared>> -> memref<10240xf32, #tpu.memory_space<vmem_shared>>
      %dma_start3A_116 = tpu.memref_slice %arg9[%dma_start3A_110] : memref<2x!tpu.dma_semaphore, #tpu.memory_space<semaphore_mem>> -> memref<1x!tpu.dma_semaphore, #tpu.memory_space<semaphore_mem>>
      %dma_start3A_117 = tpu.memref_squeeze %dma_start3A_116 : memref<1x!tpu.dma_semaphore, #tpu.memory_space<semaphore_mem>> -> memref<!tpu.dma_semaphore, #tpu.memory_space<semaphore_mem>>
      tpu.enqueue_indirect_dma source(%arg6 : memref<128xf32, #tpu.memory_space<vmem>>) target(%dma_start3A_115 : memref<10240xf32, #tpu.memory_space<vmem_shared>>) offsets(%dma_start3A_113 : memref<128xi32, #tpu.memory_space<vmem>>) semaphore(%dma_start3A_117 : memref<!tpu.dma_semaphore, #tpu.memory_space<semaphore_mem>>) {add = true}
      %add3A_118 = arith.constant 1 : i32
      %add3A_119 = arith.addi %add3A_76, %add3A_118 : i32
      %jit3A_120 = arith.constant 16 : i32
      %div3A_121 = arith.divsi %add3A_119, %jit3A_120 : i32
      %sign3A_122 = arith.constant 0 : i32
      %sign3A_123 = arith.cmpi sgt, %add3A_119, %sign3A_122 : i32
      %sign3A_124 = arith.extui %sign3A_123 : i1 to i32
      %sign3A_125 = arith.constant 0 : i32
      %sign3A_126 = arith.cmpi slt, %add3A_119, %sign3A_125 : i32
      %sign3A_127 = arith.extui %sign3A_126 : i1 to i32
      %sign3A_128 = arith.subi %sign3A_124, %sign3A_127 : i32
      %sign3A_129 = arith.constant 0 : i32
      %sign3A_130 = arith.cmpi sgt, %jit3A_120, %sign3A_129 : i32
      %sign3A_131 = arith.extui %sign3A_130 : i1 to i32
      %sign3A_132 = arith.constant 0 : i32
      %sign3A_133 = arith.cmpi slt, %jit3A_120, %sign3A_132 : i32
      %sign3A_134 = arith.extui %sign3A_133 : i1 to i32
      %sign3A_135 = arith.subi %sign3A_131, %sign3A_134 : i32
      %ne3A_136 = arith.cmpi ne, %sign3A_128, %sign3A_135 : i32
      %rem3A_137 = arith.remsi %add3A_119, %jit3A_120 : i32
      %ne3A_138 = arith.constant 0 : i32
      %ne3A_139 = arith.cmpi ne, %rem3A_137, %ne3A_138 : i32
      %and3A_140 = arith.andi %ne3A_136, %ne3A_139 : i1
      %sub3A_141 = arith.constant 1 : i32
      %sub3A_142 = arith.subi %div3A_121, %sub3A_141 : i32
      %select_n3A_143 = arith.select %and3A_140, %sub3A_142, %div3A_121 : i32
      %rem3A_144 = arith.constant 16 : i32
      %rem3A_145 = arith.remsi %add3A_119, %rem3A_144 : i32
      %rem3A_146 = arith.constant 3 : i32
      %rem3A_147 = arith.remsi %select_n3A_143, %rem3A_146 : i32
      %ge3A_148 = arith.constant 2 : i32
      %ge3A_149 = arith.cmpi sge, %add3A_119, %ge3A_148 : i32
      %convert_element_type3A_150 = arith.extui %ge3A_149 : i1 to i32
      %cond3A_151 = arith.constant 0 : i32
      %cond3A_152 = arith.cmpi ne, %convert_element_type3A_150, %cond3A_151 : i32
      scf.if %cond3A_152 {
        %dma_wait3A_171 = arith.constant 0 : i32
        %dma_wait3A_172 = arith.constant 0 : i32
        %dma_wait3A_173 = arith.constant 1 : i32
        %dma_wait3A_174 = arith.constant 0 : i32
        %dma_wait3A_175 = tpu.memref_slice %arg5[%dma_wait3A_171, %dma_wait3A_172, %dma_wait3A_174] : memref<3x16x128xi32, #tpu.memory_space<vmem>> -> memref<1x1x128xi32, #tpu.memory_space<vmem>>
        %dma_wait3A_176 = tpu.memref_squeeze %dma_wait3A_175 : memref<1x1x128xi32, #tpu.memory_space<vmem>> -> memref<128xi32, #tpu.memory_space<vmem>>
        %dma_wait3A_177 = arith.constant 0 : i32
        %dma_wait3A_178 = tpu.memref_slice %arg7[%dma_wait3A_177] : memref<10240xf32, #tpu.memory_space<vmem_shared>> -> memref<10240xf32, #tpu.memory_space<vmem_shared>>
        %dma_wait3A_179 = tpu.memref_slice %arg9[%dma_wait3A_173] : memref<2x!tpu.dma_semaphore, #tpu.memory_space<semaphore_mem>> -> memref<1x!tpu.dma_semaphore, #tpu.memory_space<semaphore_mem>>
        %dma_wait3A_180 = tpu.memref_squeeze %dma_wait3A_179 : memref<1x!tpu.dma_semaphore, #tpu.memory_space<semaphore_mem>> -> memref<!tpu.dma_semaphore, #tpu.memory_space<semaphore_mem>>
        tpu.wait_indirect_dma semaphore(%dma_wait3A_180 : memref<!tpu.dma_semaphore, #tpu.memory_space<semaphore_mem>>) src(%arg6 : memref<128xf32, #tpu.memory_space<vmem>>) dst(%dma_wait3A_178 : memref<10240xf32, #tpu.memory_space<vmem_shared>>)
      } else {
      }
      %eq3A_153 = arith.constant 0 : i32
      %eq3A_154 = arith.cmpi eq, %rem3A_145, %eq3A_153 : i32
      %convert_element_type3A_155 = arith.extui %eq3A_154 : i1 to i32
      %cond3A_156 = arith.constant 0 : i32
      %cond3A_157 = arith.cmpi ne, %convert_element_type3A_155, %cond3A_156 : i32
      scf.if %cond3A_157 {
        %eq3A_171 = arith.constant 0 : i32
        %eq3A_172 = arith.cmpi eq, %rem3A_147, %eq3A_171 : i32
        %convert_element_type3A_173 = arith.extui %eq3A_172 : i1 to i32
        %cond3A_174 = arith.constant 0 : i32
        %cond3A_175 = arith.cmpi ne, %convert_element_type3A_173, %cond3A_174 : i32
        scf.if %cond3A_175 {
          %dma_wait3A_186 = arith.constant 0 : i32
          %dma_wait3A_187 = arith.constant 0 : i32
          %dma_wait3A_188 = arith.constant 0 : i32
          %dma_wait3A_189 = arith.constant 0 : i32
          %dma_wait3A_190 = tpu.memref_slice %arg5[%dma_wait3A_186, %dma_wait3A_188, %dma_wait3A_189] : memref<3x16x128xi32, #tpu.memory_space<vmem>> -> memref<1x16x128xi32, #tpu.memory_space<vmem>>
          %dma_wait3A_191 = tpu.memref_squeeze %dma_wait3A_190 : memref<1x16x128xi32, #tpu.memory_space<vmem>> -> memref<16x128xi32, #tpu.memory_space<vmem>>
          %dma_wait3A_192 = arith.constant 0 : i32
          %dma_wait3A_193 = tpu.memref_slice %arg2[%arg0, %mul3A_0, %dma_wait3A_192] : memref<2x2560x128xi32, #tpu.memory_space<hbm>> -> memref<1x16x128xi32, #tpu.memory_space<hbm>>
          %dma_wait3A_194 = tpu.memref_squeeze %dma_wait3A_193 : memref<1x16x128xi32, #tpu.memory_space<hbm>> -> memref<16x128xi32, #tpu.memory_space<hbm>>
          %dma_wait3A_195 = tpu.memref_slice %arg8[%dma_wait3A_187] : memref<3x!tpu.dma_semaphore, #tpu.memory_space<semaphore_mem>> -> memref<1x!tpu.dma_semaphore, #tpu.memory_space<semaphore_mem>>
          %dma_wait3A_196 = tpu.memref_squeeze %dma_wait3A_195 : memref<1x!tpu.dma_semaphore, #tpu.memory_space<semaphore_mem>> -> memref<!tpu.dma_semaphore, #tpu.memory_space<semaphore_mem>>
          %dma_wait3A_197 = arith.constant 0 : i32
          %dma_wait3A_198 = arith.constant 0 : i32
          %dma_wait3A_199 = tpu.memref_slice %arg5[%dma_wait3A_186, %dma_wait3A_197, %dma_wait3A_198] : memref<3x16x128xi32, #tpu.memory_space<vmem>> -> memref<1x16x128xi32, #tpu.memory_space<vmem>>
          %dma_wait3A_200 = tpu.memref_squeeze %dma_wait3A_199 : memref<1x16x128xi32, #tpu.memory_space<vmem>> -> memref<16x128xi32, #tpu.memory_space<vmem>>
          %dma_wait3A_201 = arith.constant 0 : i32
          %dma_wait3A_202 = tpu.memref_slice %arg2[%arg0, %mul3A_0, %dma_wait3A_201] : memref<2x2560x128xi32, #tpu.memory_space<hbm>> -> memref<1x16x128xi32, #tpu.memory_space<hbm>>
          %dma_wait3A_203 = tpu.memref_squeeze %dma_wait3A_202 : memref<1x16x128xi32, #tpu.memory_space<hbm>> -> memref<16x128xi32, #tpu.memory_space<hbm>>
          tpu.wait_dma2 semaphore(%dma_wait3A_196 : memref<!tpu.dma_semaphore, #tpu.memory_space<semaphore_mem>>) src(%dma_wait3A_203 : memref<16x128xi32, #tpu.memory_space<hbm>>) dst(%dma_wait3A_200 : memref<16x128xi32, #tpu.memory_space<vmem>>)
        } else {
        }
        %eq3A_176 = arith.constant 1 : i32
        %eq3A_177 = arith.cmpi eq, %rem3A_147, %eq3A_176 : i32
        %convert_element_type3A_178 = arith.extui %eq3A_177 : i1 to i32
        %cond3A_179 = arith.constant 0 : i32
        %cond3A_180 = arith.cmpi ne, %convert_element_type3A_178, %cond3A_179 : i32
        scf.if %cond3A_180 {
          %dma_wait3A_186 = arith.constant 1 : i32
          %dma_wait3A_187 = arith.constant 1 : i32
          %dma_wait3A_188 = arith.constant 0 : i32
          %dma_wait3A_189 = arith.constant 0 : i32
          %dma_wait3A_190 = tpu.memref_slice %arg5[%dma_wait3A_186, %dma_wait3A_188, %dma_wait3A_189] : memref<3x16x128xi32, #tpu.memory_space<vmem>> -> memref<1x16x128xi32, #tpu.memory_space<vmem>>
          %dma_wait3A_191 = tpu.memref_squeeze %dma_wait3A_190 : memref<1x16x128xi32, #tpu.memory_space<vmem>> -> memref<16x128xi32, #tpu.memory_space<vmem>>
          %dma_wait3A_192 = arith.constant 0 : i32
          %dma_wait3A_193 = tpu.memref_slice %arg2[%arg0, %mul3A_0, %dma_wait3A_192] : memref<2x2560x128xi32, #tpu.memory_space<hbm>> -> memref<1x16x128xi32, #tpu.memory_space<hbm>>
          %dma_wait3A_194 = tpu.memref_squeeze %dma_wait3A_193 : memref<1x16x128xi32, #tpu.memory_space<hbm>> -> memref<16x128xi32, #tpu.memory_space<hbm>>
          %dma_wait3A_195 = tpu.memref_slice %arg8[%dma_wait3A_187] : memref<3x!tpu.dma_semaphore, #tpu.memory_space<semaphore_mem>> -> memref<1x!tpu.dma_semaphore, #tpu.memory_space<semaphore_mem>>
          %dma_wait3A_196 = tpu.memref_squeeze %dma_wait3A_195 : memref<1x!tpu.dma_semaphore, #tpu.memory_space<semaphore_mem>> -> memref<!tpu.dma_semaphore, #tpu.memory_space<semaphore_mem>>
          %dma_wait3A_197 = arith.constant 0 : i32
          %dma_wait3A_198 = arith.constant 0 : i32
          %dma_wait3A_199 = tpu.memref_slice %arg5[%dma_wait3A_186, %dma_wait3A_197, %dma_wait3A_198] : memref<3x16x128xi32, #tpu.memory_space<vmem>> -> memref<1x16x128xi32, #tpu.memory_space<vmem>>
          %dma_wait3A_200 = tpu.memref_squeeze %dma_wait3A_199 : memref<1x16x128xi32, #tpu.memory_space<vmem>> -> memref<16x128xi32, #tpu.memory_space<vmem>>
          %dma_wait3A_201 = arith.constant 0 : i32
          %dma_wait3A_202 = tpu.memref_slice %arg2[%arg0, %mul3A_0, %dma_wait3A_201] : memref<2x2560x128xi32, #tpu.memory_space<hbm>> -> memref<1x16x128xi32, #tpu.memory_space<hbm>>
          %dma_wait3A_203 = tpu.memref_squeeze %dma_wait3A_202 : memref<1x16x128xi32, #tpu.memory_space<hbm>> -> memref<16x128xi32, #tpu.memory_space<hbm>>
          tpu.wait_dma2 semaphore(%dma_wait3A_196 : memref<!tpu.dma_semaphore, #tpu.memory_space<semaphore_mem>>) src(%dma_wait3A_203 : memref<16x128xi32, #tpu.memory_space<hbm>>) dst(%dma_wait3A_200 : memref<16x128xi32, #tpu.memory_space<vmem>>)
        } else {
        }
        %eq3A_181 = arith.constant 2 : i32
        %eq3A_182 = arith.cmpi eq, %rem3A_147, %eq3A_181 : i32
        %convert_element_type3A_183 = arith.extui %eq3A_182 : i1 to i32
        %cond3A_184 = arith.constant 0 : i32
        %cond3A_185 = arith.cmpi ne, %convert_element_type3A_183, %cond3A_184 : i32
        scf.if %cond3A_185 {
          %dma_wait3A_186 = arith.constant 2 : i32
          %dma_wait3A_187 = arith.constant 2 : i32
          %dma_wait3A_188 = arith.constant 0 : i32
          %dma_wait3A_189 = arith.constant 0 : i32
          %dma_wait3A_190 = tpu.memref_slice %arg5[%dma_wait3A_186, %dma_wait3A_188, %dma_wait3A_189] : memref<3x16x128xi32, #tpu.memory_space<vmem>> -> memref<1x16x128xi32, #tpu.memory_space<vmem>>
          %dma_wait3A_191 = tpu.memref_squeeze %dma_wait3A_190 : memref<1x16x128xi32, #tpu.memory_space<vmem>> -> memref<16x128xi32, #tpu.memory_space<vmem>>
          %dma_wait3A_192 = arith.constant 0 : i32
          %dma_wait3A_193 = tpu.memref_slice %arg2[%arg0, %mul3A_0, %dma_wait3A_192] : memref<2x2560x128xi32, #tpu.memory_space<hbm>> -> memref<1x16x128xi32, #tpu.memory_space<hbm>>
          %dma_wait3A_194 = tpu.memref_squeeze %dma_wait3A_193 : memref<1x16x128xi32, #tpu.memory_space<hbm>> -> memref<16x128xi32, #tpu.memory_space<hbm>>
          %dma_wait3A_195 = tpu.memref_slice %arg8[%dma_wait3A_187] : memref<3x!tpu.dma_semaphore, #tpu.memory_space<semaphore_mem>> -> memref<1x!tpu.dma_semaphore, #tpu.memory_space<semaphore_mem>>
          %dma_wait3A_196 = tpu.memref_squeeze %dma_wait3A_195 : memref<1x!tpu.dma_semaphore, #tpu.memory_space<semaphore_mem>> -> memref<!tpu.dma_semaphore, #tpu.memory_space<semaphore_mem>>
          %dma_wait3A_197 = arith.constant 0 : i32
          %dma_wait3A_198 = arith.constant 0 : i32
          %dma_wait3A_199 = tpu.memref_slice %arg5[%dma_wait3A_186, %dma_wait3A_197, %dma_wait3A_198] : memref<3x16x128xi32, #tpu.memory_space<vmem>> -> memref<1x16x128xi32, #tpu.memory_space<vmem>>
          %dma_wait3A_200 = tpu.memref_squeeze %dma_wait3A_199 : memref<1x16x128xi32, #tpu.memory_space<vmem>> -> memref<16x128xi32, #tpu.memory_space<vmem>>
          %dma_wait3A_201 = arith.constant 0 : i32
          %dma_wait3A_202 = tpu.memref_slice %arg2[%arg0, %mul3A_0, %dma_wait3A_201] : memref<2x2560x128xi32, #tpu.memory_space<hbm>> -> memref<1x16x128xi32, #tpu.memory_space<hbm>>
          %dma_wait3A_203 = tpu.memref_squeeze %dma_wait3A_202 : memref<1x16x128xi32, #tpu.memory_space<hbm>> -> memref<16x128xi32, #tpu.memory_space<hbm>>
          tpu.wait_dma2 semaphore(%dma_wait3A_196 : memref<!tpu.dma_semaphore, #tpu.memory_space<semaphore_mem>>) src(%dma_wait3A_203 : memref<16x128xi32, #tpu.memory_space<hbm>>) dst(%dma_wait3A_200 : memref<16x128xi32, #tpu.memory_space<vmem>>)
        } else {
        }
      } else {
      }
      %eq3A_158 = arith.constant 1 : i32
      %eq3A_159 = arith.cmpi eq, %rem3A_145, %eq3A_158 : i32
      %convert_element_type3A_160 = arith.extui %eq3A_159 : i1 to i32
      %cond3A_161 = arith.constant 0 : i32
      %cond3A_162 = arith.cmpi ne, %convert_element_type3A_160, %cond3A_161 : i32
      scf.if %cond3A_162 {
        %eq3A_171 = arith.constant 0 : i32
        %eq3A_172 = arith.cmpi eq, %rem3A_147, %eq3A_171 : i32
        %add3A_173 = arith.constant 2 : i32
        %add3A_174 = arith.addi %select_n3A_143, %add3A_173 : i32
        %lt3A = arith.constant 10 : i32
        %lt3A_175 = arith.cmpi slt, %add3A_174, %lt3A : i32
        %and3A_176 = arith.andi %eq3A_172, %lt3A_175 : i1
        %convert_element_type3A_177 = arith.extui %and3A_176 : i1 to i32
        %cond3A_178 = arith.constant 0 : i32
        %cond3A_179 = arith.cmpi ne, %convert_element_type3A_177, %cond3A_178 : i32
        scf.if %cond3A_179 {
          %add3A_200 = arith.constant 2 : i32
          %add3A_201 = arith.addi %select_n3A_143, %add3A_200 : i32
          %mul3A_202 = arith.constant 16 : i32
          %mul3A_203 = arith.muli %add3A_201, %mul3A_202 : i32
          %add3A_204 = arith.addi %mul3A_0, %mul3A_203 : i32
          %dma_start3A_205 = arith.constant 2 : i32
          %dma_start3A_206 = arith.constant 2 : i32
          %dma_start3A_207 = arith.constant 0 : i32
          %dma_start3A_208 = arith.constant 0 : i32
          %dma_start3A_209 = tpu.memref_slice %arg5[%dma_start3A_205, %dma_start3A_207, %dma_start3A_208] : memref<3x16x128xi32, #tpu.memory_space<vmem>> -> memref<1x16x128xi32, #tpu.memory_space<vmem>>
          %dma_start3A_210 = tpu.memref_squeeze %dma_start3A_209 : memref<1x16x128xi32, #tpu.memory_space<vmem>> -> memref<16x128xi32, #tpu.memory_space<vmem>>
          %dma_start3A_211 = arith.constant 0 : i32
          %dma_start3A_212 = tpu.memref_slice %arg2[%arg0, %add3A_204, %dma_start3A_211] : memref<2x2560x128xi32, #tpu.memory_space<hbm>> -> memref<1x16x128xi32, #tpu.memory_space<hbm>>
          %dma_start3A_213 = tpu.memref_squeeze %dma_start3A_212 : memref<1x16x128xi32, #tpu.memory_space<hbm>> -> memref<16x128xi32, #tpu.memory_space<hbm>>
          %dma_start3A_214 = tpu.memref_slice %arg8[%dma_start3A_206] : memref<3x!tpu.dma_semaphore, #tpu.memory_space<semaphore_mem>> -> memref<1x!tpu.dma_semaphore, #tpu.memory_space<semaphore_mem>>
          %dma_start3A_215 = tpu.memref_squeeze %dma_start3A_214 : memref<1x!tpu.dma_semaphore, #tpu.memory_space<semaphore_mem>> -> memref<!tpu.dma_semaphore, #tpu.memory_space<semaphore_mem>>
          %dma_start3A_216 = arith.constant 0 : i32
          %dma_start3A_217 = arith.constant 0 : i32
          %dma_start3A_218 = tpu.memref_slice %arg5[%dma_start3A_205, %dma_start3A_216, %dma_start3A_217] : memref<3x16x128xi32, #tpu.memory_space<vmem>> -> memref<1x16x128xi32, #tpu.memory_space<vmem>>
          %dma_start3A_219 = tpu.memref_squeeze %dma_start3A_218 : memref<1x16x128xi32, #tpu.memory_space<vmem>> -> memref<16x128xi32, #tpu.memory_space<vmem>>
          %dma_start3A_220 = arith.constant 0 : i32
          %dma_start3A_221 = tpu.memref_slice %arg2[%arg0, %add3A_204, %dma_start3A_220] : memref<2x2560x128xi32, #tpu.memory_space<hbm>> -> memref<1x16x128xi32, #tpu.memory_space<hbm>>
          %dma_start3A_222 = tpu.memref_squeeze %dma_start3A_221 : memref<1x16x128xi32, #tpu.memory_space<hbm>> -> memref<16x128xi32, #tpu.memory_space<hbm>>
          tpu.enqueue_dma source(%dma_start3A_222 : memref<16x128xi32, #tpu.memory_space<hbm>>) target(%dma_start3A_219 : memref<16x128xi32, #tpu.memory_space<vmem>>) target_semaphore(%dma_start3A_215 : memref<!tpu.dma_semaphore, #tpu.memory_space<semaphore_mem>>)
        } else {
        }
        %eq3A_180 = arith.constant 1 : i32
        %eq3A_181 = arith.cmpi eq, %rem3A_147, %eq3A_180 : i32
        %add3A_182 = arith.constant 2 : i32
        %add3A_183 = arith.addi %select_n3A_143, %add3A_182 : i32
        %lt3A_184 = arith.constant 10 : i32
        %lt3A_185 = arith.cmpi slt, %add3A_183, %lt3A_184 : i32
        %and3A_186 = arith.andi %eq3A_181, %lt3A_185 : i1
        %convert_element_type3A_187 = arith.extui %and3A_186 : i1 to i32
        %cond3A_188 = arith.constant 0 : i32
        %cond3A_189 = arith.cmpi ne, %convert_element_type3A_187, %cond3A_188 : i32
        scf.if %cond3A_189 {
          %add3A_200 = arith.constant 2 : i32
          %add3A_201 = arith.addi %select_n3A_143, %add3A_200 : i32
          %mul3A_202 = arith.constant 16 : i32
          %mul3A_203 = arith.muli %add3A_201, %mul3A_202 : i32
          %add3A_204 = arith.addi %mul3A_0, %mul3A_203 : i32
          %dma_start3A_205 = arith.constant 0 : i32
          %dma_start3A_206 = arith.constant 0 : i32
          %dma_start3A_207 = arith.constant 0 : i32
          %dma_start3A_208 = arith.constant 0 : i32
          %dma_start3A_209 = tpu.memref_slice %arg5[%dma_start3A_205, %dma_start3A_207, %dma_start3A_208] : memref<3x16x128xi32, #tpu.memory_space<vmem>> -> memref<1x16x128xi32, #tpu.memory_space<vmem>>
          %dma_start3A_210 = tpu.memref_squeeze %dma_start3A_209 : memref<1x16x128xi32, #tpu.memory_space<vmem>> -> memref<16x128xi32, #tpu.memory_space<vmem>>
          %dma_start3A_211 = arith.constant 0 : i32
          %dma_start3A_212 = tpu.memref_slice %arg2[%arg0, %add3A_204, %dma_start3A_211] : memref<2x2560x128xi32, #tpu.memory_space<hbm>> -> memref<1x16x128xi32, #tpu.memory_space<hbm>>
          %dma_start3A_213 = tpu.memref_squeeze %dma_start3A_212 : memref<1x16x128xi32, #tpu.memory_space<hbm>> -> memref<16x128xi32, #tpu.memory_space<hbm>>
          %dma_start3A_214 = tpu.memref_slice %arg8[%dma_start3A_206] : memref<3x!tpu.dma_semaphore, #tpu.memory_space<semaphore_mem>> -> memref<1x!tpu.dma_semaphore, #tpu.memory_space<semaphore_mem>>
          %dma_start3A_215 = tpu.memref_squeeze %dma_start3A_214 : memref<1x!tpu.dma_semaphore, #tpu.memory_space<semaphore_mem>> -> memref<!tpu.dma_semaphore, #tpu.memory_space<semaphore_mem>>
          %dma_start3A_216 = arith.constant 0 : i32
          %dma_start3A_217 = arith.constant 0 : i32
          %dma_start3A_218 = tpu.memref_slice %arg5[%dma_start3A_205, %dma_start3A_216, %dma_start3A_217] : memref<3x16x128xi32, #tpu.memory_space<vmem>> -> memref<1x16x128xi32, #tpu.memory_space<vmem>>
          %dma_start3A_219 = tpu.memref_squeeze %dma_start3A_218 : memref<1x16x128xi32, #tpu.memory_space<vmem>> -> memref<16x128xi32, #tpu.memory_space<vmem>>
          %dma_start3A_220 = arith.constant 0 : i32
          %dma_start3A_221 = tpu.memref_slice %arg2[%arg0, %add3A_204, %dma_start3A_220] : memref<2x2560x128xi32, #tpu.memory_space<hbm>> -> memref<1x16x128xi32, #tpu.memory_space<hbm>>
          %dma_start3A_222 = tpu.memref_squeeze %dma_start3A_221 : memref<1x16x128xi32, #tpu.memory_space<hbm>> -> memref<16x128xi32, #tpu.memory_space<hbm>>
          tpu.enqueue_dma source(%dma_start3A_222 : memref<16x128xi32, #tpu.memory_space<hbm>>) target(%dma_start3A_219 : memref<16x128xi32, #tpu.memory_space<vmem>>) target_semaphore(%dma_start3A_215 : memref<!tpu.dma_semaphore, #tpu.memory_space<semaphore_mem>>)
        } else {
        }
        %eq3A_190 = arith.constant 2 : i32
        %eq3A_191 = arith.cmpi eq, %rem3A_147, %eq3A_190 : i32
        %add3A_192 = arith.constant 2 : i32
        %add3A_193 = arith.addi %select_n3A_143, %add3A_192 : i32
        %lt3A_194 = arith.constant 10 : i32
        %lt3A_195 = arith.cmpi slt, %add3A_193, %lt3A_194 : i32
        %and3A_196 = arith.andi %eq3A_191, %lt3A_195 : i1
        %convert_element_type3A_197 = arith.extui %and3A_196 : i1 to i32
        %cond3A_198 = arith.constant 0 : i32
        %cond3A_199 = arith.cmpi ne, %convert_element_type3A_197, %cond3A_198 : i32
        scf.if %cond3A_199 {
          %add3A_200 = arith.constant 2 : i32
          %add3A_201 = arith.addi %select_n3A_143, %add3A_200 : i32
          %mul3A_202 = arith.constant 16 : i32
          %mul3A_203 = arith.muli %add3A_201, %mul3A_202 : i32
          %add3A_204 = arith.addi %mul3A_0, %mul3A_203 : i32
          %dma_start3A_205 = arith.constant 1 : i32
          %dma_start3A_206 = arith.constant 1 : i32
          %dma_start3A_207 = arith.constant 0 : i32
          %dma_start3A_208 = arith.constant 0 : i32
          %dma_start3A_209 = tpu.memref_slice %arg5[%dma_start3A_205, %dma_start3A_207, %dma_start3A_208] : memref<3x16x128xi32, #tpu.memory_space<vmem>> -> memref<1x16x128xi32, #tpu.memory_space<vmem>>
          %dma_start3A_210 = tpu.memref_squeeze %dma_start3A_209 : memref<1x16x128xi32, #tpu.memory_space<vmem>> -> memref<16x128xi32, #tpu.memory_space<vmem>>
          %dma_start3A_211 = arith.constant 0 : i32
          %dma_start3A_212 = tpu.memref_slice %arg2[%arg0, %add3A_204, %dma_start3A_211] : memref<2x2560x128xi32, #tpu.memory_space<hbm>> -> memref<1x16x128xi32, #tpu.memory_space<hbm>>
          %dma_start3A_213 = tpu.memref_squeeze %dma_start3A_212 : memref<1x16x128xi32, #tpu.memory_space<hbm>> -> memref<16x128xi32, #tpu.memory_space<hbm>>
          %dma_start3A_214 = tpu.memref_slice %arg8[%dma_start3A_206] : memref<3x!tpu.dma_semaphore, #tpu.memory_space<semaphore_mem>> -> memref<1x!tpu.dma_semaphore, #tpu.memory_space<semaphore_mem>>
          %dma_start3A_215 = tpu.memref_squeeze %dma_start3A_214 : memref<1x!tpu.dma_semaphore, #tpu.memory_space<semaphore_mem>> -> memref<!tpu.dma_semaphore, #tpu.memory_space<semaphore_mem>>
          %dma_start3A_216 = arith.constant 0 : i32
          %dma_start3A_217 = arith.constant 0 : i32
          %dma_start3A_218 = tpu.memref_slice %arg5[%dma_start3A_205, %dma_start3A_216, %dma_start3A_217] : memref<3x16x128xi32, #tpu.memory_space<vmem>> -> memref<1x16x128xi32, #tpu.memory_space<vmem>>
          %dma_start3A_219 = tpu.memref_squeeze %dma_start3A_218 : memref<1x16x128xi32, #tpu.memory_space<vmem>> -> memref<16x128xi32, #tpu.memory_space<vmem>>
          %dma_start3A_220 = arith.constant 0 : i32
          %dma_start3A_221 = tpu.memref_slice %arg2[%arg0, %add3A_204, %dma_start3A_220] : memref<2x2560x128xi32, #tpu.memory_space<hbm>> -> memref<1x16x128xi32, #tpu.memory_space<hbm>>
          %dma_start3A_222 = tpu.memref_squeeze %dma_start3A_221 : memref<1x16x128xi32, #tpu.memory_space<hbm>> -> memref<16x128xi32, #tpu.memory_space<hbm>>
          tpu.enqueue_dma source(%dma_start3A_222 : memref<16x128xi32, #tpu.memory_space<hbm>>) target(%dma_start3A_219 : memref<16x128xi32, #tpu.memory_space<vmem>>) target_semaphore(%dma_start3A_215 : memref<!tpu.dma_semaphore, #tpu.memory_space<semaphore_mem>>)
        } else {
        }
      } else {
      }
      %dma_start3A_163 = arith.constant 1 : i32
      %dma_start3A_164 = arith.constant 0 : i32
      %dma_start3A_165 = tpu.memref_slice %arg5[%rem3A_147, %rem3A_145, %dma_start3A_164] : memref<3x16x128xi32, #tpu.memory_space<vmem>> -> memref<1x1x128xi32, #tpu.memory_space<vmem>>
      %dma_start3A_166 = tpu.memref_squeeze %dma_start3A_165 : memref<1x1x128xi32, #tpu.memory_space<vmem>> -> memref<128xi32, #tpu.memory_space<vmem>>
      %dma_start3A_167 = arith.constant 0 : i32
      %dma_start3A_168 = tpu.memref_slice %arg7[%dma_start3A_167] : memref<10240xf32, #tpu.memory_space<vmem_shared>> -> memref<10240xf32, #tpu.memory_space<vmem_shared>>
      %dma_start3A_169 = tpu.memref_slice %arg9[%dma_start3A_163] : memref<2x!tpu.dma_semaphore, #tpu.memory_space<semaphore_mem>> -> memref<1x!tpu.dma_semaphore, #tpu.memory_space<semaphore_mem>>
      %dma_start3A_170 = tpu.memref_squeeze %dma_start3A_169 : memref<1x!tpu.dma_semaphore, #tpu.memory_space<semaphore_mem>> -> memref<!tpu.dma_semaphore, #tpu.memory_space<semaphore_mem>>
      tpu.enqueue_indirect_dma source(%arg6 : memref<128xf32, #tpu.memory_space<vmem>>) target(%dma_start3A_168 : memref<10240xf32, #tpu.memory_space<vmem_shared>>) offsets(%dma_start3A_166 : memref<128xi32, #tpu.memory_space<vmem>>) semaphore(%dma_start3A_170 : memref<!tpu.dma_semaphore, #tpu.memory_space<semaphore_mem>>) {add = true}
    }
    %scan3A_49 = arith.constant 80 : i32
    %dma_wait3A = arith.constant 0 : i32
    %dma_wait3A_50 = arith.constant 0 : i32
    %dma_wait3A_51 = arith.constant 0 : i32
    %dma_wait3A_52 = arith.constant 0 : i32
    %dma_wait3A_53 = tpu.memref_slice %arg5[%dma_wait3A, %dma_wait3A_50, %dma_wait3A_52] : memref<3x16x128xi32, #tpu.memory_space<vmem>> -> memref<1x1x128xi32, #tpu.memory_space<vmem>>
    %dma_wait3A_54 = tpu.memref_squeeze %dma_wait3A_53 : memref<1x1x128xi32, #tpu.memory_space<vmem>> -> memref<128xi32, #tpu.memory_space<vmem>>
    %dma_wait3A_55 = arith.constant 0 : i32
    %dma_wait3A_56 = tpu.memref_slice %arg7[%dma_wait3A_55] : memref<10240xf32, #tpu.memory_space<vmem_shared>> -> memref<10240xf32, #tpu.memory_space<vmem_shared>>
    %dma_wait3A_57 = tpu.memref_slice %arg9[%dma_wait3A_51] : memref<2x!tpu.dma_semaphore, #tpu.memory_space<semaphore_mem>> -> memref<1x!tpu.dma_semaphore, #tpu.memory_space<semaphore_mem>>
    %dma_wait3A_58 = tpu.memref_squeeze %dma_wait3A_57 : memref<1x!tpu.dma_semaphore, #tpu.memory_space<semaphore_mem>> -> memref<!tpu.dma_semaphore, #tpu.memory_space<semaphore_mem>>
    tpu.wait_indirect_dma semaphore(%dma_wait3A_58 : memref<!tpu.dma_semaphore, #tpu.memory_space<semaphore_mem>>) src(%arg6 : memref<128xf32, #tpu.memory_space<vmem>>) dst(%dma_wait3A_56 : memref<10240xf32, #tpu.memory_space<vmem_shared>>)
    %dma_wait3A_59 = arith.constant 0 : i32
    %dma_wait3A_60 = arith.constant 0 : i32
    %dma_wait3A_61 = arith.constant 1 : i32
    %dma_wait3A_62 = arith.constant 0 : i32
    %dma_wait3A_63 = tpu.memref_slice %arg5[%dma_wait3A_59, %dma_wait3A_60, %dma_wait3A_62] : memref<3x16x128xi32, #tpu.memory_space<vmem>> -> memref<1x1x128xi32, #tpu.memory_space<vmem>>
    %dma_wait3A_64 = tpu.memref_squeeze %dma_wait3A_63 : memref<1x1x128xi32, #tpu.memory_space<vmem>> -> memref<128xi32, #tpu.memory_space<vmem>>
    %dma_wait3A_65 = arith.constant 0 : i32
    %dma_wait3A_66 = tpu.memref_slice %arg7[%dma_wait3A_65] : memref<10240xf32, #tpu.memory_space<vmem_shared>> -> memref<10240xf32, #tpu.memory_space<vmem_shared>>
    %dma_wait3A_67 = tpu.memref_slice %arg9[%dma_wait3A_61] : memref<2x!tpu.dma_semaphore, #tpu.memory_space<semaphore_mem>> -> memref<1x!tpu.dma_semaphore, #tpu.memory_space<semaphore_mem>>
    %dma_wait3A_68 = tpu.memref_squeeze %dma_wait3A_67 : memref<1x!tpu.dma_semaphore, #tpu.memory_space<semaphore_mem>> -> memref<!tpu.dma_semaphore, #tpu.memory_space<semaphore_mem>>
    tpu.wait_indirect_dma semaphore(%dma_wait3A_68 : memref<!tpu.dma_semaphore, #tpu.memory_space<semaphore_mem>>) src(%arg6 : memref<128xf32, #tpu.memory_space<vmem>>) dst(%dma_wait3A_66 : memref<10240xf32, #tpu.memory_space<vmem_shared>>)
    %barrier3A_69 = arith.constant 0 : index
    tpu.barrier barrier_id(%barrier3A_69)
    %mul3A_70 = arith.constant 640 : i32
    %mul3A_71 = arith.muli %arg1, %mul3A_70 : i32
    "tpu.region"() ({
      %run_scoped3A = tpu.sem_alloc : memref<!tpu.dma_semaphore, #tpu.memory_space<semaphore_mem>>
      %dma_start3A_72 = tpu.memref_slice %arg4[%arg0, %mul3A_71] : memref<2x10240xf32, #tpu.memory_space<hbm>> -> memref<1x640xf32, #tpu.memory_space<hbm>>
      %dma_start3A_73 = tpu.memref_squeeze %dma_start3A_72 : memref<1x640xf32, #tpu.memory_space<hbm>> -> memref<640xf32, #tpu.memory_space<hbm>>
      %dma_start3A_74 = tpu.memref_slice %arg7[%mul3A_71] : memref<10240xf32, #tpu.memory_space<vmem_shared>> -> memref<640xf32, #tpu.memory_space<vmem_shared>>
      tpu.enqueue_dma source(%dma_start3A_74 : memref<640xf32, #tpu.memory_space<vmem_shared>>) target(%dma_start3A_73 : memref<640xf32, #tpu.memory_space<hbm>>) target_semaphore(%run_scoped3A : memref<!tpu.dma_semaphore, #tpu.memory_space<semaphore_mem>>)
      %dma_wait3A_75 = tpu.memref_slice %arg4[%arg0, %mul3A_71] : memref<2x10240xf32, #tpu.memory_space<hbm>> -> memref<1x640xf32, #tpu.memory_space<hbm>>
      %dma_wait3A_76 = tpu.memref_squeeze %dma_wait3A_75 : memref<1x640xf32, #tpu.memory_space<hbm>> -> memref<640xf32, #tpu.memory_space<hbm>>
      %dma_wait3A_77 = tpu.memref_slice %arg7[%mul3A_71] : memref<10240xf32, #tpu.memory_space<vmem_shared>> -> memref<640xf32, #tpu.memory_space<vmem_shared>>
      tpu.wait_dma2 semaphore(%run_scoped3A : memref<!tpu.dma_semaphore, #tpu.memory_space<semaphore_mem>>) src(%dma_wait3A_77 : memref<640xf32, #tpu.memory_space<vmem_shared>>) dst(%dma_wait3A_76 : memref<640xf32, #tpu.memory_space<hbm>>)
      tpu.yield
    }) : () -> ()
    return
  }
}

#map = affine_map<(d0, d1) -> (0, 0)>
#map1 = affine_map<(d0, d1) -> (0, 0, 0)>
module attributes {stable_mosaic.version = 14 : i64} {
  func.func @k(%arg0: i32, %arg1: i32, %arg2: memref<20480x128xf32, #tpu.memory_space<hbm>>, %arg3: memref<2x2560x128xi32, #tpu.memory_space<hbm>>, %arg4: memref<2x2560x128xi32, #tpu.memory_space<hbm>>, %arg5: memref<2x10240x128xf32, #tpu.memory_space<hbm>>, %arg6: memref<3x16x128xi32, #tpu.memory_space<vmem>>, %arg7: memref<3x16x128xi32, #tpu.memory_space<vmem>>, %arg8: memref<2x128x128xf32, #tpu.memory_space<vmem>>, %arg9: memref<10240x128xf32, #tpu.memory_space<vmem_shared>>, %arg10: memref<3x!tpu.dma_semaphore, #tpu.memory_space<semaphore_mem>>, %arg11: memref<3x!tpu.dma_semaphore, #tpu.memory_space<semaphore_mem>>, %arg12: memref<2x!tpu.dma_semaphore, #tpu.memory_space<semaphore_mem>>, %arg13: memref<2x!tpu.dma_semaphore, #tpu.memory_space<semaphore_mem>>) attributes {dimension_semantics = [#tpu.dimension_semantics<core_parallel>, #tpu.dimension_semantics<subcore_parallel>], iteration_bounds = array<i64: 2, 16>, scalar_prefetch = 0 : i64, scratch_operands = 8 : i64, tpu.core_type = #tpu.core_type<sc_vector_subcore>, window_params = [{transform_indices = #map}, {transform_indices = #map1}, {transform_indices = #map1}, {transform_indices = #map1}]} {
    %mul3A = arith.constant 160 : i32
    %mul3A_0 = arith.muli %arg1, %mul3A : i32
    %add3A = arith.constant 0 : i32
    %add3A_1 = arith.addi %mul3A_0, %add3A : i32
    %dma_start3A = arith.constant 0 : i32
    %dma_start3A_2 = arith.constant 0 : i32
    %dma_start3A_3 = arith.constant 0 : i32
    %dma_start3A_4 = arith.constant 0 : i32
    %dma_start3A_5 = tpu.memref_slice %arg6[%dma_start3A, %dma_start3A_3, %dma_start3A_4] : memref<3x16x128xi32, #tpu.memory_space<vmem>> -> memref<1x16x128xi32, #tpu.memory_space<vmem>>
    %dma_start3A_6 = tpu.memref_squeeze %dma_start3A_5 : memref<1x16x128xi32, #tpu.memory_space<vmem>> -> memref<16x128xi32, #tpu.memory_space<vmem>>
    %dma_start3A_7 = arith.constant 0 : i32
    %dma_start3A_8 = tpu.memref_slice %arg3[%arg0, %add3A_1, %dma_start3A_7] : memref<2x2560x128xi32, #tpu.memory_space<hbm>> -> memref<1x16x128xi32, #tpu.memory_space<hbm>>
    %dma_start3A_9 = tpu.memref_squeeze %dma_start3A_8 : memref<1x16x128xi32, #tpu.memory_space<hbm>> -> memref<16x128xi32, #tpu.memory_space<hbm>>
    %dma_start3A_10 = tpu.memref_slice %arg10[%dma_start3A_2] : memref<3x!tpu.dma_semaphore, #tpu.memory_space<semaphore_mem>> -> memref<1x!tpu.dma_semaphore, #tpu.memory_space<semaphore_mem>>
    %dma_start3A_11 = tpu.memref_squeeze %dma_start3A_10 : memref<1x!tpu.dma_semaphore, #tpu.memory_space<semaphore_mem>> -> memref<!tpu.dma_semaphore, #tpu.memory_space<semaphore_mem>>
    %dma_start3A_12 = arith.constant 0 : i32
    %dma_start3A_13 = arith.constant 0 : i32
    %dma_start3A_14 = tpu.memref_slice %arg6[%dma_start3A, %dma_start3A_12, %dma_start3A_13] : memref<3x16x128xi32, #tpu.memory_space<vmem>> -> memref<1x16x128xi32, #tpu.memory_space<vmem>>
    %dma_start3A_15 = tpu.memref_squeeze %dma_start3A_14 : memref<1x16x128xi32, #tpu.memory_space<vmem>> -> memref<16x128xi32, #tpu.memory_space<vmem>>
    %dma_start3A_16 = arith.constant 0 : i32
    %dma_start3A_17 = tpu.memref_slice %arg3[%arg0, %add3A_1, %dma_start3A_16] : memref<2x2560x128xi32, #tpu.memory_space<hbm>> -> memref<1x16x128xi32, #tpu.memory_space<hbm>>
    %dma_start3A_18 = tpu.memref_squeeze %dma_start3A_17 : memref<1x16x128xi32, #tpu.memory_space<hbm>> -> memref<16x128xi32, #tpu.memory_space<hbm>>
    tpu.enqueue_dma source(%dma_start3A_18 : memref<16x128xi32, #tpu.memory_space<hbm>>) target(%dma_start3A_15 : memref<16x128xi32, #tpu.memory_space<vmem>>) target_semaphore(%dma_start3A_11 : memref<!tpu.dma_semaphore, #tpu.memory_space<semaphore_mem>>)
    %add3A_19 = arith.constant 0 : i32
    %add3A_20 = arith.addi %mul3A_0, %add3A_19 : i32
    %dma_start3A_21 = arith.constant 0 : i32
    %dma_start3A_22 = arith.constant 0 : i32
    %dma_start3A_23 = arith.constant 0 : i32
    %dma_start3A_24 = arith.constant 0 : i32
    %dma_start3A_25 = tpu.memref_slice %arg7[%dma_start3A_21, %dma_start3A_23, %dma_start3A_24] : memref<3x16x128xi32, #tpu.memory_space<vmem>> -> memref<1x16x128xi32, #tpu.memory_space<vmem>>
    %dma_start3A_26 = tpu.memref_squeeze %dma_start3A_25 : memref<1x16x128xi32, #tpu.memory_space<vmem>> -> memref<16x128xi32, #tpu.memory_space<vmem>>
    %dma_start3A_27 = arith.constant 0 : i32
    %dma_start3A_28 = tpu.memref_slice %arg4[%arg0, %add3A_20, %dma_start3A_27] : memref<2x2560x128xi32, #tpu.memory_space<hbm>> -> memref<1x16x128xi32, #tpu.memory_space<hbm>>
    %dma_start3A_29 = tpu.memref_squeeze %dma_start3A_28 : memref<1x16x128xi32, #tpu.memory_space<hbm>> -> memref<16x128xi32, #tpu.memory_space<hbm>>
    %dma_start3A_30 = tpu.memref_slice %arg11[%dma_start3A_22] : memref<3x!tpu.dma_semaphore, #tpu.memory_space<semaphore_mem>> -> memref<1x!tpu.dma_semaphore, #tpu.memory_space<semaphore_mem>>
    %dma_start3A_31 = tpu.memref_squeeze %dma_start3A_30 : memref<1x!tpu.dma_semaphore, #tpu.memory_space<semaphore_mem>> -> memref<!tpu.dma_semaphore, #tpu.memory_space<semaphore_mem>>
    %dma_start3A_32 = arith.constant 0 : i32
    %dma_start3A_33 = arith.constant 0 : i32
    %dma_start3A_34 = tpu.memref_slice %arg7[%dma_start3A_21, %dma_start3A_32, %dma_start3A_33] : memref<3x16x128xi32, #tpu.memory_space<vmem>> -> memref<1x16x128xi32, #tpu.memory_space<vmem>>
    %dma_start3A_35 = tpu.memref_squeeze %dma_start3A_34 : memref<1x16x128xi32, #tpu.memory_space<vmem>> -> memref<16x128xi32, #tpu.memory_space<vmem>>
    %dma_start3A_36 = arith.constant 0 : i32
    %dma_start3A_37 = tpu.memref_slice %arg4[%arg0, %add3A_20, %dma_start3A_36] : memref<2x2560x128xi32, #tpu.memory_space<hbm>> -> memref<1x16x128xi32, #tpu.memory_space<hbm>>
    %dma_start3A_38 = tpu.memref_squeeze %dma_start3A_37 : memref<1x16x128xi32, #tpu.memory_space<hbm>> -> memref<16x128xi32, #tpu.memory_space<hbm>>
    tpu.enqueue_dma source(%dma_start3A_38 : memref<16x128xi32, #tpu.memory_space<hbm>>) target(%dma_start3A_35 : memref<16x128xi32, #tpu.memory_space<vmem>>) target_semaphore(%dma_start3A_31 : memref<!tpu.dma_semaphore, #tpu.memory_space<semaphore_mem>>)
    %add3A_39 = arith.constant 16 : i32
    %add3A_40 = arith.addi %mul3A_0, %add3A_39 : i32
    %dma_start3A_41 = arith.constant 1 : i32
    %dma_start3A_42 = arith.constant 1 : i32
    %dma_start3A_43 = arith.constant 0 : i32
    %dma_start3A_44 = arith.constant 0 : i32
    %dma_start3A_45 = tpu.memref_slice %arg6[%dma_start3A_41, %dma_start3A_43, %dma_start3A_44] : memref<3x16x128xi32, #tpu.memory_space<vmem>> -> memref<1x16x128xi32, #tpu.memory_space<vmem>>
    %dma_start3A_46 = tpu.memref_squeeze %dma_start3A_45 : memref<1x16x128xi32, #tpu.memory_space<vmem>> -> memref<16x128xi32, #tpu.memory_space<vmem>>
    %dma_start3A_47 = arith.constant 0 : i32
    %dma_start3A_48 = tpu.memref_slice %arg3[%arg0, %add3A_40, %dma_start3A_47] : memref<2x2560x128xi32, #tpu.memory_space<hbm>> -> memref<1x16x128xi32, #tpu.memory_space<hbm>>
    %dma_start3A_49 = tpu.memref_squeeze %dma_start3A_48 : memref<1x16x128xi32, #tpu.memory_space<hbm>> -> memref<16x128xi32, #tpu.memory_space<hbm>>
    %dma_start3A_50 = tpu.memref_slice %arg10[%dma_start3A_42] : memref<3x!tpu.dma_semaphore, #tpu.memory_space<semaphore_mem>> -> memref<1x!tpu.dma_semaphore, #tpu.memory_space<semaphore_mem>>
    %dma_start3A_51 = tpu.memref_squeeze %dma_start3A_50 : memref<1x!tpu.dma_semaphore, #tpu.memory_space<semaphore_mem>> -> memref<!tpu.dma_semaphore, #tpu.memory_space<semaphore_mem>>
    %dma_start3A_52 = arith.constant 0 : i32
    %dma_start3A_53 = arith.constant 0 : i32
    %dma_start3A_54 = tpu.memref_slice %arg6[%dma_start3A_41, %dma_start3A_52, %dma_start3A_53] : memref<3x16x128xi32, #tpu.memory_space<vmem>> -> memref<1x16x128xi32, #tpu.memory_space<vmem>>
    %dma_start3A_55 = tpu.memref_squeeze %dma_start3A_54 : memref<1x16x128xi32, #tpu.memory_space<vmem>> -> memref<16x128xi32, #tpu.memory_space<vmem>>
    %dma_start3A_56 = arith.constant 0 : i32
    %dma_start3A_57 = tpu.memref_slice %arg3[%arg0, %add3A_40, %dma_start3A_56] : memref<2x2560x128xi32, #tpu.memory_space<hbm>> -> memref<1x16x128xi32, #tpu.memory_space<hbm>>
    %dma_start3A_58 = tpu.memref_squeeze %dma_start3A_57 : memref<1x16x128xi32, #tpu.memory_space<hbm>> -> memref<16x128xi32, #tpu.memory_space<hbm>>
    tpu.enqueue_dma source(%dma_start3A_58 : memref<16x128xi32, #tpu.memory_space<hbm>>) target(%dma_start3A_55 : memref<16x128xi32, #tpu.memory_space<vmem>>) target_semaphore(%dma_start3A_51 : memref<!tpu.dma_semaphore, #tpu.memory_space<semaphore_mem>>)
    %add3A_59 = arith.constant 16 : i32
    %add3A_60 = arith.addi %mul3A_0, %add3A_59 : i32
    %dma_start3A_61 = arith.constant 1 : i32
    %dma_start3A_62 = arith.constant 1 : i32
    %dma_start3A_63 = arith.constant 0 : i32
    %dma_start3A_64 = arith.constant 0 : i32
    %dma_start3A_65 = tpu.memref_slice %arg7[%dma_start3A_61, %dma_start3A_63, %dma_start3A_64] : memref<3x16x128xi32, #tpu.memory_space<vmem>> -> memref<1x16x128xi32, #tpu.memory_space<vmem>>
    %dma_start3A_66 = tpu.memref_squeeze %dma_start3A_65 : memref<1x16x128xi32, #tpu.memory_space<vmem>> -> memref<16x128xi32, #tpu.memory_space<vmem>>
    %dma_start3A_67 = arith.constant 0 : i32
    %dma_start3A_68 = tpu.memref_slice %arg4[%arg0, %add3A_60, %dma_start3A_67] : memref<2x2560x128xi32, #tpu.memory_space<hbm>> -> memref<1x16x128xi32, #tpu.memory_space<hbm>>
    %dma_start3A_69 = tpu.memref_squeeze %dma_start3A_68 : memref<1x16x128xi32, #tpu.memory_space<hbm>> -> memref<16x128xi32, #tpu.memory_space<hbm>>
    %dma_start3A_70 = tpu.memref_slice %arg11[%dma_start3A_62] : memref<3x!tpu.dma_semaphore, #tpu.memory_space<semaphore_mem>> -> memref<1x!tpu.dma_semaphore, #tpu.memory_space<semaphore_mem>>
    %dma_start3A_71 = tpu.memref_squeeze %dma_start3A_70 : memref<1x!tpu.dma_semaphore, #tpu.memory_space<semaphore_mem>> -> memref<!tpu.dma_semaphore, #tpu.memory_space<semaphore_mem>>
    %dma_start3A_72 = arith.constant 0 : i32
    %dma_start3A_73 = arith.constant 0 : i32
    %dma_start3A_74 = tpu.memref_slice %arg7[%dma_start3A_61, %dma_start3A_72, %dma_start3A_73] : memref<3x16x128xi32, #tpu.memory_space<vmem>> -> memref<1x16x128xi32, #tpu.memory_space<vmem>>
    %dma_start3A_75 = tpu.memref_squeeze %dma_start3A_74 : memref<1x16x128xi32, #tpu.memory_space<vmem>> -> memref<16x128xi32, #tpu.memory_space<vmem>>
    %dma_start3A_76 = arith.constant 0 : i32
    %dma_start3A_77 = tpu.memref_slice %arg4[%arg0, %add3A_60, %dma_start3A_76] : memref<2x2560x128xi32, #tpu.memory_space<hbm>> -> memref<1x16x128xi32, #tpu.memory_space<hbm>>
    %dma_start3A_78 = tpu.memref_squeeze %dma_start3A_77 : memref<1x16x128xi32, #tpu.memory_space<hbm>> -> memref<16x128xi32, #tpu.memory_space<hbm>>
    tpu.enqueue_dma source(%dma_start3A_78 : memref<16x128xi32, #tpu.memory_space<hbm>>) target(%dma_start3A_75 : memref<16x128xi32, #tpu.memory_space<vmem>>) target_semaphore(%dma_start3A_71 : memref<!tpu.dma_semaphore, #tpu.memory_space<semaphore_mem>>)
    %scan3A = arith.constant 0 : i32
    %scan3A_79 = arith.constant 32 : i32
    %scan3A_80 = arith.addi %scan3A, %scan3A_79 : i32
    %scan3A_81 = arith.constant 1 : i32
    scf.for %scan3A_167 = %scan3A to %scan3A_80 step %scan3A_81  : i32 {
      %mul3A_168 = arith.constant 1 : i32
      %mul3A_169 = arith.muli %scan3A_167, %mul3A_168 : i32
      %add3A_170 = arith.constant 0 : i32
      %add3A_171 = arith.addi %add3A_170, %mul3A_169 : i32
      %scan3A_172 = arith.constant 0 : i32
      %scan3A_173 = arith.constant 8 : i32
      %scan3A_174 = arith.addi %scan3A_172, %scan3A_173 : i32
      %scan3A_175 = arith.constant 1 : i32
      scf.for %scan3A_177 = %scan3A_172 to %scan3A_174 step %scan3A_175  : i32 {
        %mul3A_178 = arith.constant 16 : i32
        %mul3A_179 = arith.muli %scan3A_177, %mul3A_178 : i32
        %add3A_180 = arith.constant 0 : i32
        %add3A_181 = arith.addi %add3A_180, %mul3A_179 : i32
        %broadcast_in_dim3A = arith.constant 0.000000e+00 : f32
        %broadcast_in_dim3A_182 = vector.broadcast %broadcast_in_dim3A : f32 to vector<16xf32>
        %swap3A = arith.constant 0 : i32
        %swap3A_183 = arith.index_cast %swap3A : i32 to index
        %swap3A_184 = arith.index_cast %add3A_171 : i32 to index
        %swap3A_185 = arith.index_cast %add3A_181 : i32 to index
        %swap3A_186 = tpu.vector_load %arg8[%swap3A_183, %swap3A_184, %swap3A_185] {strides = array<i32>} : memref<2x128x128xf32, #tpu.memory_space<vmem>>, vector<1x1x16xf32>,
        %swap3A_187 = vector.shape_cast %swap3A_186 : vector<1x1x16xf32> to vector<16xf32>
        %swap3A_188 = vector.shape_cast %broadcast_in_dim3A_182 : vector<16xf32> to vector<1x1x16xf32>
        tpu.vector_store %arg8[%swap3A_183, %swap3A_184, %swap3A_185], %swap3A_188 {strides = array<i32>} : memref<2x128x128xf32, #tpu.memory_space<vmem>>, vector<1x1x16xf32>,
      }
      %scan3A_176 = arith.constant 8 : i32
    }
    %scan3A_82 = arith.constant 32 : i32
    %scan3A_83 = arith.constant 0 : i32
    %scan3A_84 = arith.constant 20 : i32
    %scan3A_85 = arith.addi %scan3A_83, %scan3A_84 : i32
    %scan3A_86 = arith.constant 1 : i32
    scf.for %scan3A_167 = %scan3A_83 to %scan3A_85 step %scan3A_86  : i32 {
      %mul3A_168 = arith.constant 32 : i32
      %mul3A_169 = arith.muli %scan3A_167, %mul3A_168 : i32
      %add3A_170 = arith.constant 0 : i32
      %add3A_171 = arith.addi %add3A_170, %mul3A_169 : i32
      %mul3A_172 = arith.constant 640 : i32
      %mul3A_173 = arith.muli %arg1, %mul3A_172 : i32
      %add3A_174 = arith.addi %mul3A_173, %add3A_171 : i32
      %dma_start3A_175 = arith.constant 0 : i32
      %dma_start3A_176 = arith.constant 0 : i32
      %dma_start3A_177 = arith.constant 0 : i32
      %dma_start3A_178 = arith.constant 0 : i32
      %dma_start3A_179 = tpu.memref_slice %arg8[%dma_start3A_175, %dma_start3A_177, %dma_start3A_178] : memref<2x128x128xf32, #tpu.memory_space<vmem>> -> memref<1x32x128xf32, #tpu.memory_space<vmem>>
      %dma_start3A_180 = tpu.memref_squeeze %dma_start3A_179 : memref<1x32x128xf32, #tpu.memory_space<vmem>> -> memref<32x128xf32, #tpu.memory_space<vmem>>
      %dma_start3A_181 = arith.constant 0 : i32
      %dma_start3A_182 = tpu.memref_slice %arg9[%add3A_174, %dma_start3A_181] : memref<10240x128xf32, #tpu.memory_space<vmem_shared>> -> memref<32x128xf32, #tpu.memory_space<vmem_shared>>
      %dma_start3A_183 = tpu.memref_slice %arg12[%dma_start3A_176] : memref<2x!tpu.dma_semaphore, #tpu.memory_space<semaphore_mem>> -> memref<1x!tpu.dma_semaphore, #tpu.memory_space<semaphore_mem>>
      %dma_start3A_184 = tpu.memref_squeeze %dma_start3A_183 : memref<1x!tpu.dma_semaphore, #tpu.memory_space<semaphore_mem>> -> memref<!tpu.dma_semaphore, #tpu.memory_space<semaphore_mem>>
      %dma_start3A_185 = arith.constant 0 : i32
      %dma_start3A_186 = tpu.memref_slice %arg9[%add3A_174, %dma_start3A_185] : memref<10240x128xf32, #tpu.memory_space<vmem_shared>> -> memref<32x128xf32, #tpu.memory_space<vmem_shared>>
      %dma_start3A_187 = arith.constant 0 : i32
      %dma_start3A_188 = arith.constant 0 : i32
      %dma_start3A_189 = tpu.memref_slice %arg8[%dma_start3A_175, %dma_start3A_187, %dma_start3A_188] : memref<2x128x128xf32, #tpu.memory_space<vmem>> -> memref<1x32x128xf32, #tpu.memory_space<vmem>>
      %dma_start3A_190 = tpu.memref_squeeze %dma_start3A_189 : memref<1x32x128xf32, #tpu.memory_space<vmem>> -> memref<32x128xf32, #tpu.memory_space<vmem>>
      tpu.enqueue_dma source(%dma_start3A_190 : memref<32x128xf32, #tpu.memory_space<vmem>>) target(%dma_start3A_186 : memref<32x128xf32, #tpu.memory_space<vmem_shared>>) target_semaphore(%dma_start3A_184 : memref<!tpu.dma_semaphore, #tpu.memory_space<semaphore_mem>>)
    }
    %scan3A_87 = arith.constant 20 : i32
    %scan3A_88 = arith.constant 0 : i32
    %scan3A_89 = arith.constant 20 : i32
    %scan3A_90 = arith.addi %scan3A_88, %scan3A_89 : i32
    %scan3A_91 = arith.constant 1 : i32
    scf.for %scan3A_167 = %scan3A_88 to %scan3A_90 step %scan3A_91  : i32 {
      %mul3A_168 = arith.constant 32 : i32
      %mul3A_169 = arith.muli %scan3A_167, %mul3A_168 : i32
      %add3A_170 = arith.constant 0 : i32
      %add3A_171 = arith.addi %add3A_170, %mul3A_169 : i32
      %dma_wait3A_172 = arith.constant 0 : i32
      %dma_wait3A_173 = arith.constant 0 : i32
      %dma_wait3A_174 = arith.constant 0 : i32
      %dma_wait3A_175 = arith.constant 0 : i32
      %dma_wait3A_176 = tpu.memref_slice %arg8[%dma_wait3A_172, %dma_wait3A_174, %dma_wait3A_175] : memref<2x128x128xf32, #tpu.memory_space<vmem>> -> memref<1x32x128xf32, #tpu.memory_space<vmem>>
      %dma_wait3A_177 = tpu.memref_squeeze %dma_wait3A_176 : memref<1x32x128xf32, #tpu.memory_space<vmem>> -> memref<32x128xf32, #tpu.memory_space<vmem>>
      %dma_wait3A_178 = arith.constant 0 : i32
      %dma_wait3A_179 = arith.constant 0 : i32
      %dma_wait3A_180 = tpu.memref_slice %arg9[%dma_wait3A_178, %dma_wait3A_179] : memref<10240x128xf32, #tpu.memory_space<vmem_shared>> -> memref<32x128xf32, #tpu.memory_space<vmem_shared>>
      %dma_wait3A_181 = tpu.memref_slice %arg12[%dma_wait3A_173] : memref<2x!tpu.dma_semaphore, #tpu.memory_space<semaphore_mem>> -> memref<1x!tpu.dma_semaphore, #tpu.memory_space<semaphore_mem>>
      %dma_wait3A_182 = tpu.memref_squeeze %dma_wait3A_181 : memref<1x!tpu.dma_semaphore, #tpu.memory_space<semaphore_mem>> -> memref<!tpu.dma_semaphore, #tpu.memory_space<semaphore_mem>>
      %dma_wait3A_183 = arith.constant 0 : i32
      %dma_wait3A_184 = arith.constant 0 : i32
      %dma_wait3A_185 = tpu.memref_slice %arg9[%dma_wait3A_183, %dma_wait3A_184] : memref<10240x128xf32, #tpu.memory_space<vmem_shared>> -> memref<32x128xf32, #tpu.memory_space<vmem_shared>>
      %dma_wait3A_186 = arith.constant 0 : i32
      %dma_wait3A_187 = arith.constant 0 : i32
      %dma_wait3A_188 = tpu.memref_slice %arg8[%dma_wait3A_172, %dma_wait3A_186, %dma_wait3A_187] : memref<2x128x128xf32, #tpu.memory_space<vmem>> -> memref<1x32x128xf32, #tpu.memory_space<vmem>>
      %dma_wait3A_189 = tpu.memref_squeeze %dma_wait3A_188 : memref<1x32x128xf32, #tpu.memory_space<vmem>> -> memref<32x128xf32, #tpu.memory_space<vmem>>
      tpu.wait_dma2 semaphore(%dma_wait3A_182 : memref<!tpu.dma_semaphore, #tpu.memory_space<semaphore_mem>>) src(%dma_wait3A_189 : memref<32x128xf32, #tpu.memory_space<vmem>>) dst(%dma_wait3A_185 : memref<32x128xf32, #tpu.memory_space<vmem_shared>>)
    }
    %scan3A_92 = arith.constant 20 : i32
    %barrier3A = arith.constant 0 : index
    tpu.barrier barrier_id(%barrier3A)
    %scan3A_93 = arith.constant 0 : i32
    %scan3A_94 = arith.constant 80 : i32
    %scan3A_95 = arith.addi %scan3A_93, %scan3A_94 : i32
    %scan3A_96 = arith.constant 1 : i32
    scf.for %scan3A_167 = %scan3A_93 to %scan3A_95 step %scan3A_96  : i32 {
      %mul3A_168 = arith.constant 2 : i32
      %mul3A_169 = arith.muli %scan3A_167, %mul3A_168 : i32
      %add3A_170 = arith.constant 0 : i32
      %add3A_171 = arith.addi %add3A_170, %mul3A_169 : i32
      %add3A_172 = arith.constant 0 : i32
      %add3A_173 = arith.addi %add3A_171, %add3A_172 : i32
      %jit3A = arith.constant 16 : i32
      %div3A = arith.divsi %add3A_173, %jit3A : i32
      %sign3A = arith.constant 0 : i32
      %sign3A_174 = arith.cmpi sgt, %add3A_173, %sign3A : i32
      %sign3A_175 = arith.extui %sign3A_174 : i1 to i32
      %sign3A_176 = arith.constant 0 : i32
      %sign3A_177 = arith.cmpi slt, %add3A_173, %sign3A_176 : i32
      %sign3A_178 = arith.extui %sign3A_177 : i1 to i32
      %sign3A_179 = arith.subi %sign3A_175, %sign3A_178 : i32
      %sign3A_180 = arith.constant 0 : i32
      %sign3A_181 = arith.cmpi sgt, %jit3A, %sign3A_180 : i32
      %sign3A_182 = arith.extui %sign3A_181 : i1 to i32
      %sign3A_183 = arith.constant 0 : i32
      %sign3A_184 = arith.cmpi slt, %jit3A, %sign3A_183 : i32
      %sign3A_185 = arith.extui %sign3A_184 : i1 to i32
      %sign3A_186 = arith.subi %sign3A_182, %sign3A_185 : i32
      %ne3A = arith.cmpi ne, %sign3A_179, %sign3A_186 : i32
      %rem3A_187 = arith.remsi %add3A_173, %jit3A : i32
      %ne3A_188 = arith.constant 0 : i32
      %ne3A_189 = arith.cmpi ne, %rem3A_187, %ne3A_188 : i32
      %and3A = arith.andi %ne3A, %ne3A_189 : i1
      %sub3A = arith.constant 1 : i32
      %sub3A_190 = arith.subi %div3A, %sub3A : i32
      %select_n3A = arith.select %and3A, %sub3A_190, %div3A : i32
      %rem3A_191 = arith.constant 16 : i32
      %rem3A_192 = arith.remsi %add3A_173, %rem3A_191 : i32
      %rem3A_193 = arith.constant 3 : i32
      %rem3A_194 = arith.remsi %select_n3A, %rem3A_193 : i32
      %ge3A = arith.constant 2 : i32
      %ge3A_195 = arith.cmpi sge, %add3A_173, %ge3A : i32
      %convert_element_type3A = arith.extui %ge3A_195 : i1 to i32
      %cond3A = arith.constant 0 : i32
      %cond3A_196 = arith.cmpi ne, %convert_element_type3A, %cond3A : i32
      scf.if %cond3A_196 {
        %dma_wait3A_289 = arith.constant 0 : i32
        %dma_wait3A_290 = arith.constant 0 : i32
        %dma_wait3A_291 = arith.constant 0 : i32
        %dma_wait3A_292 = arith.constant 0 : i32
        %dma_wait3A_293 = arith.constant 0 : i32
        %dma_wait3A_294 = arith.constant 0 : i32
        %dma_wait3A_295 = tpu.memref_slice %arg8[%dma_wait3A_289, %dma_wait3A_293, %dma_wait3A_294] : memref<2x128x128xf32, #tpu.memory_space<vmem>> -> memref<1x128x128xf32, #tpu.memory_space<vmem>>
        %dma_wait3A_296 = tpu.memref_squeeze %dma_wait3A_295 : memref<1x128x128xf32, #tpu.memory_space<vmem>> -> memref<128x128xf32, #tpu.memory_space<vmem>>
        %dma_wait3A_297 = arith.constant 0 : i32
        %dma_wait3A_298 = tpu.memref_slice %arg7[%dma_wait3A_290, %dma_wait3A_291, %dma_wait3A_297] : memref<3x16x128xi32, #tpu.memory_space<vmem>> -> memref<1x1x128xi32, #tpu.memory_space<vmem>>
        %dma_wait3A_299 = tpu.memref_squeeze %dma_wait3A_298 : memref<1x1x128xi32, #tpu.memory_space<vmem>> -> memref<128xi32, #tpu.memory_space<vmem>>
        %dma_wait3A_300 = arith.constant 0 : i32
        %dma_wait3A_301 = arith.constant 0 : i32
        %dma_wait3A_302 = tpu.memref_slice %arg9[%dma_wait3A_300, %dma_wait3A_301] : memref<10240x128xf32, #tpu.memory_space<vmem_shared>> -> memref<10240x128xf32, #tpu.memory_space<vmem_shared>>
        %dma_wait3A_303 = tpu.memref_slice %arg13[%dma_wait3A_292] : memref<2x!tpu.dma_semaphore, #tpu.memory_space<semaphore_mem>> -> memref<1x!tpu.dma_semaphore, #tpu.memory_space<semaphore_mem>>
        %dma_wait3A_304 = tpu.memref_squeeze %dma_wait3A_303 : memref<1x!tpu.dma_semaphore, #tpu.memory_space<semaphore_mem>> -> memref<!tpu.dma_semaphore, #tpu.memory_space<semaphore_mem>>
        tpu.wait_indirect_dma semaphore(%dma_wait3A_304 : memref<!tpu.dma_semaphore, #tpu.memory_space<semaphore_mem>>) src(%dma_wait3A_296 : memref<128x128xf32, #tpu.memory_space<vmem>>) dst(%dma_wait3A_302 : memref<10240x128xf32, #tpu.memory_space<vmem_shared>>)
      } else {
      }
      %eq3A = arith.constant 0 : i32
      %eq3A_197 = arith.cmpi eq, %rem3A_192, %eq3A : i32
      %convert_element_type3A_198 = arith.extui %eq3A_197 : i1 to i32
      %cond3A_199 = arith.constant 0 : i32
      %cond3A_200 = arith.cmpi ne, %convert_element_type3A_198, %cond3A_199 : i32
      scf.if %cond3A_200 {
        %eq3A_289 = arith.constant 0 : i32
        %eq3A_290 = arith.cmpi eq, %rem3A_194, %eq3A_289 : i32
        %convert_element_type3A_291 = arith.extui %eq3A_290 : i1 to i32
        %cond3A_292 = arith.constant 0 : i32
        %cond3A_293 = arith.cmpi ne, %convert_element_type3A_291, %cond3A_292 : i32
        scf.if %cond3A_293 {
          %dma_wait3A_304 = arith.constant 0 : i32
          %dma_wait3A_305 = arith.constant 0 : i32
          %dma_wait3A_306 = arith.constant 0 : i32
          %dma_wait3A_307 = arith.constant 0 : i32
          %dma_wait3A_308 = tpu.memref_slice %arg6[%dma_wait3A_304, %dma_wait3A_306, %dma_wait3A_307] : memref<3x16x128xi32, #tpu.memory_space<vmem>> -> memref<1x16x128xi32, #tpu.memory_space<vmem>>
          %dma_wait3A_309 = tpu.memref_squeeze %dma_wait3A_308 : memref<1x16x128xi32, #tpu.memory_space<vmem>> -> memref<16x128xi32, #tpu.memory_space<vmem>>
          %dma_wait3A_310 = arith.constant 0 : i32
          %dma_wait3A_311 = tpu.memref_slice %arg3[%arg0, %mul3A_0, %dma_wait3A_310] : memref<2x2560x128xi32, #tpu.memory_space<hbm>> -> memref<1x16x128xi32, #tpu.memory_space<hbm>>
          %dma_wait3A_312 = tpu.memref_squeeze %dma_wait3A_311 : memref<1x16x128xi32, #tpu.memory_space<hbm>> -> memref<16x128xi32, #tpu.memory_space<hbm>>
          %dma_wait3A_313 = tpu.memref_slice %arg10[%dma_wait3A_305] : memref<3x!tpu.dma_semaphore, #tpu.memory_space<semaphore_mem>> -> memref<1x!tpu.dma_semaphore, #tpu.memory_space<semaphore_mem>>
          %dma_wait3A_314 = tpu.memref_squeeze %dma_wait3A_313 : memref<1x!tpu.dma_semaphore, #tpu.memory_space<semaphore_mem>> -> memref<!tpu.dma_semaphore, #tpu.memory_space<semaphore_mem>>
          %dma_wait3A_315 = arith.constant 0 : i32
          %dma_wait3A_316 = arith.constant 0 : i32
          %dma_wait3A_317 = tpu.memref_slice %arg6[%dma_wait3A_304, %dma_wait3A_315, %dma_wait3A_316] : memref<3x16x128xi32, #tpu.memory_space<vmem>> -> memref<1x16x128xi32, #tpu.memory_space<vmem>>
          %dma_wait3A_318 = tpu.memref_squeeze %dma_wait3A_317 : memref<1x16x128xi32, #tpu.memory_space<vmem>> -> memref<16x128xi32, #tpu.memory_space<vmem>>
          %dma_wait3A_319 = arith.constant 0 : i32
          %dma_wait3A_320 = tpu.memref_slice %arg3[%arg0, %mul3A_0, %dma_wait3A_319] : memref<2x2560x128xi32, #tpu.memory_space<hbm>> -> memref<1x16x128xi32, #tpu.memory_space<hbm>>
          %dma_wait3A_321 = tpu.memref_squeeze %dma_wait3A_320 : memref<1x16x128xi32, #tpu.memory_space<hbm>> -> memref<16x128xi32, #tpu.memory_space<hbm>>
          tpu.wait_dma2 semaphore(%dma_wait3A_314 : memref<!tpu.dma_semaphore, #tpu.memory_space<semaphore_mem>>) src(%dma_wait3A_321 : memref<16x128xi32, #tpu.memory_space<hbm>>) dst(%dma_wait3A_318 : memref<16x128xi32, #tpu.memory_space<vmem>>)
          %dma_wait3A_322 = arith.constant 0 : i32
          %dma_wait3A_323 = arith.constant 0 : i32
          %dma_wait3A_324 = arith.constant 0 : i32
          %dma_wait3A_325 = arith.constant 0 : i32
          %dma_wait3A_326 = tpu.memref_slice %arg7[%dma_wait3A_322, %dma_wait3A_324, %dma_wait3A_325] : memref<3x16x128xi32, #tpu.memory_space<vmem>> -> memref<1x16x128xi32, #tpu.memory_space<vmem>>
          %dma_wait3A_327 = tpu.memref_squeeze %dma_wait3A_326 : memref<1x16x128xi32, #tpu.memory_space<vmem>> -> memref<16x128xi32, #tpu.memory_space<vmem>>
          %dma_wait3A_328 = arith.constant 0 : i32
          %dma_wait3A_329 = tpu.memref_slice %arg4[%arg0, %mul3A_0, %dma_wait3A_328] : memref<2x2560x128xi32, #tpu.memory_space<hbm>> -> memref<1x16x128xi32, #tpu.memory_space<hbm>>
          %dma_wait3A_330 = tpu.memref_squeeze %dma_wait3A_329 : memref<1x16x128xi32, #tpu.memory_space<hbm>> -> memref<16x128xi32, #tpu.memory_space<hbm>>
          %dma_wait3A_331 = tpu.memref_slice %arg11[%dma_wait3A_323] : memref<3x!tpu.dma_semaphore, #tpu.memory_space<semaphore_mem>> -> memref<1x!tpu.dma_semaphore, #tpu.memory_space<semaphore_mem>>
          %dma_wait3A_332 = tpu.memref_squeeze %dma_wait3A_331 : memref<1x!tpu.dma_semaphore, #tpu.memory_space<semaphore_mem>> -> memref<!tpu.dma_semaphore, #tpu.memory_space<semaphore_mem>>
          %dma_wait3A_333 = arith.constant 0 : i32
          %dma_wait3A_334 = arith.constant 0 : i32
          %dma_wait3A_335 = tpu.memref_slice %arg7[%dma_wait3A_322, %dma_wait3A_333, %dma_wait3A_334] : memref<3x16x128xi32, #tpu.memory_space<vmem>> -> memref<1x16x128xi32, #tpu.memory_space<vmem>>
          %dma_wait3A_336 = tpu.memref_squeeze %dma_wait3A_335 : memref<1x16x128xi32, #tpu.memory_space<vmem>> -> memref<16x128xi32, #tpu.memory_space<vmem>>
          %dma_wait3A_337 = arith.constant 0 : i32
          %dma_wait3A_338 = tpu.memref_slice %arg4[%arg0, %mul3A_0, %dma_wait3A_337] : memref<2x2560x128xi32, #tpu.memory_space<hbm>> -> memref<1x16x128xi32, #tpu.memory_space<hbm>>
          %dma_wait3A_339 = tpu.memref_squeeze %dma_wait3A_338 : memref<1x16x128xi32, #tpu.memory_space<hbm>> -> memref<16x128xi32, #tpu.memory_space<hbm>>
          tpu.wait_dma2 semaphore(%dma_wait3A_332 : memref<!tpu.dma_semaphore, #tpu.memory_space<semaphore_mem>>) src(%dma_wait3A_339 : memref<16x128xi32, #tpu.memory_space<hbm>>) dst(%dma_wait3A_336 : memref<16x128xi32, #tpu.memory_space<vmem>>)
        } else {
        }
        %eq3A_294 = arith.constant 1 : i32
        %eq3A_295 = arith.cmpi eq, %rem3A_194, %eq3A_294 : i32
        %convert_element_type3A_296 = arith.extui %eq3A_295 : i1 to i32
        %cond3A_297 = arith.constant 0 : i32
        %cond3A_298 = arith.cmpi ne, %convert_element_type3A_296, %cond3A_297 : i32
        scf.if %cond3A_298 {
          %dma_wait3A_304 = arith.constant 1 : i32
          %dma_wait3A_305 = arith.constant 1 : i32
          %dma_wait3A_306 = arith.constant 0 : i32
          %dma_wait3A_307 = arith.constant 0 : i32
          %dma_wait3A_308 = tpu.memref_slice %arg6[%dma_wait3A_304, %dma_wait3A_306, %dma_wait3A_307] : memref<3x16x128xi32, #tpu.memory_space<vmem>> -> memref<1x16x128xi32, #tpu.memory_space<vmem>>
          %dma_wait3A_309 = tpu.memref_squeeze %dma_wait3A_308 : memref<1x16x128xi32, #tpu.memory_space<vmem>> -> memref<16x128xi32, #tpu.memory_space<vmem>>
          %dma_wait3A_310 = arith.constant 0 : i32
          %dma_wait3A_311 = tpu.memref_slice %arg3[%arg0, %mul3A_0, %dma_wait3A_310] : memref<2x2560x128xi32, #tpu.memory_space<hbm>> -> memref<1x16x128xi32, #tpu.memory_space<hbm>>
          %dma_wait3A_312 = tpu.memref_squeeze %dma_wait3A_311 : memref<1x16x128xi32, #tpu.memory_space<hbm>> -> memref<16x128xi32, #tpu.memory_space<hbm>>
          %dma_wait3A_313 = tpu.memref_slice %arg10[%dma_wait3A_305] : memref<3x!tpu.dma_semaphore, #tpu.memory_space<semaphore_mem>> -> memref<1x!tpu.dma_semaphore, #tpu.memory_space<semaphore_mem>>
          %dma_wait3A_314 = tpu.memref_squeeze %dma_wait3A_313 : memref<1x!tpu.dma_semaphore, #tpu.memory_space<semaphore_mem>> -> memref<!tpu.dma_semaphore, #tpu.memory_space<semaphore_mem>>
          %dma_wait3A_315 = arith.constant 0 : i32
          %dma_wait3A_316 = arith.constant 0 : i32
          %dma_wait3A_317 = tpu.memref_slice %arg6[%dma_wait3A_304, %dma_wait3A_315, %dma_wait3A_316] : memref<3x16x128xi32, #tpu.memory_space<vmem>> -> memref<1x16x128xi32, #tpu.memory_space<vmem>>
          %dma_wait3A_318 = tpu.memref_squeeze %dma_wait3A_317 : memref<1x16x128xi32, #tpu.memory_space<vmem>> -> memref<16x128xi32, #tpu.memory_space<vmem>>
          %dma_wait3A_319 = arith.constant 0 : i32
          %dma_wait3A_320 = tpu.memref_slice %arg3[%arg0, %mul3A_0, %dma_wait3A_319] : memref<2x2560x128xi32, #tpu.memory_space<hbm>> -> memref<1x16x128xi32, #tpu.memory_space<hbm>>
          %dma_wait3A_321 = tpu.memref_squeeze %dma_wait3A_320 : memref<1x16x128xi32, #tpu.memory_space<hbm>> -> memref<16x128xi32, #tpu.memory_space<hbm>>
          tpu.wait_dma2 semaphore(%dma_wait3A_314 : memref<!tpu.dma_semaphore, #tpu.memory_space<semaphore_mem>>) src(%dma_wait3A_321 : memref<16x128xi32, #tpu.memory_space<hbm>>) dst(%dma_wait3A_318 : memref<16x128xi32, #tpu.memory_space<vmem>>)
          %dma_wait3A_322 = arith.constant 1 : i32
          %dma_wait3A_323 = arith.constant 1 : i32
          %dma_wait3A_324 = arith.constant 0 : i32
          %dma_wait3A_325 = arith.constant 0 : i32
          %dma_wait3A_326 = tpu.memref_slice %arg7[%dma_wait3A_322, %dma_wait3A_324, %dma_wait3A_325] : memref<3x16x128xi32, #tpu.memory_space<vmem>> -> memref<1x16x128xi32, #tpu.memory_space<vmem>>
          %dma_wait3A_327 = tpu.memref_squeeze %dma_wait3A_326 : memref<1x16x128xi32, #tpu.memory_space<vmem>> -> memref<16x128xi32, #tpu.memory_space<vmem>>
          %dma_wait3A_328 = arith.constant 0 : i32
          %dma_wait3A_329 = tpu.memref_slice %arg4[%arg0, %mul3A_0, %dma_wait3A_328] : memref<2x2560x128xi32, #tpu.memory_space<hbm>> -> memref<1x16x128xi32, #tpu.memory_space<hbm>>
          %dma_wait3A_330 = tpu.memref_squeeze %dma_wait3A_329 : memref<1x16x128xi32, #tpu.memory_space<hbm>> -> memref<16x128xi32, #tpu.memory_space<hbm>>
          %dma_wait3A_331 = tpu.memref_slice %arg11[%dma_wait3A_323] : memref<3x!tpu.dma_semaphore, #tpu.memory_space<semaphore_mem>> -> memref<1x!tpu.dma_semaphore, #tpu.memory_space<semaphore_mem>>
          %dma_wait3A_332 = tpu.memref_squeeze %dma_wait3A_331 : memref<1x!tpu.dma_semaphore, #tpu.memory_space<semaphore_mem>> -> memref<!tpu.dma_semaphore, #tpu.memory_space<semaphore_mem>>
          %dma_wait3A_333 = arith.constant 0 : i32
          %dma_wait3A_334 = arith.constant 0 : i32
          %dma_wait3A_335 = tpu.memref_slice %arg7[%dma_wait3A_322, %dma_wait3A_333, %dma_wait3A_334] : memref<3x16x128xi32, #tpu.memory_space<vmem>> -> memref<1x16x128xi32, #tpu.memory_space<vmem>>
          %dma_wait3A_336 = tpu.memref_squeeze %dma_wait3A_335 : memref<1x16x128xi32, #tpu.memory_space<vmem>> -> memref<16x128xi32, #tpu.memory_space<vmem>>
          %dma_wait3A_337 = arith.constant 0 : i32
          %dma_wait3A_338 = tpu.memref_slice %arg4[%arg0, %mul3A_0, %dma_wait3A_337] : memref<2x2560x128xi32, #tpu.memory_space<hbm>> -> memref<1x16x128xi32, #tpu.memory_space<hbm>>
          %dma_wait3A_339 = tpu.memref_squeeze %dma_wait3A_338 : memref<1x16x128xi32, #tpu.memory_space<hbm>> -> memref<16x128xi32, #tpu.memory_space<hbm>>
          tpu.wait_dma2 semaphore(%dma_wait3A_332 : memref<!tpu.dma_semaphore, #tpu.memory_space<semaphore_mem>>) src(%dma_wait3A_339 : memref<16x128xi32, #tpu.memory_space<hbm>>) dst(%dma_wait3A_336 : memref<16x128xi32, #tpu.memory_space<vmem>>)
        } else {
        }
        %eq3A_299 = arith.constant 2 : i32
        %eq3A_300 = arith.cmpi eq, %rem3A_194, %eq3A_299 : i32
        %convert_element_type3A_301 = arith.extui %eq3A_300 : i1 to i32
        %cond3A_302 = arith.constant 0 : i32
        %cond3A_303 = arith.cmpi ne, %convert_element_type3A_301, %cond3A_302 : i32
        scf.if %cond3A_303 {
          %dma_wait3A_304 = arith.constant 2 : i32
          %dma_wait3A_305 = arith.constant 2 : i32
          %dma_wait3A_306 = arith.constant 0 : i32
          %dma_wait3A_307 = arith.constant 0 : i32
          %dma_wait3A_308 = tpu.memref_slice %arg6[%dma_wait3A_304, %dma_wait3A_306, %dma_wait3A_307] : memref<3x16x128xi32, #tpu.memory_space<vmem>> -> memref<1x16x128xi32, #tpu.memory_space<vmem>>
          %dma_wait3A_309 = tpu.memref_squeeze %dma_wait3A_308 : memref<1x16x128xi32, #tpu.memory_space<vmem>> -> memref<16x128xi32, #tpu.memory_space<vmem>>
          %dma_wait3A_310 = arith.constant 0 : i32
          %dma_wait3A_311 = tpu.memref_slice %arg3[%arg0, %mul3A_0, %dma_wait3A_310] : memref<2x2560x128xi32, #tpu.memory_space<hbm>> -> memref<1x16x128xi32, #tpu.memory_space<hbm>>
          %dma_wait3A_312 = tpu.memref_squeeze %dma_wait3A_311 : memref<1x16x128xi32, #tpu.memory_space<hbm>> -> memref<16x128xi32, #tpu.memory_space<hbm>>
          %dma_wait3A_313 = tpu.memref_slice %arg10[%dma_wait3A_305] : memref<3x!tpu.dma_semaphore, #tpu.memory_space<semaphore_mem>> -> memref<1x!tpu.dma_semaphore, #tpu.memory_space<semaphore_mem>>
          %dma_wait3A_314 = tpu.memref_squeeze %dma_wait3A_313 : memref<1x!tpu.dma_semaphore, #tpu.memory_space<semaphore_mem>> -> memref<!tpu.dma_semaphore, #tpu.memory_space<semaphore_mem>>
          %dma_wait3A_315 = arith.constant 0 : i32
          %dma_wait3A_316 = arith.constant 0 : i32
          %dma_wait3A_317 = tpu.memref_slice %arg6[%dma_wait3A_304, %dma_wait3A_315, %dma_wait3A_316] : memref<3x16x128xi32, #tpu.memory_space<vmem>> -> memref<1x16x128xi32, #tpu.memory_space<vmem>>
          %dma_wait3A_318 = tpu.memref_squeeze %dma_wait3A_317 : memref<1x16x128xi32, #tpu.memory_space<vmem>> -> memref<16x128xi32, #tpu.memory_space<vmem>>
          %dma_wait3A_319 = arith.constant 0 : i32
          %dma_wait3A_320 = tpu.memref_slice %arg3[%arg0, %mul3A_0, %dma_wait3A_319] : memref<2x2560x128xi32, #tpu.memory_space<hbm>> -> memref<1x16x128xi32, #tpu.memory_space<hbm>>
          %dma_wait3A_321 = tpu.memref_squeeze %dma_wait3A_320 : memref<1x16x128xi32, #tpu.memory_space<hbm>> -> memref<16x128xi32, #tpu.memory_space<hbm>>
          tpu.wait_dma2 semaphore(%dma_wait3A_314 : memref<!tpu.dma_semaphore, #tpu.memory_space<semaphore_mem>>) src(%dma_wait3A_321 : memref<16x128xi32, #tpu.memory_space<hbm>>) dst(%dma_wait3A_318 : memref<16x128xi32, #tpu.memory_space<vmem>>)
          %dma_wait3A_322 = arith.constant 2 : i32
          %dma_wait3A_323 = arith.constant 2 : i32
          %dma_wait3A_324 = arith.constant 0 : i32
          %dma_wait3A_325 = arith.constant 0 : i32
          %dma_wait3A_326 = tpu.memref_slice %arg7[%dma_wait3A_322, %dma_wait3A_324, %dma_wait3A_325] : memref<3x16x128xi32, #tpu.memory_space<vmem>> -> memref<1x16x128xi32, #tpu.memory_space<vmem>>
          %dma_wait3A_327 = tpu.memref_squeeze %dma_wait3A_326 : memref<1x16x128xi32, #tpu.memory_space<vmem>> -> memref<16x128xi32, #tpu.memory_space<vmem>>
          %dma_wait3A_328 = arith.constant 0 : i32
          %dma_wait3A_329 = tpu.memref_slice %arg4[%arg0, %mul3A_0, %dma_wait3A_328] : memref<2x2560x128xi32, #tpu.memory_space<hbm>> -> memref<1x16x128xi32, #tpu.memory_space<hbm>>
          %dma_wait3A_330 = tpu.memref_squeeze %dma_wait3A_329 : memref<1x16x128xi32, #tpu.memory_space<hbm>> -> memref<16x128xi32, #tpu.memory_space<hbm>>
          %dma_wait3A_331 = tpu.memref_slice %arg11[%dma_wait3A_323] : memref<3x!tpu.dma_semaphore, #tpu.memory_space<semaphore_mem>> -> memref<1x!tpu.dma_semaphore, #tpu.memory_space<semaphore_mem>>
          %dma_wait3A_332 = tpu.memref_squeeze %dma_wait3A_331 : memref<1x!tpu.dma_semaphore, #tpu.memory_space<semaphore_mem>> -> memref<!tpu.dma_semaphore, #tpu.memory_space<semaphore_mem>>
          %dma_wait3A_333 = arith.constant 0 : i32
          %dma_wait3A_334 = arith.constant 0 : i32
          %dma_wait3A_335 = tpu.memref_slice %arg7[%dma_wait3A_322, %dma_wait3A_333, %dma_wait3A_334] : memref<3x16x128xi32, #tpu.memory_space<vmem>> -> memref<1x16x128xi32, #tpu.memory_space<vmem>>
          %dma_wait3A_336 = tpu.memref_squeeze %dma_wait3A_335 : memref<1x16x128xi32, #tpu.memory_space<vmem>> -> memref<16x128xi32, #tpu.memory_space<vmem>>
          %dma_wait3A_337 = arith.constant 0 : i32
          %dma_wait3A_338 = tpu.memref_slice %arg4[%arg0, %mul3A_0, %dma_wait3A_337] : memref<2x2560x128xi32, #tpu.memory_space<hbm>> -> memref<1x16x128xi32, #tpu.memory_space<hbm>>
          %dma_wait3A_339 = tpu.memref_squeeze %dma_wait3A_338 : memref<1x16x128xi32, #tpu.memory_space<hbm>> -> memref<16x128xi32, #tpu.memory_space<hbm>>
          tpu.wait_dma2 semaphore(%dma_wait3A_332 : memref<!tpu.dma_semaphore, #tpu.memory_space<semaphore_mem>>) src(%dma_wait3A_339 : memref<16x128xi32, #tpu.memory_space<hbm>>) dst(%dma_wait3A_336 : memref<16x128xi32, #tpu.memory_space<vmem>>)
        } else {
        }
      } else {
      }
      %eq3A_201 = arith.constant 1 : i32
      %eq3A_202 = arith.cmpi eq, %rem3A_192, %eq3A_201 : i32
      %convert_element_type3A_203 = arith.extui %eq3A_202 : i1 to i32
      %cond3A_204 = arith.constant 0 : i32
      %cond3A_205 = arith.cmpi ne, %convert_element_type3A_203, %cond3A_204 : i32
      scf.if %cond3A_205 {
        %eq3A_289 = arith.constant 0 : i32
        %eq3A_290 = arith.cmpi eq, %rem3A_194, %eq3A_289 : i32
        %add3A_291 = arith.constant 2 : i32
        %add3A_292 = arith.addi %select_n3A, %add3A_291 : i32
        %lt3A = arith.constant 10 : i32
        %lt3A_293 = arith.cmpi slt, %add3A_292, %lt3A : i32
        %and3A_294 = arith.andi %eq3A_290, %lt3A_293 : i1
        %convert_element_type3A_295 = arith.extui %and3A_294 : i1 to i32
        %cond3A_296 = arith.constant 0 : i32
        %cond3A_297 = arith.cmpi ne, %convert_element_type3A_295, %cond3A_296 : i32
        scf.if %cond3A_297 {
          %add3A_318 = arith.constant 2 : i32
          %add3A_319 = arith.addi %select_n3A, %add3A_318 : i32
          %mul3A_320 = arith.constant 16 : i32
          %mul3A_321 = arith.muli %add3A_319, %mul3A_320 : i32
          %add3A_322 = arith.addi %mul3A_0, %mul3A_321 : i32
          %dma_start3A_323 = arith.constant 2 : i32
          %dma_start3A_324 = arith.constant 2 : i32
          %dma_start3A_325 = arith.constant 0 : i32
          %dma_start3A_326 = arith.constant 0 : i32
          %dma_start3A_327 = tpu.memref_slice %arg6[%dma_start3A_323, %dma_start3A_325, %dma_start3A_326] : memref<3x16x128xi32, #tpu.memory_space<vmem>> -> memref<1x16x128xi32, #tpu.memory_space<vmem>>
          %dma_start3A_328 = tpu.memref_squeeze %dma_start3A_327 : memref<1x16x128xi32, #tpu.memory_space<vmem>> -> memref<16x128xi32, #tpu.memory_space<vmem>>
          %dma_start3A_329 = arith.constant 0 : i32
          %dma_start3A_330 = tpu.memref_slice %arg3[%arg0, %add3A_322, %dma_start3A_329] : memref<2x2560x128xi32, #tpu.memory_space<hbm>> -> memref<1x16x128xi32, #tpu.memory_space<hbm>>
          %dma_start3A_331 = tpu.memref_squeeze %dma_start3A_330 : memref<1x16x128xi32, #tpu.memory_space<hbm>> -> memref<16x128xi32, #tpu.memory_space<hbm>>
          %dma_start3A_332 = tpu.memref_slice %arg10[%dma_start3A_324] : memref<3x!tpu.dma_semaphore, #tpu.memory_space<semaphore_mem>> -> memref<1x!tpu.dma_semaphore, #tpu.memory_space<semaphore_mem>>
          %dma_start3A_333 = tpu.memref_squeeze %dma_start3A_332 : memref<1x!tpu.dma_semaphore, #tpu.memory_space<semaphore_mem>> -> memref<!tpu.dma_semaphore, #tpu.memory_space<semaphore_mem>>
          %dma_start3A_334 = arith.constant 0 : i32
          %dma_start3A_335 = arith.constant 0 : i32
          %dma_start3A_336 = tpu.memref_slice %arg6[%dma_start3A_323, %dma_start3A_334, %dma_start3A_335] : memref<3x16x128xi32, #tpu.memory_space<vmem>> -> memref<1x16x128xi32, #tpu.memory_space<vmem>>
          %dma_start3A_337 = tpu.memref_squeeze %dma_start3A_336 : memref<1x16x128xi32, #tpu.memory_space<vmem>> -> memref<16x128xi32, #tpu.memory_space<vmem>>
          %dma_start3A_338 = arith.constant 0 : i32
          %dma_start3A_339 = tpu.memref_slice %arg3[%arg0, %add3A_322, %dma_start3A_338] : memref<2x2560x128xi32, #tpu.memory_space<hbm>> -> memref<1x16x128xi32, #tpu.memory_space<hbm>>
          %dma_start3A_340 = tpu.memref_squeeze %dma_start3A_339 : memref<1x16x128xi32, #tpu.memory_space<hbm>> -> memref<16x128xi32, #tpu.memory_space<hbm>>
          tpu.enqueue_dma source(%dma_start3A_340 : memref<16x128xi32, #tpu.memory_space<hbm>>) target(%dma_start3A_337 : memref<16x128xi32, #tpu.memory_space<vmem>>) target_semaphore(%dma_start3A_333 : memref<!tpu.dma_semaphore, #tpu.memory_space<semaphore_mem>>)
          %add3A_341 = arith.constant 2 : i32
          %add3A_342 = arith.addi %select_n3A, %add3A_341 : i32
          %mul3A_343 = arith.constant 16 : i32
          %mul3A_344 = arith.muli %add3A_342, %mul3A_343 : i32
          %add3A_345 = arith.addi %mul3A_0, %mul3A_344 : i32
          %dma_start3A_346 = arith.constant 2 : i32
          %dma_start3A_347 = arith.constant 2 : i32
          %dma_start3A_348 = arith.constant 0 : i32
          %dma_start3A_349 = arith.constant 0 : i32
          %dma_start3A_350 = tpu.memref_slice %arg7[%dma_start3A_346, %dma_start3A_348, %dma_start3A_349] : memref<3x16x128xi32, #tpu.memory_space<vmem>> -> memref<1x16x128xi32, #tpu.memory_space<vmem>>
          %dma_start3A_351 = tpu.memref_squeeze %dma_start3A_350 : memref<1x16x128xi32, #tpu.memory_space<vmem>> -> memref<16x128xi32, #tpu.memory_space<vmem>>
          %dma_start3A_352 = arith.constant 0 : i32
          %dma_start3A_353 = tpu.memref_slice %arg4[%arg0, %add3A_345, %dma_start3A_352] : memref<2x2560x128xi32, #tpu.memory_space<hbm>> -> memref<1x16x128xi32, #tpu.memory_space<hbm>>
          %dma_start3A_354 = tpu.memref_squeeze %dma_start3A_353 : memref<1x16x128xi32, #tpu.memory_space<hbm>> -> memref<16x128xi32, #tpu.memory_space<hbm>>
          %dma_start3A_355 = tpu.memref_slice %arg11[%dma_start3A_347] : memref<3x!tpu.dma_semaphore, #tpu.memory_space<semaphore_mem>> -> memref<1x!tpu.dma_semaphore, #tpu.memory_space<semaphore_mem>>
          %dma_start3A_356 = tpu.memref_squeeze %dma_start3A_355 : memref<1x!tpu.dma_semaphore, #tpu.memory_space<semaphore_mem>> -> memref<!tpu.dma_semaphore, #tpu.memory_space<semaphore_mem>>
          %dma_start3A_357 = arith.constant 0 : i32
          %dma_start3A_358 = arith.constant 0 : i32
          %dma_start3A_359 = tpu.memref_slice %arg7[%dma_start3A_346, %dma_start3A_357, %dma_start3A_358] : memref<3x16x128xi32, #tpu.memory_space<vmem>> -> memref<1x16x128xi32, #tpu.memory_space<vmem>>
          %dma_start3A_360 = tpu.memref_squeeze %dma_start3A_359 : memref<1x16x128xi32, #tpu.memory_space<vmem>> -> memref<16x128xi32, #tpu.memory_space<vmem>>
          %dma_start3A_361 = arith.constant 0 : i32
          %dma_start3A_362 = tpu.memref_slice %arg4[%arg0, %add3A_345, %dma_start3A_361] : memref<2x2560x128xi32, #tpu.memory_space<hbm>> -> memref<1x16x128xi32, #tpu.memory_space<hbm>>
          %dma_start3A_363 = tpu.memref_squeeze %dma_start3A_362 : memref<1x16x128xi32, #tpu.memory_space<hbm>> -> memref<16x128xi32, #tpu.memory_space<hbm>>
          tpu.enqueue_dma source(%dma_start3A_363 : memref<16x128xi32, #tpu.memory_space<hbm>>) target(%dma_start3A_360 : memref<16x128xi32, #tpu.memory_space<vmem>>) target_semaphore(%dma_start3A_356 : memref<!tpu.dma_semaphore, #tpu.memory_space<semaphore_mem>>)
        } else {
        }
        %eq3A_298 = arith.constant 1 : i32
        %eq3A_299 = arith.cmpi eq, %rem3A_194, %eq3A_298 : i32
        %add3A_300 = arith.constant 2 : i32
        %add3A_301 = arith.addi %select_n3A, %add3A_300 : i32
        %lt3A_302 = arith.constant 10 : i32
        %lt3A_303 = arith.cmpi slt, %add3A_301, %lt3A_302 : i32
        %and3A_304 = arith.andi %eq3A_299, %lt3A_303 : i1
        %convert_element_type3A_305 = arith.extui %and3A_304 : i1 to i32
        %cond3A_306 = arith.constant 0 : i32
        %cond3A_307 = arith.cmpi ne, %convert_element_type3A_305, %cond3A_306 : i32
        scf.if %cond3A_307 {
          %add3A_318 = arith.constant 2 : i32
          %add3A_319 = arith.addi %select_n3A, %add3A_318 : i32
          %mul3A_320 = arith.constant 16 : i32
          %mul3A_321 = arith.muli %add3A_319, %mul3A_320 : i32
          %add3A_322 = arith.addi %mul3A_0, %mul3A_321 : i32
          %dma_start3A_323 = arith.constant 0 : i32
          %dma_start3A_324 = arith.constant 0 : i32
          %dma_start3A_325 = arith.constant 0 : i32
          %dma_start3A_326 = arith.constant 0 : i32
          %dma_start3A_327 = tpu.memref_slice %arg6[%dma_start3A_323, %dma_start3A_325, %dma_start3A_326] : memref<3x16x128xi32, #tpu.memory_space<vmem>> -> memref<1x16x128xi32, #tpu.memory_space<vmem>>
          %dma_start3A_328 = tpu.memref_squeeze %dma_start3A_327 : memref<1x16x128xi32, #tpu.memory_space<vmem>> -> memref<16x128xi32, #tpu.memory_space<vmem>>
          %dma_start3A_329 = arith.constant 0 : i32
          %dma_start3A_330 = tpu.memref_slice %arg3[%arg0, %add3A_322, %dma_start3A_329] : memref<2x2560x128xi32, #tpu.memory_space<hbm>> -> memref<1x16x128xi32, #tpu.memory_space<hbm>>
          %dma_start3A_331 = tpu.memref_squeeze %dma_start3A_330 : memref<1x16x128xi32, #tpu.memory_space<hbm>> -> memref<16x128xi32, #tpu.memory_space<hbm>>
          %dma_start3A_332 = tpu.memref_slice %arg10[%dma_start3A_324] : memref<3x!tpu.dma_semaphore, #tpu.memory_space<semaphore_mem>> -> memref<1x!tpu.dma_semaphore, #tpu.memory_space<semaphore_mem>>
          %dma_start3A_333 = tpu.memref_squeeze %dma_start3A_332 : memref<1x!tpu.dma_semaphore, #tpu.memory_space<semaphore_mem>> -> memref<!tpu.dma_semaphore, #tpu.memory_space<semaphore_mem>>
          %dma_start3A_334 = arith.constant 0 : i32
          %dma_start3A_335 = arith.constant 0 : i32
          %dma_start3A_336 = tpu.memref_slice %arg6[%dma_start3A_323, %dma_start3A_334, %dma_start3A_335] : memref<3x16x128xi32, #tpu.memory_space<vmem>> -> memref<1x16x128xi32, #tpu.memory_space<vmem>>
          %dma_start3A_337 = tpu.memref_squeeze %dma_start3A_336 : memref<1x16x128xi32, #tpu.memory_space<vmem>> -> memref<16x128xi32, #tpu.memory_space<vmem>>
          %dma_start3A_338 = arith.constant 0 : i32
          %dma_start3A_339 = tpu.memref_slice %arg3[%arg0, %add3A_322, %dma_start3A_338] : memref<2x2560x128xi32, #tpu.memory_space<hbm>> -> memref<1x16x128xi32, #tpu.memory_space<hbm>>
          %dma_start3A_340 = tpu.memref_squeeze %dma_start3A_339 : memref<1x16x128xi32, #tpu.memory_space<hbm>> -> memref<16x128xi32, #tpu.memory_space<hbm>>
          tpu.enqueue_dma source(%dma_start3A_340 : memref<16x128xi32, #tpu.memory_space<hbm>>) target(%dma_start3A_337 : memref<16x128xi32, #tpu.memory_space<vmem>>) target_semaphore(%dma_start3A_333 : memref<!tpu.dma_semaphore, #tpu.memory_space<semaphore_mem>>)
          %add3A_341 = arith.constant 2 : i32
          %add3A_342 = arith.addi %select_n3A, %add3A_341 : i32
          %mul3A_343 = arith.constant 16 : i32
          %mul3A_344 = arith.muli %add3A_342, %mul3A_343 : i32
          %add3A_345 = arith.addi %mul3A_0, %mul3A_344 : i32
          %dma_start3A_346 = arith.constant 0 : i32
          %dma_start3A_347 = arith.constant 0 : i32
          %dma_start3A_348 = arith.constant 0 : i32
          %dma_start3A_349 = arith.constant 0 : i32
          %dma_start3A_350 = tpu.memref_slice %arg7[%dma_start3A_346, %dma_start3A_348, %dma_start3A_349] : memref<3x16x128xi32, #tpu.memory_space<vmem>> -> memref<1x16x128xi32, #tpu.memory_space<vmem>>
          %dma_start3A_351 = tpu.memref_squeeze %dma_start3A_350 : memref<1x16x128xi32, #tpu.memory_space<vmem>> -> memref<16x128xi32, #tpu.memory_space<vmem>>
          %dma_start3A_352 = arith.constant 0 : i32
          %dma_start3A_353 = tpu.memref_slice %arg4[%arg0, %add3A_345, %dma_start3A_352] : memref<2x2560x128xi32, #tpu.memory_space<hbm>> -> memref<1x16x128xi32, #tpu.memory_space<hbm>>
          %dma_start3A_354 = tpu.memref_squeeze %dma_start3A_353 : memref<1x16x128xi32, #tpu.memory_space<hbm>> -> memref<16x128xi32, #tpu.memory_space<hbm>>
          %dma_start3A_355 = tpu.memref_slice %arg11[%dma_start3A_347] : memref<3x!tpu.dma_semaphore, #tpu.memory_space<semaphore_mem>> -> memref<1x!tpu.dma_semaphore, #tpu.memory_space<semaphore_mem>>
          %dma_start3A_356 = tpu.memref_squeeze %dma_start3A_355 : memref<1x!tpu.dma_semaphore, #tpu.memory_space<semaphore_mem>> -> memref<!tpu.dma_semaphore, #tpu.memory_space<semaphore_mem>>
          %dma_start3A_357 = arith.constant 0 : i32
          %dma_start3A_358 = arith.constant 0 : i32
          %dma_start3A_359 = tpu.memref_slice %arg7[%dma_start3A_346, %dma_start3A_357, %dma_start3A_358] : memref<3x16x128xi32, #tpu.memory_space<vmem>> -> memref<1x16x128xi32, #tpu.memory_space<vmem>>
          %dma_start3A_360 = tpu.memref_squeeze %dma_start3A_359 : memref<1x16x128xi32, #tpu.memory_space<vmem>> -> memref<16x128xi32, #tpu.memory_space<vmem>>
          %dma_start3A_361 = arith.constant 0 : i32
          %dma_start3A_362 = tpu.memref_slice %arg4[%arg0, %add3A_345, %dma_start3A_361] : memref<2x2560x128xi32, #tpu.memory_space<hbm>> -> memref<1x16x128xi32, #tpu.memory_space<hbm>>
          %dma_start3A_363 = tpu.memref_squeeze %dma_start3A_362 : memref<1x16x128xi32, #tpu.memory_space<hbm>> -> memref<16x128xi32, #tpu.memory_space<hbm>>
          tpu.enqueue_dma source(%dma_start3A_363 : memref<16x128xi32, #tpu.memory_space<hbm>>) target(%dma_start3A_360 : memref<16x128xi32, #tpu.memory_space<vmem>>) target_semaphore(%dma_start3A_356 : memref<!tpu.dma_semaphore, #tpu.memory_space<semaphore_mem>>)
        } else {
        }
        %eq3A_308 = arith.constant 2 : i32
        %eq3A_309 = arith.cmpi eq, %rem3A_194, %eq3A_308 : i32
        %add3A_310 = arith.constant 2 : i32
        %add3A_311 = arith.addi %select_n3A, %add3A_310 : i32
        %lt3A_312 = arith.constant 10 : i32
        %lt3A_313 = arith.cmpi slt, %add3A_311, %lt3A_312 : i32
        %and3A_314 = arith.andi %eq3A_309, %lt3A_313 : i1
        %convert_element_type3A_315 = arith.extui %and3A_314 : i1 to i32
        %cond3A_316 = arith.constant 0 : i32
        %cond3A_317 = arith.cmpi ne, %convert_element_type3A_315, %cond3A_316 : i32
        scf.if %cond3A_317 {
          %add3A_318 = arith.constant 2 : i32
          %add3A_319 = arith.addi %select_n3A, %add3A_318 : i32
          %mul3A_320 = arith.constant 16 : i32
          %mul3A_321 = arith.muli %add3A_319, %mul3A_320 : i32
          %add3A_322 = arith.addi %mul3A_0, %mul3A_321 : i32
          %dma_start3A_323 = arith.constant 1 : i32
          %dma_start3A_324 = arith.constant 1 : i32
          %dma_start3A_325 = arith.constant 0 : i32
          %dma_start3A_326 = arith.constant 0 : i32
          %dma_start3A_327 = tpu.memref_slice %arg6[%dma_start3A_323, %dma_start3A_325, %dma_start3A_326] : memref<3x16x128xi32, #tpu.memory_space<vmem>> -> memref<1x16x128xi32, #tpu.memory_space<vmem>>
          %dma_start3A_328 = tpu.memref_squeeze %dma_start3A_327 : memref<1x16x128xi32, #tpu.memory_space<vmem>> -> memref<16x128xi32, #tpu.memory_space<vmem>>
          %dma_start3A_329 = arith.constant 0 : i32
          %dma_start3A_330 = tpu.memref_slice %arg3[%arg0, %add3A_322, %dma_start3A_329] : memref<2x2560x128xi32, #tpu.memory_space<hbm>> -> memref<1x16x128xi32, #tpu.memory_space<hbm>>
          %dma_start3A_331 = tpu.memref_squeeze %dma_start3A_330 : memref<1x16x128xi32, #tpu.memory_space<hbm>> -> memref<16x128xi32, #tpu.memory_space<hbm>>
          %dma_start3A_332 = tpu.memref_slice %arg10[%dma_start3A_324] : memref<3x!tpu.dma_semaphore, #tpu.memory_space<semaphore_mem>> -> memref<1x!tpu.dma_semaphore, #tpu.memory_space<semaphore_mem>>
          %dma_start3A_333 = tpu.memref_squeeze %dma_start3A_332 : memref<1x!tpu.dma_semaphore, #tpu.memory_space<semaphore_mem>> -> memref<!tpu.dma_semaphore, #tpu.memory_space<semaphore_mem>>
          %dma_start3A_334 = arith.constant 0 : i32
          %dma_start3A_335 = arith.constant 0 : i32
          %dma_start3A_336 = tpu.memref_slice %arg6[%dma_start3A_323, %dma_start3A_334, %dma_start3A_335] : memref<3x16x128xi32, #tpu.memory_space<vmem>> -> memref<1x16x128xi32, #tpu.memory_space<vmem>>
          %dma_start3A_337 = tpu.memref_squeeze %dma_start3A_336 : memref<1x16x128xi32, #tpu.memory_space<vmem>> -> memref<16x128xi32, #tpu.memory_space<vmem>>
          %dma_start3A_338 = arith.constant 0 : i32
          %dma_start3A_339 = tpu.memref_slice %arg3[%arg0, %add3A_322, %dma_start3A_338] : memref<2x2560x128xi32, #tpu.memory_space<hbm>> -> memref<1x16x128xi32, #tpu.memory_space<hbm>>
          %dma_start3A_340 = tpu.memref_squeeze %dma_start3A_339 : memref<1x16x128xi32, #tpu.memory_space<hbm>> -> memref<16x128xi32, #tpu.memory_space<hbm>>
          tpu.enqueue_dma source(%dma_start3A_340 : memref<16x128xi32, #tpu.memory_space<hbm>>) target(%dma_start3A_337 : memref<16x128xi32, #tpu.memory_space<vmem>>) target_semaphore(%dma_start3A_333 : memref<!tpu.dma_semaphore, #tpu.memory_space<semaphore_mem>>)
          %add3A_341 = arith.constant 2 : i32
          %add3A_342 = arith.addi %select_n3A, %add3A_341 : i32
          %mul3A_343 = arith.constant 16 : i32
          %mul3A_344 = arith.muli %add3A_342, %mul3A_343 : i32
          %add3A_345 = arith.addi %mul3A_0, %mul3A_344 : i32
          %dma_start3A_346 = arith.constant 1 : i32
          %dma_start3A_347 = arith.constant 1 : i32
          %dma_start3A_348 = arith.constant 0 : i32
          %dma_start3A_349 = arith.constant 0 : i32
          %dma_start3A_350 = tpu.memref_slice %arg7[%dma_start3A_346, %dma_start3A_348, %dma_start3A_349] : memref<3x16x128xi32, #tpu.memory_space<vmem>> -> memref<1x16x128xi32, #tpu.memory_space<vmem>>
          %dma_start3A_351 = tpu.memref_squeeze %dma_start3A_350 : memref<1x16x128xi32, #tpu.memory_space<vmem>> -> memref<16x128xi32, #tpu.memory_space<vmem>>
          %dma_start3A_352 = arith.constant 0 : i32
          %dma_start3A_353 = tpu.memref_slice %arg4[%arg0, %add3A_345, %dma_start3A_352] : memref<2x2560x128xi32, #tpu.memory_space<hbm>> -> memref<1x16x128xi32, #tpu.memory_space<hbm>>
          %dma_start3A_354 = tpu.memref_squeeze %dma_start3A_353 : memref<1x16x128xi32, #tpu.memory_space<hbm>> -> memref<16x128xi32, #tpu.memory_space<hbm>>
          %dma_start3A_355 = tpu.memref_slice %arg11[%dma_start3A_347] : memref<3x!tpu.dma_semaphore, #tpu.memory_space<semaphore_mem>> -> memref<1x!tpu.dma_semaphore, #tpu.memory_space<semaphore_mem>>
          %dma_start3A_356 = tpu.memref_squeeze %dma_start3A_355 : memref<1x!tpu.dma_semaphore, #tpu.memory_space<semaphore_mem>> -> memref<!tpu.dma_semaphore, #tpu.memory_space<semaphore_mem>>
          %dma_start3A_357 = arith.constant 0 : i32
          %dma_start3A_358 = arith.constant 0 : i32
          %dma_start3A_359 = tpu.memref_slice %arg7[%dma_start3A_346, %dma_start3A_357, %dma_start3A_358] : memref<3x16x128xi32, #tpu.memory_space<vmem>> -> memref<1x16x128xi32, #tpu.memory_space<vmem>>
          %dma_start3A_360 = tpu.memref_squeeze %dma_start3A_359 : memref<1x16x128xi32, #tpu.memory_space<vmem>> -> memref<16x128xi32, #tpu.memory_space<vmem>>
          %dma_start3A_361 = arith.constant 0 : i32
          %dma_start3A_362 = tpu.memref_slice %arg4[%arg0, %add3A_345, %dma_start3A_361] : memref<2x2560x128xi32, #tpu.memory_space<hbm>> -> memref<1x16x128xi32, #tpu.memory_space<hbm>>
          %dma_start3A_363 = tpu.memref_squeeze %dma_start3A_362 : memref<1x16x128xi32, #tpu.memory_space<hbm>> -> memref<16x128xi32, #tpu.memory_space<hbm>>
          tpu.enqueue_dma source(%dma_start3A_363 : memref<16x128xi32, #tpu.memory_space<hbm>>) target(%dma_start3A_360 : memref<16x128xi32, #tpu.memory_space<vmem>>) target_semaphore(%dma_start3A_356 : memref<!tpu.dma_semaphore, #tpu.memory_space<semaphore_mem>>)
        } else {
        }
      } else {
      }
      %dma_start3A_206 = arith.constant 0 : i32
      %dma_start3A_207 = arith.constant 0 : i32
      %dma_start3A_208 = arith.constant 0 : i32
      %dma_start3A_209 = arith.constant 0 : i32
      %dma_start3A_210 = tpu.memref_slice %arg8[%dma_start3A_206, %dma_start3A_208, %dma_start3A_209] : memref<2x128x128xf32, #tpu.memory_space<vmem>> -> memref<1x128x128xf32, #tpu.memory_space<vmem>>
      %dma_start3A_211 = tpu.memref_squeeze %dma_start3A_210 : memref<1x128x128xf32, #tpu.memory_space<vmem>> -> memref<128x128xf32, #tpu.memory_space<vmem>>
      %dma_start3A_212 = arith.constant 0 : i32
      %dma_start3A_213 = tpu.memref_slice %arg6[%rem3A_194, %rem3A_192, %dma_start3A_212] : memref<3x16x128xi32, #tpu.memory_space<vmem>> -> memref<1x1x128xi32, #tpu.memory_space<vmem>>
      %dma_start3A_214 = tpu.memref_squeeze %dma_start3A_213 : memref<1x1x128xi32, #tpu.memory_space<vmem>> -> memref<128xi32, #tpu.memory_space<vmem>>
      %dma_start3A_215 = arith.constant 0 : i32
      %dma_start3A_216 = arith.constant 0 : i32
      %dma_start3A_217 = tpu.memref_slice %arg2[%dma_start3A_215, %dma_start3A_216] : memref<20480x128xf32, #tpu.memory_space<hbm>> -> memref<20480x128xf32, #tpu.memory_space<hbm>>
      %dma_start3A_218 = tpu.memref_slice %arg12[%dma_start3A_207] : memref<2x!tpu.dma_semaphore, #tpu.memory_space<semaphore_mem>> -> memref<1x!tpu.dma_semaphore, #tpu.memory_space<semaphore_mem>>
      %dma_start3A_219 = tpu.memref_squeeze %dma_start3A_218 : memref<1x!tpu.dma_semaphore, #tpu.memory_space<semaphore_mem>> -> memref<!tpu.dma_semaphore, #tpu.memory_space<semaphore_mem>>
      tpu.enqueue_indirect_dma source(%dma_start3A_217 : memref<20480x128xf32, #tpu.memory_space<hbm>>) target(%dma_start3A_211 : memref<128x128xf32, #tpu.memory_space<vmem>>) offsets(%dma_start3A_214 : memref<128xi32, #tpu.memory_space<vmem>>) semaphore(%dma_start3A_219 : memref<!tpu.dma_semaphore, #tpu.memory_space<semaphore_mem>>)
      %ge3A_220 = arith.constant 1 : i32
      %ge3A_221 = arith.cmpi sge, %add3A_173, %ge3A_220 : i32
      %convert_element_type3A_222 = arith.extui %ge3A_221 : i1 to i32
      %cond3A_223 = arith.constant 0 : i32
      %cond3A_224 = arith.cmpi ne, %convert_element_type3A_222, %cond3A_223 : i32
      scf.if %cond3A_224 {
        %dma_wait3A_289 = arith.constant 0 : i32
        %dma_wait3A_290 = arith.constant 0 : i32
        %dma_wait3A_291 = arith.constant 1 : i32
        %dma_wait3A_292 = arith.constant 1 : i32
        %dma_wait3A_293 = arith.constant 0 : i32
        %dma_wait3A_294 = arith.constant 0 : i32
        %dma_wait3A_295 = tpu.memref_slice %arg8[%dma_wait3A_291, %dma_wait3A_293, %dma_wait3A_294] : memref<2x128x128xf32, #tpu.memory_space<vmem>> -> memref<1x128x128xf32, #tpu.memory_space<vmem>>
        %dma_wait3A_296 = tpu.memref_squeeze %dma_wait3A_295 : memref<1x128x128xf32, #tpu.memory_space<vmem>> -> memref<128x128xf32, #tpu.memory_space<vmem>>
        %dma_wait3A_297 = arith.constant 0 : i32
        %dma_wait3A_298 = tpu.memref_slice %arg6[%dma_wait3A_289, %dma_wait3A_290, %dma_wait3A_297] : memref<3x16x128xi32, #tpu.memory_space<vmem>> -> memref<1x1x128xi32, #tpu.memory_space<vmem>>
        %dma_wait3A_299 = tpu.memref_squeeze %dma_wait3A_298 : memref<1x1x128xi32, #tpu.memory_space<vmem>> -> memref<128xi32, #tpu.memory_space<vmem>>
        %dma_wait3A_300 = arith.constant 0 : i32
        %dma_wait3A_301 = arith.constant 0 : i32
        %dma_wait3A_302 = tpu.memref_slice %arg2[%dma_wait3A_300, %dma_wait3A_301] : memref<20480x128xf32, #tpu.memory_space<hbm>> -> memref<20480x128xf32, #tpu.memory_space<hbm>>
        %dma_wait3A_303 = tpu.memref_slice %arg12[%dma_wait3A_292] : memref<2x!tpu.dma_semaphore, #tpu.memory_space<semaphore_mem>> -> memref<1x!tpu.dma_semaphore, #tpu.memory_space<semaphore_mem>>
        %dma_wait3A_304 = tpu.memref_squeeze %dma_wait3A_303 : memref<1x!tpu.dma_semaphore, #tpu.memory_space<semaphore_mem>> -> memref<!tpu.dma_semaphore, #tpu.memory_space<semaphore_mem>>
        tpu.wait_indirect_dma semaphore(%dma_wait3A_304 : memref<!tpu.dma_semaphore, #tpu.memory_space<semaphore_mem>>) src(%dma_wait3A_302 : memref<20480x128xf32, #tpu.memory_space<hbm>>) dst(%dma_wait3A_296 : memref<128x128xf32, #tpu.memory_space<vmem>>)
        %sub3A_305 = arith.constant 1 : i32
        %sub3A_306 = arith.subi %add3A_173, %sub3A_305 : i32
        %jit3A_307 = arith.constant 16 : i32
        %div3A_308 = arith.divsi %sub3A_306, %jit3A_307 : i32
        %sign3A_309 = arith.constant 0 : i32
        %sign3A_310 = arith.cmpi sgt, %sub3A_306, %sign3A_309 : i32
        %sign3A_311 = arith.extui %sign3A_310 : i1 to i32
        %sign3A_312 = arith.constant 0 : i32
        %sign3A_313 = arith.cmpi slt, %sub3A_306, %sign3A_312 : i32
        %sign3A_314 = arith.extui %sign3A_313 : i1 to i32
        %sign3A_315 = arith.subi %sign3A_311, %sign3A_314 : i32
        %sign3A_316 = arith.constant 0 : i32
        %sign3A_317 = arith.cmpi sgt, %jit3A_307, %sign3A_316 : i32
        %sign3A_318 = arith.extui %sign3A_317 : i1 to i32
        %sign3A_319 = arith.constant 0 : i32
        %sign3A_320 = arith.cmpi slt, %jit3A_307, %sign3A_319 : i32
        %sign3A_321 = arith.extui %sign3A_320 : i1 to i32
        %sign3A_322 = arith.subi %sign3A_318, %sign3A_321 : i32
        %ne3A_323 = arith.cmpi ne, %sign3A_315, %sign3A_322 : i32
        %rem3A_324 = arith.remsi %sub3A_306, %jit3A_307 : i32
        %ne3A_325 = arith.constant 0 : i32
        %ne3A_326 = arith.cmpi ne, %rem3A_324, %ne3A_325 : i32
        %and3A_327 = arith.andi %ne3A_323, %ne3A_326 : i1
        %sub3A_328 = arith.constant 1 : i32
        %sub3A_329 = arith.subi %div3A_308, %sub3A_328 : i32
        %select_n3A_330 = arith.select %and3A_327, %sub3A_329, %div3A_308 : i32
        %rem3A_331 = arith.constant 16 : i32
        %rem3A_332 = arith.remsi %sub3A_306, %rem3A_331 : i32
        %rem3A_333 = arith.constant 3 : i32
        %rem3A_334 = arith.remsi %select_n3A_330, %rem3A_333 : i32
        %dma_start3A_335 = arith.constant 1 : i32
        %dma_start3A_336 = arith.constant 1 : i32
        %dma_start3A_337 = arith.constant 0 : i32
        %dma_start3A_338 = arith.constant 0 : i32
        %dma_start3A_339 = tpu.memref_slice %arg8[%dma_start3A_335, %dma_start3A_337, %dma_start3A_338] : memref<2x128x128xf32, #tpu.memory_space<vmem>> -> memref<1x128x128xf32, #tpu.memory_space<vmem>>
        %dma_start3A_340 = tpu.memref_squeeze %dma_start3A_339 : memref<1x128x128xf32, #tpu.memory_space<vmem>> -> memref<128x128xf32, #tpu.memory_space<vmem>>
        %dma_start3A_341 = arith.constant 0 : i32
        %dma_start3A_342 = tpu.memref_slice %arg7[%rem3A_334, %rem3A_332, %dma_start3A_341] : memref<3x16x128xi32, #tpu.memory_space<vmem>> -> memref<1x1x128xi32, #tpu.memory_space<vmem>>
        %dma_start3A_343 = tpu.memref_squeeze %dma_start3A_342 : memref<1x1x128xi32, #tpu.memory_space<vmem>> -> memref<128xi32, #tpu.memory_space<vmem>>
        %dma_start3A_344 = arith.constant 0 : i32
        %dma_start3A_345 = arith.constant 0 : i32
        %dma_start3A_346 = tpu.memref_slice %arg9[%dma_start3A_344, %dma_start3A_345] : memref<10240x128xf32, #tpu.memory_space<vmem_shared>> -> memref<10240x128xf32, #tpu.memory_space<vmem_shared>>
        %dma_start3A_347 = tpu.memref_slice %arg13[%dma_start3A_336] : memref<2x!tpu.dma_semaphore, #tpu.memory_space<semaphore_mem>> -> memref<1x!tpu.dma_semaphore, #tpu.memory_space<semaphore_mem>>
        %dma_start3A_348 = tpu.memref_squeeze %dma_start3A_347 : memref<1x!tpu.dma_semaphore, #tpu.memory_space<semaphore_mem>> -> memref<!tpu.dma_semaphore, #tpu.memory_space<semaphore_mem>>
        tpu.enqueue_indirect_dma source(%dma_start3A_340 : memref<128x128xf32, #tpu.memory_space<vmem>>) target(%dma_start3A_346 : memref<10240x128xf32, #tpu.memory_space<vmem_shared>>) offsets(%dma_start3A_343 : memref<128xi32, #tpu.memory_space<vmem>>) semaphore(%dma_start3A_348 : memref<!tpu.dma_semaphore, #tpu.memory_space<semaphore_mem>>) {add = true}
      } else {
      }
      %add3A_225 = arith.constant 1 : i32
      %add3A_226 = arith.addi %add3A_171, %add3A_225 : i32
      %jit3A_227 = arith.constant 16 : i32
      %div3A_228 = arith.divsi %add3A_226, %jit3A_227 : i32
      %sign3A_229 = arith.constant 0 : i32
      %sign3A_230 = arith.cmpi sgt, %add3A_226, %sign3A_229 : i32
      %sign3A_231 = arith.extui %sign3A_230 : i1 to i32
      %sign3A_232 = arith.constant 0 : i32
      %sign3A_233 = arith.cmpi slt, %add3A_226, %sign3A_232 : i32
      %sign3A_234 = arith.extui %sign3A_233 : i1 to i32
      %sign3A_235 = arith.subi %sign3A_231, %sign3A_234 : i32
      %sign3A_236 = arith.constant 0 : i32
      %sign3A_237 = arith.cmpi sgt, %jit3A_227, %sign3A_236 : i32
      %sign3A_238 = arith.extui %sign3A_237 : i1 to i32
      %sign3A_239 = arith.constant 0 : i32
      %sign3A_240 = arith.cmpi slt, %jit3A_227, %sign3A_239 : i32
      %sign3A_241 = arith.extui %sign3A_240 : i1 to i32
      %sign3A_242 = arith.subi %sign3A_238, %sign3A_241 : i32
      %ne3A_243 = arith.cmpi ne, %sign3A_235, %sign3A_242 : i32
      %rem3A_244 = arith.remsi %add3A_226, %jit3A_227 : i32
      %ne3A_245 = arith.constant 0 : i32
      %ne3A_246 = arith.cmpi ne, %rem3A_244, %ne3A_245 : i32
      %and3A_247 = arith.andi %ne3A_243, %ne3A_246 : i1
      %sub3A_248 = arith.constant 1 : i32
      %sub3A_249 = arith.subi %div3A_228, %sub3A_248 : i32
      %select_n3A_250 = arith.select %and3A_247, %sub3A_249, %div3A_228 : i32
      %rem3A_251 = arith.constant 16 : i32
      %rem3A_252 = arith.remsi %add3A_226, %rem3A_251 : i32
      %rem3A_253 = arith.constant 3 : i32
      %rem3A_254 = arith.remsi %select_n3A_250, %rem3A_253 : i32
      %ge3A_255 = arith.constant 2 : i32
      %ge3A_256 = arith.cmpi sge, %add3A_226, %ge3A_255 : i32
      %convert_element_type3A_257 = arith.extui %ge3A_256 : i1 to i32
      %cond3A_258 = arith.constant 0 : i32
      %cond3A_259 = arith.cmpi ne, %convert_element_type3A_257, %cond3A_258 : i32
      scf.if %cond3A_259 {
        %dma_wait3A_289 = arith.constant 1 : i32
        %dma_wait3A_290 = arith.constant 0 : i32
        %dma_wait3A_291 = arith.constant 0 : i32
        %dma_wait3A_292 = arith.constant 1 : i32
        %dma_wait3A_293 = arith.constant 0 : i32
        %dma_wait3A_294 = arith.constant 0 : i32
        %dma_wait3A_295 = tpu.memref_slice %arg8[%dma_wait3A_289, %dma_wait3A_293, %dma_wait3A_294] : memref<2x128x128xf32, #tpu.memory_space<vmem>> -> memref<1x128x128xf32, #tpu.memory_space<vmem>>
        %dma_wait3A_296 = tpu.memref_squeeze %dma_wait3A_295 : memref<1x128x128xf32, #tpu.memory_space<vmem>> -> memref<128x128xf32, #tpu.memory_space<vmem>>
        %dma_wait3A_297 = arith.constant 0 : i32
        %dma_wait3A_298 = tpu.memref_slice %arg7[%dma_wait3A_290, %dma_wait3A_291, %dma_wait3A_297] : memref<3x16x128xi32, #tpu.memory_space<vmem>> -> memref<1x1x128xi32, #tpu.memory_space<vmem>>
        %dma_wait3A_299 = tpu.memref_squeeze %dma_wait3A_298 : memref<1x1x128xi32, #tpu.memory_space<vmem>> -> memref<128xi32, #tpu.memory_space<vmem>>
        %dma_wait3A_300 = arith.constant 0 : i32
        %dma_wait3A_301 = arith.constant 0 : i32
        %dma_wait3A_302 = tpu.memref_slice %arg9[%dma_wait3A_300, %dma_wait3A_301] : memref<10240x128xf32, #tpu.memory_space<vmem_shared>> -> memref<10240x128xf32, #tpu.memory_space<vmem_shared>>
        %dma_wait3A_303 = tpu.memref_slice %arg13[%dma_wait3A_292] : memref<2x!tpu.dma_semaphore, #tpu.memory_space<semaphore_mem>> -> memref<1x!tpu.dma_semaphore, #tpu.memory_space<semaphore_mem>>
        %dma_wait3A_304 = tpu.memref_squeeze %dma_wait3A_303 : memref<1x!tpu.dma_semaphore, #tpu.memory_space<semaphore_mem>> -> memref<!tpu.dma_semaphore, #tpu.memory_space<semaphore_mem>>
        tpu.wait_indirect_dma semaphore(%dma_wait3A_304 : memref<!tpu.dma_semaphore, #tpu.memory_space<semaphore_mem>>) src(%dma_wait3A_296 : memref<128x128xf32, #tpu.memory_space<vmem>>) dst(%dma_wait3A_302 : memref<10240x128xf32, #tpu.memory_space<vmem_shared>>)
      } else {
      }
      %eq3A_260 = arith.constant 0 : i32
      %eq3A_261 = arith.cmpi eq, %rem3A_252, %eq3A_260 : i32
      %convert_element_type3A_262 = arith.extui %eq3A_261 : i1 to i32
      %cond3A_263 = arith.constant 0 : i32
      %cond3A_264 = arith.cmpi ne, %convert_element_type3A_262, %cond3A_263 : i32
      scf.if %cond3A_264 {
        %eq3A_289 = arith.constant 0 : i32
        %eq3A_290 = arith.cmpi eq, %rem3A_254, %eq3A_289 : i32
        %convert_element_type3A_291 = arith.extui %eq3A_290 : i1 to i32
        %cond3A_292 = arith.constant 0 : i32
        %cond3A_293 = arith.cmpi ne, %convert_element_type3A_291, %cond3A_292 : i32
        scf.if %cond3A_293 {
          %dma_wait3A_304 = arith.constant 0 : i32
          %dma_wait3A_305 = arith.constant 0 : i32
          %dma_wait3A_306 = arith.constant 0 : i32
          %dma_wait3A_307 = arith.constant 0 : i32
          %dma_wait3A_308 = tpu.memref_slice %arg6[%dma_wait3A_304, %dma_wait3A_306, %dma_wait3A_307] : memref<3x16x128xi32, #tpu.memory_space<vmem>> -> memref<1x16x128xi32, #tpu.memory_space<vmem>>
          %dma_wait3A_309 = tpu.memref_squeeze %dma_wait3A_308 : memref<1x16x128xi32, #tpu.memory_space<vmem>> -> memref<16x128xi32, #tpu.memory_space<vmem>>
          %dma_wait3A_310 = arith.constant 0 : i32
          %dma_wait3A_311 = tpu.memref_slice %arg3[%arg0, %mul3A_0, %dma_wait3A_310] : memref<2x2560x128xi32, #tpu.memory_space<hbm>> -> memref<1x16x128xi32, #tpu.memory_space<hbm>>
          %dma_wait3A_312 = tpu.memref_squeeze %dma_wait3A_311 : memref<1x16x128xi32, #tpu.memory_space<hbm>> -> memref<16x128xi32, #tpu.memory_space<hbm>>
          %dma_wait3A_313 = tpu.memref_slice %arg10[%dma_wait3A_305] : memref<3x!tpu.dma_semaphore, #tpu.memory_space<semaphore_mem>> -> memref<1x!tpu.dma_semaphore, #tpu.memory_space<semaphore_mem>>
          %dma_wait3A_314 = tpu.memref_squeeze %dma_wait3A_313 : memref<1x!tpu.dma_semaphore, #tpu.memory_space<semaphore_mem>> -> memref<!tpu.dma_semaphore, #tpu.memory_space<semaphore_mem>>
          %dma_wait3A_315 = arith.constant 0 : i32
          %dma_wait3A_316 = arith.constant 0 : i32
          %dma_wait3A_317 = tpu.memref_slice %arg6[%dma_wait3A_304, %dma_wait3A_315, %dma_wait3A_316] : memref<3x16x128xi32, #tpu.memory_space<vmem>> -> memref<1x16x128xi32, #tpu.memory_space<vmem>>
          %dma_wait3A_318 = tpu.memref_squeeze %dma_wait3A_317 : memref<1x16x128xi32, #tpu.memory_space<vmem>> -> memref<16x128xi32, #tpu.memory_space<vmem>>
          %dma_wait3A_319 = arith.constant 0 : i32
          %dma_wait3A_320 = tpu.memref_slice %arg3[%arg0, %mul3A_0, %dma_wait3A_319] : memref<2x2560x128xi32, #tpu.memory_space<hbm>> -> memref<1x16x128xi32, #tpu.memory_space<hbm>>
          %dma_wait3A_321 = tpu.memref_squeeze %dma_wait3A_320 : memref<1x16x128xi32, #tpu.memory_space<hbm>> -> memref<16x128xi32, #tpu.memory_space<hbm>>
          tpu.wait_dma2 semaphore(%dma_wait3A_314 : memref<!tpu.dma_semaphore, #tpu.memory_space<semaphore_mem>>) src(%dma_wait3A_321 : memref<16x128xi32, #tpu.memory_space<hbm>>) dst(%dma_wait3A_318 : memref<16x128xi32, #tpu.memory_space<vmem>>)
          %dma_wait3A_322 = arith.constant 0 : i32
          %dma_wait3A_323 = arith.constant 0 : i32
          %dma_wait3A_324 = arith.constant 0 : i32
          %dma_wait3A_325 = arith.constant 0 : i32
          %dma_wait3A_326 = tpu.memref_slice %arg7[%dma_wait3A_322, %dma_wait3A_324, %dma_wait3A_325] : memref<3x16x128xi32, #tpu.memory_space<vmem>> -> memref<1x16x128xi32, #tpu.memory_space<vmem>>
          %dma_wait3A_327 = tpu.memref_squeeze %dma_wait3A_326 : memref<1x16x128xi32, #tpu.memory_space<vmem>> -> memref<16x128xi32, #tpu.memory_space<vmem>>
          %dma_wait3A_328 = arith.constant 0 : i32
          %dma_wait3A_329 = tpu.memref_slice %arg4[%arg0, %mul3A_0, %dma_wait3A_328] : memref<2x2560x128xi32, #tpu.memory_space<hbm>> -> memref<1x16x128xi32, #tpu.memory_space<hbm>>
          %dma_wait3A_330 = tpu.memref_squeeze %dma_wait3A_329 : memref<1x16x128xi32, #tpu.memory_space<hbm>> -> memref<16x128xi32, #tpu.memory_space<hbm>>
          %dma_wait3A_331 = tpu.memref_slice %arg11[%dma_wait3A_323] : memref<3x!tpu.dma_semaphore, #tpu.memory_space<semaphore_mem>> -> memref<1x!tpu.dma_semaphore, #tpu.memory_space<semaphore_mem>>
          %dma_wait3A_332 = tpu.memref_squeeze %dma_wait3A_331 : memref<1x!tpu.dma_semaphore, #tpu.memory_space<semaphore_mem>> -> memref<!tpu.dma_semaphore, #tpu.memory_space<semaphore_mem>>
          %dma_wait3A_333 = arith.constant 0 : i32
          %dma_wait3A_334 = arith.constant 0 : i32
          %dma_wait3A_335 = tpu.memref_slice %arg7[%dma_wait3A_322, %dma_wait3A_333, %dma_wait3A_334] : memref<3x16x128xi32, #tpu.memory_space<vmem>> -> memref<1x16x128xi32, #tpu.memory_space<vmem>>
          %dma_wait3A_336 = tpu.memref_squeeze %dma_wait3A_335 : memref<1x16x128xi32, #tpu.memory_space<vmem>> -> memref<16x128xi32, #tpu.memory_space<vmem>>
          %dma_wait3A_337 = arith.constant 0 : i32
          %dma_wait3A_338 = tpu.memref_slice %arg4[%arg0, %mul3A_0, %dma_wait3A_337] : memref<2x2560x128xi32, #tpu.memory_space<hbm>> -> memref<1x16x128xi32, #tpu.memory_space<hbm>>
          %dma_wait3A_339 = tpu.memref_squeeze %dma_wait3A_338 : memref<1x16x128xi32, #tpu.memory_space<hbm>> -> memref<16x128xi32, #tpu.memory_space<hbm>>
          tpu.wait_dma2 semaphore(%dma_wait3A_332 : memref<!tpu.dma_semaphore, #tpu.memory_space<semaphore_mem>>) src(%dma_wait3A_339 : memref<16x128xi32, #tpu.memory_space<hbm>>) dst(%dma_wait3A_336 : memref<16x128xi32, #tpu.memory_space<vmem>>)
        } else {
        }
        %eq3A_294 = arith.constant 1 : i32
        %eq3A_295 = arith.cmpi eq, %rem3A_254, %eq3A_294 : i32
        %convert_element_type3A_296 = arith.extui %eq3A_295 : i1 to i32
        %cond3A_297 = arith.constant 0 : i32
        %cond3A_298 = arith.cmpi ne, %convert_element_type3A_296, %cond3A_297 : i32
        scf.if %cond3A_298 {
          %dma_wait3A_304 = arith.constant 1 : i32
          %dma_wait3A_305 = arith.constant 1 : i32
          %dma_wait3A_306 = arith.constant 0 : i32
          %dma_wait3A_307 = arith.constant 0 : i32
          %dma_wait3A_308 = tpu.memref_slice %arg6[%dma_wait3A_304, %dma_wait3A_306, %dma_wait3A_307] : memref<3x16x128xi32, #tpu.memory_space<vmem>> -> memref<1x16x128xi32, #tpu.memory_space<vmem>>
          %dma_wait3A_309 = tpu.memref_squeeze %dma_wait3A_308 : memref<1x16x128xi32, #tpu.memory_space<vmem>> -> memref<16x128xi32, #tpu.memory_space<vmem>>
          %dma_wait3A_310 = arith.constant 0 : i32
          %dma_wait3A_311 = tpu.memref_slice %arg3[%arg0, %mul3A_0, %dma_wait3A_310] : memref<2x2560x128xi32, #tpu.memory_space<hbm>> -> memref<1x16x128xi32, #tpu.memory_space<hbm>>
          %dma_wait3A_312 = tpu.memref_squeeze %dma_wait3A_311 : memref<1x16x128xi32, #tpu.memory_space<hbm>> -> memref<16x128xi32, #tpu.memory_space<hbm>>
          %dma_wait3A_313 = tpu.memref_slice %arg10[%dma_wait3A_305] : memref<3x!tpu.dma_semaphore, #tpu.memory_space<semaphore_mem>> -> memref<1x!tpu.dma_semaphore, #tpu.memory_space<semaphore_mem>>
          %dma_wait3A_314 = tpu.memref_squeeze %dma_wait3A_313 : memref<1x!tpu.dma_semaphore, #tpu.memory_space<semaphore_mem>> -> memref<!tpu.dma_semaphore, #tpu.memory_space<semaphore_mem>>
          %dma_wait3A_315 = arith.constant 0 : i32
          %dma_wait3A_316 = arith.constant 0 : i32
          %dma_wait3A_317 = tpu.memref_slice %arg6[%dma_wait3A_304, %dma_wait3A_315, %dma_wait3A_316] : memref<3x16x128xi32, #tpu.memory_space<vmem>> -> memref<1x16x128xi32, #tpu.memory_space<vmem>>
          %dma_wait3A_318 = tpu.memref_squeeze %dma_wait3A_317 : memref<1x16x128xi32, #tpu.memory_space<vmem>> -> memref<16x128xi32, #tpu.memory_space<vmem>>
          %dma_wait3A_319 = arith.constant 0 : i32
          %dma_wait3A_320 = tpu.memref_slice %arg3[%arg0, %mul3A_0, %dma_wait3A_319] : memref<2x2560x128xi32, #tpu.memory_space<hbm>> -> memref<1x16x128xi32, #tpu.memory_space<hbm>>
          %dma_wait3A_321 = tpu.memref_squeeze %dma_wait3A_320 : memref<1x16x128xi32, #tpu.memory_space<hbm>> -> memref<16x128xi32, #tpu.memory_space<hbm>>
          tpu.wait_dma2 semaphore(%dma_wait3A_314 : memref<!tpu.dma_semaphore, #tpu.memory_space<semaphore_mem>>) src(%dma_wait3A_321 : memref<16x128xi32, #tpu.memory_space<hbm>>) dst(%dma_wait3A_318 : memref<16x128xi32, #tpu.memory_space<vmem>>)
          %dma_wait3A_322 = arith.constant 1 : i32
          %dma_wait3A_323 = arith.constant 1 : i32
          %dma_wait3A_324 = arith.constant 0 : i32
          %dma_wait3A_325 = arith.constant 0 : i32
          %dma_wait3A_326 = tpu.memref_slice %arg7[%dma_wait3A_322, %dma_wait3A_324, %dma_wait3A_325] : memref<3x16x128xi32, #tpu.memory_space<vmem>> -> memref<1x16x128xi32, #tpu.memory_space<vmem>>
          %dma_wait3A_327 = tpu.memref_squeeze %dma_wait3A_326 : memref<1x16x128xi32, #tpu.memory_space<vmem>> -> memref<16x128xi32, #tpu.memory_space<vmem>>
          %dma_wait3A_328 = arith.constant 0 : i32
          %dma_wait3A_329 = tpu.memref_slice %arg4[%arg0, %mul3A_0, %dma_wait3A_328] : memref<2x2560x128xi32, #tpu.memory_space<hbm>> -> memref<1x16x128xi32, #tpu.memory_space<hbm>>
          %dma_wait3A_330 = tpu.memref_squeeze %dma_wait3A_329 : memref<1x16x128xi32, #tpu.memory_space<hbm>> -> memref<16x128xi32, #tpu.memory_space<hbm>>
          %dma_wait3A_331 = tpu.memref_slice %arg11[%dma_wait3A_323] : memref<3x!tpu.dma_semaphore, #tpu.memory_space<semaphore_mem>> -> memref<1x!tpu.dma_semaphore, #tpu.memory_space<semaphore_mem>>
          %dma_wait3A_332 = tpu.memref_squeeze %dma_wait3A_331 : memref<1x!tpu.dma_semaphore, #tpu.memory_space<semaphore_mem>> -> memref<!tpu.dma_semaphore, #tpu.memory_space<semaphore_mem>>
          %dma_wait3A_333 = arith.constant 0 : i32
          %dma_wait3A_334 = arith.constant 0 : i32
          %dma_wait3A_335 = tpu.memref_slice %arg7[%dma_wait3A_322, %dma_wait3A_333, %dma_wait3A_334] : memref<3x16x128xi32, #tpu.memory_space<vmem>> -> memref<1x16x128xi32, #tpu.memory_space<vmem>>
          %dma_wait3A_336 = tpu.memref_squeeze %dma_wait3A_335 : memref<1x16x128xi32, #tpu.memory_space<vmem>> -> memref<16x128xi32, #tpu.memory_space<vmem>>
          %dma_wait3A_337 = arith.constant 0 : i32
          %dma_wait3A_338 = tpu.memref_slice %arg4[%arg0, %mul3A_0, %dma_wait3A_337] : memref<2x2560x128xi32, #tpu.memory_space<hbm>> -> memref<1x16x128xi32, #tpu.memory_space<hbm>>
          %dma_wait3A_339 = tpu.memref_squeeze %dma_wait3A_338 : memref<1x16x128xi32, #tpu.memory_space<hbm>> -> memref<16x128xi32, #tpu.memory_space<hbm>>
          tpu.wait_dma2 semaphore(%dma_wait3A_332 : memref<!tpu.dma_semaphore, #tpu.memory_space<semaphore_mem>>) src(%dma_wait3A_339 : memref<16x128xi32, #tpu.memory_space<hbm>>) dst(%dma_wait3A_336 : memref<16x128xi32, #tpu.memory_space<vmem>>)
        } else {
        }
        %eq3A_299 = arith.constant 2 : i32
        %eq3A_300 = arith.cmpi eq, %rem3A_254, %eq3A_299 : i32
        %convert_element_type3A_301 = arith.extui %eq3A_300 : i1 to i32
        %cond3A_302 = arith.constant 0 : i32
        %cond3A_303 = arith.cmpi ne, %convert_element_type3A_301, %cond3A_302 : i32
        scf.if %cond3A_303 {
          %dma_wait3A_304 = arith.constant 2 : i32
          %dma_wait3A_305 = arith.constant 2 : i32
          %dma_wait3A_306 = arith.constant 0 : i32
          %dma_wait3A_307 = arith.constant 0 : i32
          %dma_wait3A_308 = tpu.memref_slice %arg6[%dma_wait3A_304, %dma_wait3A_306, %dma_wait3A_307] : memref<3x16x128xi32, #tpu.memory_space<vmem>> -> memref<1x16x128xi32, #tpu.memory_space<vmem>>
          %dma_wait3A_309 = tpu.memref_squeeze %dma_wait3A_308 : memref<1x16x128xi32, #tpu.memory_space<vmem>> -> memref<16x128xi32, #tpu.memory_space<vmem>>
          %dma_wait3A_310 = arith.constant 0 : i32
          %dma_wait3A_311 = tpu.memref_slice %arg3[%arg0, %mul3A_0, %dma_wait3A_310] : memref<2x2560x128xi32, #tpu.memory_space<hbm>> -> memref<1x16x128xi32, #tpu.memory_space<hbm>>
          %dma_wait3A_312 = tpu.memref_squeeze %dma_wait3A_311 : memref<1x16x128xi32, #tpu.memory_space<hbm>> -> memref<16x128xi32, #tpu.memory_space<hbm>>
          %dma_wait3A_313 = tpu.memref_slice %arg10[%dma_wait3A_305] : memref<3x!tpu.dma_semaphore, #tpu.memory_space<semaphore_mem>> -> memref<1x!tpu.dma_semaphore, #tpu.memory_space<semaphore_mem>>
          %dma_wait3A_314 = tpu.memref_squeeze %dma_wait3A_313 : memref<1x!tpu.dma_semaphore, #tpu.memory_space<semaphore_mem>> -> memref<!tpu.dma_semaphore, #tpu.memory_space<semaphore_mem>>
          %dma_wait3A_315 = arith.constant 0 : i32
          %dma_wait3A_316 = arith.constant 0 : i32
          %dma_wait3A_317 = tpu.memref_slice %arg6[%dma_wait3A_304, %dma_wait3A_315, %dma_wait3A_316] : memref<3x16x128xi32, #tpu.memory_space<vmem>> -> memref<1x16x128xi32, #tpu.memory_space<vmem>>
          %dma_wait3A_318 = tpu.memref_squeeze %dma_wait3A_317 : memref<1x16x128xi32, #tpu.memory_space<vmem>> -> memref<16x128xi32, #tpu.memory_space<vmem>>
          %dma_wait3A_319 = arith.constant 0 : i32
          %dma_wait3A_320 = tpu.memref_slice %arg3[%arg0, %mul3A_0, %dma_wait3A_319] : memref<2x2560x128xi32, #tpu.memory_space<hbm>> -> memref<1x16x128xi32, #tpu.memory_space<hbm>>
          %dma_wait3A_321 = tpu.memref_squeeze %dma_wait3A_320 : memref<1x16x128xi32, #tpu.memory_space<hbm>> -> memref<16x128xi32, #tpu.memory_space<hbm>>
          tpu.wait_dma2 semaphore(%dma_wait3A_314 : memref<!tpu.dma_semaphore, #tpu.memory_space<semaphore_mem>>) src(%dma_wait3A_321 : memref<16x128xi32, #tpu.memory_space<hbm>>) dst(%dma_wait3A_318 : memref<16x128xi32, #tpu.memory_space<vmem>>)
          %dma_wait3A_322 = arith.constant 2 : i32
          %dma_wait3A_323 = arith.constant 2 : i32
          %dma_wait3A_324 = arith.constant 0 : i32
          %dma_wait3A_325 = arith.constant 0 : i32
          %dma_wait3A_326 = tpu.memref_slice %arg7[%dma_wait3A_322, %dma_wait3A_324, %dma_wait3A_325] : memref<3x16x128xi32, #tpu.memory_space<vmem>> -> memref<1x16x128xi32, #tpu.memory_space<vmem>>
          %dma_wait3A_327 = tpu.memref_squeeze %dma_wait3A_326 : memref<1x16x128xi32, #tpu.memory_space<vmem>> -> memref<16x128xi32, #tpu.memory_space<vmem>>
          %dma_wait3A_328 = arith.constant 0 : i32
          %dma_wait3A_329 = tpu.memref_slice %arg4[%arg0, %mul3A_0, %dma_wait3A_328] : memref<2x2560x128xi32, #tpu.memory_space<hbm>> -> memref<1x16x128xi32, #tpu.memory_space<hbm>>
          %dma_wait3A_330 = tpu.memref_squeeze %dma_wait3A_329 : memref<1x16x128xi32, #tpu.memory_space<hbm>> -> memref<16x128xi32, #tpu.memory_space<hbm>>
          %dma_wait3A_331 = tpu.memref_slice %arg11[%dma_wait3A_323] : memref<3x!tpu.dma_semaphore, #tpu.memory_space<semaphore_mem>> -> memref<1x!tpu.dma_semaphore, #tpu.memory_space<semaphore_mem>>
          %dma_wait3A_332 = tpu.memref_squeeze %dma_wait3A_331 : memref<1x!tpu.dma_semaphore, #tpu.memory_space<semaphore_mem>> -> memref<!tpu.dma_semaphore, #tpu.memory_space<semaphore_mem>>
          %dma_wait3A_333 = arith.constant 0 : i32
          %dma_wait3A_334 = arith.constant 0 : i32
          %dma_wait3A_335 = tpu.memref_slice %arg7[%dma_wait3A_322, %dma_wait3A_333, %dma_wait3A_334] : memref<3x16x128xi32, #tpu.memory_space<vmem>> -> memref<1x16x128xi32, #tpu.memory_space<vmem>>
          %dma_wait3A_336 = tpu.memref_squeeze %dma_wait3A_335 : memref<1x16x128xi32, #tpu.memory_space<vmem>> -> memref<16x128xi32, #tpu.memory_space<vmem>>
          %dma_wait3A_337 = arith.constant 0 : i32
          %dma_wait3A_338 = tpu.memref_slice %arg4[%arg0, %mul3A_0, %dma_wait3A_337] : memref<2x2560x128xi32, #tpu.memory_space<hbm>> -> memref<1x16x128xi32, #tpu.memory_space<hbm>>
          %dma_wait3A_339 = tpu.memref_squeeze %dma_wait3A_338 : memref<1x16x128xi32, #tpu.memory_space<hbm>> -> memref<16x128xi32, #tpu.memory_space<hbm>>
          tpu.wait_dma2 semaphore(%dma_wait3A_332 : memref<!tpu.dma_semaphore, #tpu.memory_space<semaphore_mem>>) src(%dma_wait3A_339 : memref<16x128xi32, #tpu.memory_space<hbm>>) dst(%dma_wait3A_336 : memref<16x128xi32, #tpu.memory_space<vmem>>)
        } else {
        }
      } else {
      }
      %eq3A_265 = arith.constant 1 : i32
      %eq3A_266 = arith.cmpi eq, %rem3A_252, %eq3A_265 : i32
      %convert_element_type3A_267 = arith.extui %eq3A_266 : i1 to i32
      %cond3A_268 = arith.constant 0 : i32
      %cond3A_269 = arith.cmpi ne, %convert_element_type3A_267, %cond3A_268 : i32
      scf.if %cond3A_269 {
        %eq3A_289 = arith.constant 0 : i32
        %eq3A_290 = arith.cmpi eq, %rem3A_254, %eq3A_289 : i32
        %add3A_291 = arith.constant 2 : i32
        %add3A_292 = arith.addi %select_n3A_250, %add3A_291 : i32
        %lt3A = arith.constant 10 : i32
        %lt3A_293 = arith.cmpi slt, %add3A_292, %lt3A : i32
        %and3A_294 = arith.andi %eq3A_290, %lt3A_293 : i1
        %convert_element_type3A_295 = arith.extui %and3A_294 : i1 to i32
        %cond3A_296 = arith.constant 0 : i32
        %cond3A_297 = arith.cmpi ne, %convert_element_type3A_295, %cond3A_296 : i32
        scf.if %cond3A_297 {
          %add3A_318 = arith.constant 2 : i32
          %add3A_319 = arith.addi %select_n3A_250, %add3A_318 : i32
          %mul3A_320 = arith.constant 16 : i32
          %mul3A_321 = arith.muli %add3A_319, %mul3A_320 : i32
          %add3A_322 = arith.addi %mul3A_0, %mul3A_321 : i32
          %dma_start3A_323 = arith.constant 2 : i32
          %dma_start3A_324 = arith.constant 2 : i32
          %dma_start3A_325 = arith.constant 0 : i32
          %dma_start3A_326 = arith.constant 0 : i32
          %dma_start3A_327 = tpu.memref_slice %arg6[%dma_start3A_323, %dma_start3A_325, %dma_start3A_326] : memref<3x16x128xi32, #tpu.memory_space<vmem>> -> memref<1x16x128xi32, #tpu.memory_space<vmem>>
          %dma_start3A_328 = tpu.memref_squeeze %dma_start3A_327 : memref<1x16x128xi32, #tpu.memory_space<vmem>> -> memref<16x128xi32, #tpu.memory_space<vmem>>
          %dma_start3A_329 = arith.constant 0 : i32
          %dma_start3A_330 = tpu.memref_slice %arg3[%arg0, %add3A_322, %dma_start3A_329] : memref<2x2560x128xi32, #tpu.memory_space<hbm>> -> memref<1x16x128xi32, #tpu.memory_space<hbm>>
          %dma_start3A_331 = tpu.memref_squeeze %dma_start3A_330 : memref<1x16x128xi32, #tpu.memory_space<hbm>> -> memref<16x128xi32, #tpu.memory_space<hbm>>
          %dma_start3A_332 = tpu.memref_slice %arg10[%dma_start3A_324] : memref<3x!tpu.dma_semaphore, #tpu.memory_space<semaphore_mem>> -> memref<1x!tpu.dma_semaphore, #tpu.memory_space<semaphore_mem>>
          %dma_start3A_333 = tpu.memref_squeeze %dma_start3A_332 : memref<1x!tpu.dma_semaphore, #tpu.memory_space<semaphore_mem>> -> memref<!tpu.dma_semaphore, #tpu.memory_space<semaphore_mem>>
          %dma_start3A_334 = arith.constant 0 : i32
          %dma_start3A_335 = arith.constant 0 : i32
          %dma_start3A_336 = tpu.memref_slice %arg6[%dma_start3A_323, %dma_start3A_334, %dma_start3A_335] : memref<3x16x128xi32, #tpu.memory_space<vmem>> -> memref<1x16x128xi32, #tpu.memory_space<vmem>>
          %dma_start3A_337 = tpu.memref_squeeze %dma_start3A_336 : memref<1x16x128xi32, #tpu.memory_space<vmem>> -> memref<16x128xi32, #tpu.memory_space<vmem>>
          %dma_start3A_338 = arith.constant 0 : i32
          %dma_start3A_339 = tpu.memref_slice %arg3[%arg0, %add3A_322, %dma_start3A_338] : memref<2x2560x128xi32, #tpu.memory_space<hbm>> -> memref<1x16x128xi32, #tpu.memory_space<hbm>>
          %dma_start3A_340 = tpu.memref_squeeze %dma_start3A_339 : memref<1x16x128xi32, #tpu.memory_space<hbm>> -> memref<16x128xi32, #tpu.memory_space<hbm>>
          tpu.enqueue_dma source(%dma_start3A_340 : memref<16x128xi32, #tpu.memory_space<hbm>>) target(%dma_start3A_337 : memref<16x128xi32, #tpu.memory_space<vmem>>) target_semaphore(%dma_start3A_333 : memref<!tpu.dma_semaphore, #tpu.memory_space<semaphore_mem>>)
          %add3A_341 = arith.constant 2 : i32
          %add3A_342 = arith.addi %select_n3A_250, %add3A_341 : i32
          %mul3A_343 = arith.constant 16 : i32
          %mul3A_344 = arith.muli %add3A_342, %mul3A_343 : i32
          %add3A_345 = arith.addi %mul3A_0, %mul3A_344 : i32
          %dma_start3A_346 = arith.constant 2 : i32
          %dma_start3A_347 = arith.constant 2 : i32
          %dma_start3A_348 = arith.constant 0 : i32
          %dma_start3A_349 = arith.constant 0 : i32
          %dma_start3A_350 = tpu.memref_slice %arg7[%dma_start3A_346, %dma_start3A_348, %dma_start3A_349] : memref<3x16x128xi32, #tpu.memory_space<vmem>> -> memref<1x16x128xi32, #tpu.memory_space<vmem>>
          %dma_start3A_351 = tpu.memref_squeeze %dma_start3A_350 : memref<1x16x128xi32, #tpu.memory_space<vmem>> -> memref<16x128xi32, #tpu.memory_space<vmem>>
          %dma_start3A_352 = arith.constant 0 : i32
          %dma_start3A_353 = tpu.memref_slice %arg4[%arg0, %add3A_345, %dma_start3A_352] : memref<2x2560x128xi32, #tpu.memory_space<hbm>> -> memref<1x16x128xi32, #tpu.memory_space<hbm>>
          %dma_start3A_354 = tpu.memref_squeeze %dma_start3A_353 : memref<1x16x128xi32, #tpu.memory_space<hbm>> -> memref<16x128xi32, #tpu.memory_space<hbm>>
          %dma_start3A_355 = tpu.memref_slice %arg11[%dma_start3A_347] : memref<3x!tpu.dma_semaphore, #tpu.memory_space<semaphore_mem>> -> memref<1x!tpu.dma_semaphore, #tpu.memory_space<semaphore_mem>>
          %dma_start3A_356 = tpu.memref_squeeze %dma_start3A_355 : memref<1x!tpu.dma_semaphore, #tpu.memory_space<semaphore_mem>> -> memref<!tpu.dma_semaphore, #tpu.memory_space<semaphore_mem>>
          %dma_start3A_357 = arith.constant 0 : i32
          %dma_start3A_358 = arith.constant 0 : i32
          %dma_start3A_359 = tpu.memref_slice %arg7[%dma_start3A_346, %dma_start3A_357, %dma_start3A_358] : memref<3x16x128xi32, #tpu.memory_space<vmem>> -> memref<1x16x128xi32, #tpu.memory_space<vmem>>
          %dma_start3A_360 = tpu.memref_squeeze %dma_start3A_359 : memref<1x16x128xi32, #tpu.memory_space<vmem>> -> memref<16x128xi32, #tpu.memory_space<vmem>>
          %dma_start3A_361 = arith.constant 0 : i32
          %dma_start3A_362 = tpu.memref_slice %arg4[%arg0, %add3A_345, %dma_start3A_361] : memref<2x2560x128xi32, #tpu.memory_space<hbm>> -> memref<1x16x128xi32, #tpu.memory_space<hbm>>
          %dma_start3A_363 = tpu.memref_squeeze %dma_start3A_362 : memref<1x16x128xi32, #tpu.memory_space<hbm>> -> memref<16x128xi32, #tpu.memory_space<hbm>>
          tpu.enqueue_dma source(%dma_start3A_363 : memref<16x128xi32, #tpu.memory_space<hbm>>) target(%dma_start3A_360 : memref<16x128xi32, #tpu.memory_space<vmem>>) target_semaphore(%dma_start3A_356 : memref<!tpu.dma_semaphore, #tpu.memory_space<semaphore_mem>>)
        } else {
        }
        %eq3A_298 = arith.constant 1 : i32
        %eq3A_299 = arith.cmpi eq, %rem3A_254, %eq3A_298 : i32
        %add3A_300 = arith.constant 2 : i32
        %add3A_301 = arith.addi %select_n3A_250, %add3A_300 : i32
        %lt3A_302 = arith.constant 10 : i32
        %lt3A_303 = arith.cmpi slt, %add3A_301, %lt3A_302 : i32
        %and3A_304 = arith.andi %eq3A_299, %lt3A_303 : i1
        %convert_element_type3A_305 = arith.extui %and3A_304 : i1 to i32
        %cond3A_306 = arith.constant 0 : i32
        %cond3A_307 = arith.cmpi ne, %convert_element_type3A_305, %cond3A_306 : i32
        scf.if %cond3A_307 {
          %add3A_318 = arith.constant 2 : i32
          %add3A_319 = arith.addi %select_n3A_250, %add3A_318 : i32
          %mul3A_320 = arith.constant 16 : i32
          %mul3A_321 = arith.muli %add3A_319, %mul3A_320 : i32
          %add3A_322 = arith.addi %mul3A_0, %mul3A_321 : i32
          %dma_start3A_323 = arith.constant 0 : i32
          %dma_start3A_324 = arith.constant 0 : i32
          %dma_start3A_325 = arith.constant 0 : i32
          %dma_start3A_326 = arith.constant 0 : i32
          %dma_start3A_327 = tpu.memref_slice %arg6[%dma_start3A_323, %dma_start3A_325, %dma_start3A_326] : memref<3x16x128xi32, #tpu.memory_space<vmem>> -> memref<1x16x128xi32, #tpu.memory_space<vmem>>
          %dma_start3A_328 = tpu.memref_squeeze %dma_start3A_327 : memref<1x16x128xi32, #tpu.memory_space<vmem>> -> memref<16x128xi32, #tpu.memory_space<vmem>>
          %dma_start3A_329 = arith.constant 0 : i32
          %dma_start3A_330 = tpu.memref_slice %arg3[%arg0, %add3A_322, %dma_start3A_329] : memref<2x2560x128xi32, #tpu.memory_space<hbm>> -> memref<1x16x128xi32, #tpu.memory_space<hbm>>
          %dma_start3A_331 = tpu.memref_squeeze %dma_start3A_330 : memref<1x16x128xi32, #tpu.memory_space<hbm>> -> memref<16x128xi32, #tpu.memory_space<hbm>>
          %dma_start3A_332 = tpu.memref_slice %arg10[%dma_start3A_324] : memref<3x!tpu.dma_semaphore, #tpu.memory_space<semaphore_mem>> -> memref<1x!tpu.dma_semaphore, #tpu.memory_space<semaphore_mem>>
          %dma_start3A_333 = tpu.memref_squeeze %dma_start3A_332 : memref<1x!tpu.dma_semaphore, #tpu.memory_space<semaphore_mem>> -> memref<!tpu.dma_semaphore, #tpu.memory_space<semaphore_mem>>
          %dma_start3A_334 = arith.constant 0 : i32
          %dma_start3A_335 = arith.constant 0 : i32
          %dma_start3A_336 = tpu.memref_slice %arg6[%dma_start3A_323, %dma_start3A_334, %dma_start3A_335] : memref<3x16x128xi32, #tpu.memory_space<vmem>> -> memref<1x16x128xi32, #tpu.memory_space<vmem>>
          %dma_start3A_337 = tpu.memref_squeeze %dma_start3A_336 : memref<1x16x128xi32, #tpu.memory_space<vmem>> -> memref<16x128xi32, #tpu.memory_space<vmem>>
          %dma_start3A_338 = arith.constant 0 : i32
          %dma_start3A_339 = tpu.memref_slice %arg3[%arg0, %add3A_322, %dma_start3A_338] : memref<2x2560x128xi32, #tpu.memory_space<hbm>> -> memref<1x16x128xi32, #tpu.memory_space<hbm>>
          %dma_start3A_340 = tpu.memref_squeeze %dma_start3A_339 : memref<1x16x128xi32, #tpu.memory_space<hbm>> -> memref<16x128xi32, #tpu.memory_space<hbm>>
          tpu.enqueue_dma source(%dma_start3A_340 : memref<16x128xi32, #tpu.memory_space<hbm>>) target(%dma_start3A_337 : memref<16x128xi32, #tpu.memory_space<vmem>>) target_semaphore(%dma_start3A_333 : memref<!tpu.dma_semaphore, #tpu.memory_space<semaphore_mem>>)
          %add3A_341 = arith.constant 2 : i32
          %add3A_342 = arith.addi %select_n3A_250, %add3A_341 : i32
          %mul3A_343 = arith.constant 16 : i32
          %mul3A_344 = arith.muli %add3A_342, %mul3A_343 : i32
          %add3A_345 = arith.addi %mul3A_0, %mul3A_344 : i32
          %dma_start3A_346 = arith.constant 0 : i32
          %dma_start3A_347 = arith.constant 0 : i32
          %dma_start3A_348 = arith.constant 0 : i32
          %dma_start3A_349 = arith.constant 0 : i32
          %dma_start3A_350 = tpu.memref_slice %arg7[%dma_start3A_346, %dma_start3A_348, %dma_start3A_349] : memref<3x16x128xi32, #tpu.memory_space<vmem>> -> memref<1x16x128xi32, #tpu.memory_space<vmem>>
          %dma_start3A_351 = tpu.memref_squeeze %dma_start3A_350 : memref<1x16x128xi32, #tpu.memory_space<vmem>> -> memref<16x128xi32, #tpu.memory_space<vmem>>
          %dma_start3A_352 = arith.constant 0 : i32
          %dma_start3A_353 = tpu.memref_slice %arg4[%arg0, %add3A_345, %dma_start3A_352] : memref<2x2560x128xi32, #tpu.memory_space<hbm>> -> memref<1x16x128xi32, #tpu.memory_space<hbm>>
          %dma_start3A_354 = tpu.memref_squeeze %dma_start3A_353 : memref<1x16x128xi32, #tpu.memory_space<hbm>> -> memref<16x128xi32, #tpu.memory_space<hbm>>
          %dma_start3A_355 = tpu.memref_slice %arg11[%dma_start3A_347] : memref<3x!tpu.dma_semaphore, #tpu.memory_space<semaphore_mem>> -> memref<1x!tpu.dma_semaphore, #tpu.memory_space<semaphore_mem>>
          %dma_start3A_356 = tpu.memref_squeeze %dma_start3A_355 : memref<1x!tpu.dma_semaphore, #tpu.memory_space<semaphore_mem>> -> memref<!tpu.dma_semaphore, #tpu.memory_space<semaphore_mem>>
          %dma_start3A_357 = arith.constant 0 : i32
          %dma_start3A_358 = arith.constant 0 : i32
          %dma_start3A_359 = tpu.memref_slice %arg7[%dma_start3A_346, %dma_start3A_357, %dma_start3A_358] : memref<3x16x128xi32, #tpu.memory_space<vmem>> -> memref<1x16x128xi32, #tpu.memory_space<vmem>>
          %dma_start3A_360 = tpu.memref_squeeze %dma_start3A_359 : memref<1x16x128xi32, #tpu.memory_space<vmem>> -> memref<16x128xi32, #tpu.memory_space<vmem>>
          %dma_start3A_361 = arith.constant 0 : i32
          %dma_start3A_362 = tpu.memref_slice %arg4[%arg0, %add3A_345, %dma_start3A_361] : memref<2x2560x128xi32, #tpu.memory_space<hbm>> -> memref<1x16x128xi32, #tpu.memory_space<hbm>>
          %dma_start3A_363 = tpu.memref_squeeze %dma_start3A_362 : memref<1x16x128xi32, #tpu.memory_space<hbm>> -> memref<16x128xi32, #tpu.memory_space<hbm>>
          tpu.enqueue_dma source(%dma_start3A_363 : memref<16x128xi32, #tpu.memory_space<hbm>>) target(%dma_start3A_360 : memref<16x128xi32, #tpu.memory_space<vmem>>) target_semaphore(%dma_start3A_356 : memref<!tpu.dma_semaphore, #tpu.memory_space<semaphore_mem>>)
        } else {
        }
        %eq3A_308 = arith.constant 2 : i32
        %eq3A_309 = arith.cmpi eq, %rem3A_254, %eq3A_308 : i32
        %add3A_310 = arith.constant 2 : i32
        %add3A_311 = arith.addi %select_n3A_250, %add3A_310 : i32
        %lt3A_312 = arith.constant 10 : i32
        %lt3A_313 = arith.cmpi slt, %add3A_311, %lt3A_312 : i32
        %and3A_314 = arith.andi %eq3A_309, %lt3A_313 : i1
        %convert_element_type3A_315 = arith.extui %and3A_314 : i1 to i32
        %cond3A_316 = arith.constant 0 : i32
        %cond3A_317 = arith.cmpi ne, %convert_element_type3A_315, %cond3A_316 : i32
        scf.if %cond3A_317 {
          %add3A_318 = arith.constant 2 : i32
          %add3A_319 = arith.addi %select_n3A_250, %add3A_318 : i32
          %mul3A_320 = arith.constant 16 : i32
          %mul3A_321 = arith.muli %add3A_319, %mul3A_320 : i32
          %add3A_322 = arith.addi %mul3A_0, %mul3A_321 : i32
          %dma_start3A_323 = arith.constant 1 : i32
          %dma_start3A_324 = arith.constant 1 : i32
          %dma_start3A_325 = arith.constant 0 : i32
          %dma_start3A_326 = arith.constant 0 : i32
          %dma_start3A_327 = tpu.memref_slice %arg6[%dma_start3A_323, %dma_start3A_325, %dma_start3A_326] : memref<3x16x128xi32, #tpu.memory_space<vmem>> -> memref<1x16x128xi32, #tpu.memory_space<vmem>>
          %dma_start3A_328 = tpu.memref_squeeze %dma_start3A_327 : memref<1x16x128xi32, #tpu.memory_space<vmem>> -> memref<16x128xi32, #tpu.memory_space<vmem>>
          %dma_start3A_329 = arith.constant 0 : i32
          %dma_start3A_330 = tpu.memref_slice %arg3[%arg0, %add3A_322, %dma_start3A_329] : memref<2x2560x128xi32, #tpu.memory_space<hbm>> -> memref<1x16x128xi32, #tpu.memory_space<hbm>>
          %dma_start3A_331 = tpu.memref_squeeze %dma_start3A_330 : memref<1x16x128xi32, #tpu.memory_space<hbm>> -> memref<16x128xi32, #tpu.memory_space<hbm>>
          %dma_start3A_332 = tpu.memref_slice %arg10[%dma_start3A_324] : memref<3x!tpu.dma_semaphore, #tpu.memory_space<semaphore_mem>> -> memref<1x!tpu.dma_semaphore, #tpu.memory_space<semaphore_mem>>
          %dma_start3A_333 = tpu.memref_squeeze %dma_start3A_332 : memref<1x!tpu.dma_semaphore, #tpu.memory_space<semaphore_mem>> -> memref<!tpu.dma_semaphore, #tpu.memory_space<semaphore_mem>>
          %dma_start3A_334 = arith.constant 0 : i32
          %dma_start3A_335 = arith.constant 0 : i32
          %dma_start3A_336 = tpu.memref_slice %arg6[%dma_start3A_323, %dma_start3A_334, %dma_start3A_335] : memref<3x16x128xi32, #tpu.memory_space<vmem>> -> memref<1x16x128xi32, #tpu.memory_space<vmem>>
          %dma_start3A_337 = tpu.memref_squeeze %dma_start3A_336 : memref<1x16x128xi32, #tpu.memory_space<vmem>> -> memref<16x128xi32, #tpu.memory_space<vmem>>
          %dma_start3A_338 = arith.constant 0 : i32
          %dma_start3A_339 = tpu.memref_slice %arg3[%arg0, %add3A_322, %dma_start3A_338] : memref<2x2560x128xi32, #tpu.memory_space<hbm>> -> memref<1x16x128xi32, #tpu.memory_space<hbm>>
          %dma_start3A_340 = tpu.memref_squeeze %dma_start3A_339 : memref<1x16x128xi32, #tpu.memory_space<hbm>> -> memref<16x128xi32, #tpu.memory_space<hbm>>
          tpu.enqueue_dma source(%dma_start3A_340 : memref<16x128xi32, #tpu.memory_space<hbm>>) target(%dma_start3A_337 : memref<16x128xi32, #tpu.memory_space<vmem>>) target_semaphore(%dma_start3A_333 : memref<!tpu.dma_semaphore, #tpu.memory_space<semaphore_mem>>)
          %add3A_341 = arith.constant 2 : i32
          %add3A_342 = arith.addi %select_n3A_250, %add3A_341 : i32
          %mul3A_343 = arith.constant 16 : i32
          %mul3A_344 = arith.muli %add3A_342, %mul3A_343 : i32
          %add3A_345 = arith.addi %mul3A_0, %mul3A_344 : i32
          %dma_start3A_346 = arith.constant 1 : i32
          %dma_start3A_347 = arith.constant 1 : i32
          %dma_start3A_348 = arith.constant 0 : i32
          %dma_start3A_349 = arith.constant 0 : i32
          %dma_start3A_350 = tpu.memref_slice %arg7[%dma_start3A_346, %dma_start3A_348, %dma_start3A_349] : memref<3x16x128xi32, #tpu.memory_space<vmem>> -> memref<1x16x128xi32, #tpu.memory_space<vmem>>
          %dma_start3A_351 = tpu.memref_squeeze %dma_start3A_350 : memref<1x16x128xi32, #tpu.memory_space<vmem>> -> memref<16x128xi32, #tpu.memory_space<vmem>>
          %dma_start3A_352 = arith.constant 0 : i32
          %dma_start3A_353 = tpu.memref_slice %arg4[%arg0, %add3A_345, %dma_start3A_352] : memref<2x2560x128xi32, #tpu.memory_space<hbm>> -> memref<1x16x128xi32, #tpu.memory_space<hbm>>
          %dma_start3A_354 = tpu.memref_squeeze %dma_start3A_353 : memref<1x16x128xi32, #tpu.memory_space<hbm>> -> memref<16x128xi32, #tpu.memory_space<hbm>>
          %dma_start3A_355 = tpu.memref_slice %arg11[%dma_start3A_347] : memref<3x!tpu.dma_semaphore, #tpu.memory_space<semaphore_mem>> -> memref<1x!tpu.dma_semaphore, #tpu.memory_space<semaphore_mem>>
          %dma_start3A_356 = tpu.memref_squeeze %dma_start3A_355 : memref<1x!tpu.dma_semaphore, #tpu.memory_space<semaphore_mem>> -> memref<!tpu.dma_semaphore, #tpu.memory_space<semaphore_mem>>
          %dma_start3A_357 = arith.constant 0 : i32
          %dma_start3A_358 = arith.constant 0 : i32
          %dma_start3A_359 = tpu.memref_slice %arg7[%dma_start3A_346, %dma_start3A_357, %dma_start3A_358] : memref<3x16x128xi32, #tpu.memory_space<vmem>> -> memref<1x16x128xi32, #tpu.memory_space<vmem>>
          %dma_start3A_360 = tpu.memref_squeeze %dma_start3A_359 : memref<1x16x128xi32, #tpu.memory_space<vmem>> -> memref<16x128xi32, #tpu.memory_space<vmem>>
          %dma_start3A_361 = arith.constant 0 : i32
          %dma_start3A_362 = tpu.memref_slice %arg4[%arg0, %add3A_345, %dma_start3A_361] : memref<2x2560x128xi32, #tpu.memory_space<hbm>> -> memref<1x16x128xi32, #tpu.memory_space<hbm>>
          %dma_start3A_363 = tpu.memref_squeeze %dma_start3A_362 : memref<1x16x128xi32, #tpu.memory_space<hbm>> -> memref<16x128xi32, #tpu.memory_space<hbm>>
          tpu.enqueue_dma source(%dma_start3A_363 : memref<16x128xi32, #tpu.memory_space<hbm>>) target(%dma_start3A_360 : memref<16x128xi32, #tpu.memory_space<vmem>>) target_semaphore(%dma_start3A_356 : memref<!tpu.dma_semaphore, #tpu.memory_space<semaphore_mem>>)
        } else {
        }
      } else {
      }
      %dma_start3A_270 = arith.constant 1 : i32
      %dma_start3A_271 = arith.constant 1 : i32
      %dma_start3A_272 = arith.constant 0 : i32
      %dma_start3A_273 = arith.constant 0 : i32
      %dma_start3A_274 = tpu.memref_slice %arg8[%dma_start3A_270, %dma_start3A_272, %dma_start3A_273] : memref<2x128x128xf32, #tpu.memory_space<vmem>> -> memref<1x128x128xf32, #tpu.memory_space<vmem>>
      %dma_start3A_275 = tpu.memref_squeeze %dma_start3A_274 : memref<1x128x128xf32, #tpu.memory_space<vmem>> -> memref<128x128xf32, #tpu.memory_space<vmem>>
      %dma_start3A_276 = arith.constant 0 : i32
      %dma_start3A_277 = tpu.memref_slice %arg6[%rem3A_254, %rem3A_252, %dma_start3A_276] : memref<3x16x128xi32, #tpu.memory_space<vmem>> -> memref<1x1x128xi32, #tpu.memory_space<vmem>>
      %dma_start3A_278 = tpu.memref_squeeze %dma_start3A_277 : memref<1x1x128xi32, #tpu.memory_space<vmem>> -> memref<128xi32, #tpu.memory_space<vmem>>
      %dma_start3A_279 = arith.constant 0 : i32
      %dma_start3A_280 = arith.constant 0 : i32
      %dma_start3A_281 = tpu.memref_slice %arg2[%dma_start3A_279, %dma_start3A_280] : memref<20480x128xf32, #tpu.memory_space<hbm>> -> memref<20480x128xf32, #tpu.memory_space<hbm>>
      %dma_start3A_282 = tpu.memref_slice %arg12[%dma_start3A_271] : memref<2x!tpu.dma_semaphore, #tpu.memory_space<semaphore_mem>> -> memref<1x!tpu.dma_semaphore, #tpu.memory_space<semaphore_mem>>
      %dma_start3A_283 = tpu.memref_squeeze %dma_start3A_282 : memref<1x!tpu.dma_semaphore, #tpu.memory_space<semaphore_mem>> -> memref<!tpu.dma_semaphore, #tpu.memory_space<semaphore_mem>>
      tpu.enqueue_indirect_dma source(%dma_start3A_281 : memref<20480x128xf32, #tpu.memory_space<hbm>>) target(%dma_start3A_275 : memref<128x128xf32, #tpu.memory_space<vmem>>) offsets(%dma_start3A_278 : memref<128xi32, #tpu.memory_space<vmem>>) semaphore(%dma_start3A_283 : memref<!tpu.dma_semaphore, #tpu.memory_space<semaphore_mem>>)
      %ge3A_284 = arith.constant 1 : i32
      %ge3A_285 = arith.cmpi sge, %add3A_226, %ge3A_284 : i32
      %convert_element_type3A_286 = arith.extui %ge3A_285 : i1 to i32
      %cond3A_287 = arith.constant 0 : i32
      %cond3A_288 = arith.cmpi ne, %convert_element_type3A_286, %cond3A_287 : i32
      scf.if %cond3A_288 {
        %dma_wait3A_289 = arith.constant 0 : i32
        %dma_wait3A_290 = arith.constant 0 : i32
        %dma_wait3A_291 = arith.constant 0 : i32
        %dma_wait3A_292 = arith.constant 0 : i32
        %dma_wait3A_293 = arith.constant 0 : i32
        %dma_wait3A_294 = arith.constant 0 : i32
        %dma_wait3A_295 = tpu.memref_slice %arg8[%dma_wait3A_291, %dma_wait3A_293, %dma_wait3A_294] : memref<2x128x128xf32, #tpu.memory_space<vmem>> -> memref<1x128x128xf32, #tpu.memory_space<vmem>>
        %dma_wait3A_296 = tpu.memref_squeeze %dma_wait3A_295 : memref<1x128x128xf32, #tpu.memory_space<vmem>> -> memref<128x128xf32, #tpu.memory_space<vmem>>
        %dma_wait3A_297 = arith.constant 0 : i32
        %dma_wait3A_298 = tpu.memref_slice %arg6[%dma_wait3A_289, %dma_wait3A_290, %dma_wait3A_297] : memref<3x16x128xi32, #tpu.memory_space<vmem>> -> memref<1x1x128xi32, #tpu.memory_space<vmem>>
        %dma_wait3A_299 = tpu.memref_squeeze %dma_wait3A_298 : memref<1x1x128xi32, #tpu.memory_space<vmem>> -> memref<128xi32, #tpu.memory_space<vmem>>
        %dma_wait3A_300 = arith.constant 0 : i32
        %dma_wait3A_301 = arith.constant 0 : i32
        %dma_wait3A_302 = tpu.memref_slice %arg2[%dma_wait3A_300, %dma_wait3A_301] : memref<20480x128xf32, #tpu.memory_space<hbm>> -> memref<20480x128xf32, #tpu.memory_space<hbm>>
        %dma_wait3A_303 = tpu.memref_slice %arg12[%dma_wait3A_292] : memref<2x!tpu.dma_semaphore, #tpu.memory_space<semaphore_mem>> -> memref<1x!tpu.dma_semaphore, #tpu.memory_space<semaphore_mem>>
        %dma_wait3A_304 = tpu.memref_squeeze %dma_wait3A_303 : memref<1x!tpu.dma_semaphore, #tpu.memory_space<semaphore_mem>> -> memref<!tpu.dma_semaphore, #tpu.memory_space<semaphore_mem>>
        tpu.wait_indirect_dma semaphore(%dma_wait3A_304 : memref<!tpu.dma_semaphore, #tpu.memory_space<semaphore_mem>>) src(%dma_wait3A_302 : memref<20480x128xf32, #tpu.memory_space<hbm>>) dst(%dma_wait3A_296 : memref<128x128xf32, #tpu.memory_space<vmem>>)
        %sub3A_305 = arith.constant 1 : i32
        %sub3A_306 = arith.subi %add3A_226, %sub3A_305 : i32
        %jit3A_307 = arith.constant 16 : i32
        %div3A_308 = arith.divsi %sub3A_306, %jit3A_307 : i32
        %sign3A_309 = arith.constant 0 : i32
        %sign3A_310 = arith.cmpi sgt, %sub3A_306, %sign3A_309 : i32
        %sign3A_311 = arith.extui %sign3A_310 : i1 to i32
        %sign3A_312 = arith.constant 0 : i32
        %sign3A_313 = arith.cmpi slt, %sub3A_306, %sign3A_312 : i32
        %sign3A_314 = arith.extui %sign3A_313 : i1 to i32
        %sign3A_315 = arith.subi %sign3A_311, %sign3A_314 : i32
        %sign3A_316 = arith.constant 0 : i32
        %sign3A_317 = arith.cmpi sgt, %jit3A_307, %sign3A_316 : i32
        %sign3A_318 = arith.extui %sign3A_317 : i1 to i32
        %sign3A_319 = arith.constant 0 : i32
        %sign3A_320 = arith.cmpi slt, %jit3A_307, %sign3A_319 : i32
        %sign3A_321 = arith.extui %sign3A_320 : i1 to i32
        %sign3A_322 = arith.subi %sign3A_318, %sign3A_321 : i32
        %ne3A_323 = arith.cmpi ne, %sign3A_315, %sign3A_322 : i32
        %rem3A_324 = arith.remsi %sub3A_306, %jit3A_307 : i32
        %ne3A_325 = arith.constant 0 : i32
        %ne3A_326 = arith.cmpi ne, %rem3A_324, %ne3A_325 : i32
        %and3A_327 = arith.andi %ne3A_323, %ne3A_326 : i1
        %sub3A_328 = arith.constant 1 : i32
        %sub3A_329 = arith.subi %div3A_308, %sub3A_328 : i32
        %select_n3A_330 = arith.select %and3A_327, %sub3A_329, %div3A_308 : i32
        %rem3A_331 = arith.constant 16 : i32
        %rem3A_332 = arith.remsi %sub3A_306, %rem3A_331 : i32
        %rem3A_333 = arith.constant 3 : i32
        %rem3A_334 = arith.remsi %select_n3A_330, %rem3A_333 : i32
        %dma_start3A_335 = arith.constant 0 : i32
        %dma_start3A_336 = arith.constant 0 : i32
        %dma_start3A_337 = arith.constant 0 : i32
        %dma_start3A_338 = arith.constant 0 : i32
        %dma_start3A_339 = tpu.memref_slice %arg8[%dma_start3A_335, %dma_start3A_337, %dma_start3A_338] : memref<2x128x128xf32, #tpu.memory_space<vmem>> -> memref<1x128x128xf32, #tpu.memory_space<vmem>>
        %dma_start3A_340 = tpu.memref_squeeze %dma_start3A_339 : memref<1x128x128xf32, #tpu.memory_space<vmem>> -> memref<128x128xf32, #tpu.memory_space<vmem>>
        %dma_start3A_341 = arith.constant 0 : i32
        %dma_start3A_342 = tpu.memref_slice %arg7[%rem3A_334, %rem3A_332, %dma_start3A_341] : memref<3x16x128xi32, #tpu.memory_space<vmem>> -> memref<1x1x128xi32, #tpu.memory_space<vmem>>
        %dma_start3A_343 = tpu.memref_squeeze %dma_start3A_342 : memref<1x1x128xi32, #tpu.memory_space<vmem>> -> memref<128xi32, #tpu.memory_space<vmem>>
        %dma_start3A_344 = arith.constant 0 : i32
        %dma_start3A_345 = arith.constant 0 : i32
        %dma_start3A_346 = tpu.memref_slice %arg9[%dma_start3A_344, %dma_start3A_345] : memref<10240x128xf32, #tpu.memory_space<vmem_shared>> -> memref<10240x128xf32, #tpu.memory_space<vmem_shared>>
        %dma_start3A_347 = tpu.memref_slice %arg13[%dma_start3A_336] : memref<2x!tpu.dma_semaphore, #tpu.memory_space<semaphore_mem>> -> memref<1x!tpu.dma_semaphore, #tpu.memory_space<semaphore_mem>>
        %dma_start3A_348 = tpu.memref_squeeze %dma_start3A_347 : memref<1x!tpu.dma_semaphore, #tpu.memory_space<semaphore_mem>> -> memref<!tpu.dma_semaphore, #tpu.memory_space<semaphore_mem>>
        tpu.enqueue_indirect_dma source(%dma_start3A_340 : memref<128x128xf32, #tpu.memory_space<vmem>>) target(%dma_start3A_346 : memref<10240x128xf32, #tpu.memory_space<vmem_shared>>) offsets(%dma_start3A_343 : memref<128xi32, #tpu.memory_space<vmem>>) semaphore(%dma_start3A_348 : memref<!tpu.dma_semaphore, #tpu.memory_space<semaphore_mem>>) {add = true}
      } else {
      }
    }
    %scan3A_97 = arith.constant 80 : i32
    %dma_wait3A = arith.constant 0 : i32
    %dma_wait3A_98 = arith.constant 0 : i32
    %dma_wait3A_99 = arith.constant 1 : i32
    %dma_wait3A_100 = arith.constant 1 : i32
    %dma_wait3A_101 = arith.constant 0 : i32
    %dma_wait3A_102 = arith.constant 0 : i32
    %dma_wait3A_103 = tpu.memref_slice %arg8[%dma_wait3A_99, %dma_wait3A_101, %dma_wait3A_102] : memref<2x128x128xf32, #tpu.memory_space<vmem>> -> memref<1x128x128xf32, #tpu.memory_space<vmem>>
    %dma_wait3A_104 = tpu.memref_squeeze %dma_wait3A_103 : memref<1x128x128xf32, #tpu.memory_space<vmem>> -> memref<128x128xf32, #tpu.memory_space<vmem>>
    %dma_wait3A_105 = arith.constant 0 : i32
    %dma_wait3A_106 = tpu.memref_slice %arg6[%dma_wait3A, %dma_wait3A_98, %dma_wait3A_105] : memref<3x16x128xi32, #tpu.memory_space<vmem>> -> memref<1x1x128xi32, #tpu.memory_space<vmem>>
    %dma_wait3A_107 = tpu.memref_squeeze %dma_wait3A_106 : memref<1x1x128xi32, #tpu.memory_space<vmem>> -> memref<128xi32, #tpu.memory_space<vmem>>
    %dma_wait3A_108 = arith.constant 0 : i32
    %dma_wait3A_109 = arith.constant 0 : i32
    %dma_wait3A_110 = tpu.memref_slice %arg2[%dma_wait3A_108, %dma_wait3A_109] : memref<20480x128xf32, #tpu.memory_space<hbm>> -> memref<20480x128xf32, #tpu.memory_space<hbm>>
    %dma_wait3A_111 = tpu.memref_slice %arg12[%dma_wait3A_100] : memref<2x!tpu.dma_semaphore, #tpu.memory_space<semaphore_mem>> -> memref<1x!tpu.dma_semaphore, #tpu.memory_space<semaphore_mem>>
    %dma_wait3A_112 = tpu.memref_squeeze %dma_wait3A_111 : memref<1x!tpu.dma_semaphore, #tpu.memory_space<semaphore_mem>> -> memref<!tpu.dma_semaphore, #tpu.memory_space<semaphore_mem>>
    tpu.wait_indirect_dma semaphore(%dma_wait3A_112 : memref<!tpu.dma_semaphore, #tpu.memory_space<semaphore_mem>>) src(%dma_wait3A_110 : memref<20480x128xf32, #tpu.memory_space<hbm>>) dst(%dma_wait3A_104 : memref<128x128xf32, #tpu.memory_space<vmem>>)
    %rem3A = arith.constant 159 : i32
    %rem3A_113 = arith.constant 16 : i32
    %rem3A_114 = arith.remsi %rem3A, %rem3A_113 : i32
    %rem3A_115 = arith.constant 9 : i32
    %rem3A_116 = arith.constant 3 : i32
    %rem3A_117 = arith.remsi %rem3A_115, %rem3A_116 : i32
    %dma_start3A_118 = arith.constant 1 : i32
    %dma_start3A_119 = arith.constant 1 : i32
    %dma_start3A_120 = arith.constant 0 : i32
    %dma_start3A_121 = arith.constant 0 : i32
    %dma_start3A_122 = tpu.memref_slice %arg8[%dma_start3A_118, %dma_start3A_120, %dma_start3A_121] : memref<2x128x128xf32, #tpu.memory_space<vmem>> -> memref<1x128x128xf32, #tpu.memory_space<vmem>>
    %dma_start3A_123 = tpu.memref_squeeze %dma_start3A_122 : memref<1x128x128xf32, #tpu.memory_space<vmem>> -> memref<128x128xf32, #tpu.memory_space<vmem>>
    %dma_start3A_124 = arith.constant 0 : i32
    %dma_start3A_125 = tpu.memref_slice %arg7[%rem3A_117, %rem3A_114, %dma_start3A_124] : memref<3x16x128xi32, #tpu.memory_space<vmem>> -> memref<1x1x128xi32, #tpu.memory_space<vmem>>
    %dma_start3A_126 = tpu.memref_squeeze %dma_start3A_125 : memref<1x1x128xi32, #tpu.memory_space<vmem>> -> memref<128xi32, #tpu.memory_space<vmem>>
    %dma_start3A_127 = arith.constant 0 : i32
    %dma_start3A_128 = arith.constant 0 : i32
    %dma_start3A_129 = tpu.memref_slice %arg9[%dma_start3A_127, %dma_start3A_128] : memref<10240x128xf32, #tpu.memory_space<vmem_shared>> -> memref<10240x128xf32, #tpu.memory_space<vmem_shared>>
    %dma_start3A_130 = tpu.memref_slice %arg13[%dma_start3A_119] : memref<2x!tpu.dma_semaphore, #tpu.memory_space<semaphore_mem>> -> memref<1x!tpu.dma_semaphore, #tpu.memory_space<semaphore_mem>>
    %dma_start3A_131 = tpu.memref_squeeze %dma_start3A_130 : memref<1x!tpu.dma_semaphore, #tpu.memory_space<semaphore_mem>> -> memref<!tpu.dma_semaphore, #tpu.memory_space<semaphore_mem>>
    tpu.enqueue_indirect_dma source(%dma_start3A_123 : memref<128x128xf32, #tpu.memory_space<vmem>>) target(%dma_start3A_129 : memref<10240x128xf32, #tpu.memory_space<vmem_shared>>) offsets(%dma_start3A_126 : memref<128xi32, #tpu.memory_space<vmem>>) semaphore(%dma_start3A_131 : memref<!tpu.dma_semaphore, #tpu.memory_space<semaphore_mem>>) {add = true}
    %dma_wait3A_132 = arith.constant 0 : i32
    %dma_wait3A_133 = arith.constant 0 : i32
    %dma_wait3A_134 = arith.constant 0 : i32
    %dma_wait3A_135 = arith.constant 0 : i32
    %dma_wait3A_136 = arith.constant 0 : i32
    %dma_wait3A_137 = arith.constant 0 : i32
    %dma_wait3A_138 = tpu.memref_slice %arg8[%dma_wait3A_132, %dma_wait3A_136, %dma_wait3A_137] : memref<2x128x128xf32, #tpu.memory_space<vmem>> -> memref<1x128x128xf32, #tpu.memory_space<vmem>>
    %dma_wait3A_139 = tpu.memref_squeeze %dma_wait3A_138 : memref<1x128x128xf32, #tpu.memory_space<vmem>> -> memref<128x128xf32, #tpu.memory_space<vmem>>
    %dma_wait3A_140 = arith.constant 0 : i32
    %dma_wait3A_141 = tpu.memref_slice %arg7[%dma_wait3A_133, %dma_wait3A_134, %dma_wait3A_140] : memref<3x16x128xi32, #tpu.memory_space<vmem>> -> memref<1x1x128xi32, #tpu.memory_space<vmem>>
    %dma_wait3A_142 = tpu.memref_squeeze %dma_wait3A_141 : memref<1x1x128xi32, #tpu.memory_space<vmem>> -> memref<128xi32, #tpu.memory_space<vmem>>
    %dma_wait3A_143 = arith.constant 0 : i32
    %dma_wait3A_144 = arith.constant 0 : i32
    %dma_wait3A_145 = tpu.memref_slice %arg9[%dma_wait3A_143, %dma_wait3A_144] : memref<10240x128xf32, #tpu.memory_space<vmem_shared>> -> memref<10240x128xf32, #tpu.memory_space<vmem_shared>>
    %dma_wait3A_146 = tpu.memref_slice %arg13[%dma_wait3A_135] : memref<2x!tpu.dma_semaphore, #tpu.memory_space<semaphore_mem>> -> memref<1x!tpu.dma_semaphore, #tpu.memory_space<semaphore_mem>>
    %dma_wait3A_147 = tpu.memref_squeeze %dma_wait3A_146 : memref<1x!tpu.dma_semaphore, #tpu.memory_space<semaphore_mem>> -> memref<!tpu.dma_semaphore, #tpu.memory_space<semaphore_mem>>
    tpu.wait_indirect_dma semaphore(%dma_wait3A_147 : memref<!tpu.dma_semaphore, #tpu.memory_space<semaphore_mem>>) src(%dma_wait3A_139 : memref<128x128xf32, #tpu.memory_space<vmem>>) dst(%dma_wait3A_145 : memref<10240x128xf32, #tpu.memory_space<vmem_shared>>)
    %dma_wait3A_148 = arith.constant 1 : i32
    %dma_wait3A_149 = arith.constant 0 : i32
    %dma_wait3A_150 = arith.constant 0 : i32
    %dma_wait3A_151 = arith.constant 1 : i32
    %dma_wait3A_152 = arith.constant 0 : i32
    %dma_wait3A_153 = arith.constant 0 : i32
    %dma_wait3A_154 = tpu.memref_slice %arg8[%dma_wait3A_148, %dma_wait3A_152, %dma_wait3A_153] : memref<2x128x128xf32, #tpu.memory_space<vmem>> -> memref<1x128x128xf32, #tpu.memory_space<vmem>>
    %dma_wait3A_155 = tpu.memref_squeeze %dma_wait3A_154 : memref<1x128x128xf32, #tpu.memory_space<vmem>> -> memref<128x128xf32, #tpu.memory_space<vmem>>
    %dma_wait3A_156 = arith.constant 0 : i32
    %dma_wait3A_157 = tpu.memref_slice %arg7[%dma_wait3A_149, %dma_wait3A_150, %dma_wait3A_156] : memref<3x16x128xi32, #tpu.memory_space<vmem>> -> memref<1x1x128xi32, #tpu.memory_space<vmem>>
    %dma_wait3A_158 = tpu.memref_squeeze %dma_wait3A_157 : memref<1x1x128xi32, #tpu.memory_space<vmem>> -> memref<128xi32, #tpu.memory_space<vmem>>
    %dma_wait3A_159 = arith.constant 0 : i32
    %dma_wait3A_160 = arith.constant 0 : i32
    %dma_wait3A_161 = tpu.memref_slice %arg9[%dma_wait3A_159, %dma_wait3A_160] : memref<10240x128xf32, #tpu.memory_space<vmem_shared>> -> memref<10240x128xf32, #tpu.memory_space<vmem_shared>>
    %dma_wait3A_162 = tpu.memref_slice %arg13[%dma_wait3A_151] : memref<2x!tpu.dma_semaphore, #tpu.memory_space<semaphore_mem>> -> memref<1x!tpu.dma_semaphore, #tpu.memory_space<semaphore_mem>>
    %dma_wait3A_163 = tpu.memref_squeeze %dma_wait3A_162 : memref<1x!tpu.dma_semaphore, #tpu.memory_space<semaphore_mem>> -> memref<!tpu.dma_semaphore, #tpu.memory_space<semaphore_mem>>
    tpu.wait_indirect_dma semaphore(%dma_wait3A_163 : memref<!tpu.dma_semaphore, #tpu.memory_space<semaphore_mem>>) src(%dma_wait3A_155 : memref<128x128xf32, #tpu.memory_space<vmem>>) dst(%dma_wait3A_161 : memref<10240x128xf32, #tpu.memory_space<vmem_shared>>)
    %barrier3A_164 = arith.constant 0 : index
    tpu.barrier barrier_id(%barrier3A_164)
    %mul3A_165 = arith.constant 640 : i32
    %mul3A_166 = arith.muli %arg1, %mul3A_165 : i32
    "tpu.region"() ({
      %run_scoped3A = tpu.sem_alloc : memref<!tpu.dma_semaphore, #tpu.memory_space<semaphore_mem>>
      %dma_start3A_167 = arith.constant 0 : i32
      %dma_start3A_168 = tpu.memref_slice %arg5[%arg0, %mul3A_166, %dma_start3A_167] : memref<2x10240x128xf32, #tpu.memory_space<hbm>> -> memref<1x640x128xf32, #tpu.memory_space<hbm>>
      %dma_start3A_169 = tpu.memref_squeeze %dma_start3A_168 : memref<1x640x128xf32, #tpu.memory_space<hbm>> -> memref<640x128xf32, #tpu.memory_space<hbm>>
      %dma_start3A_170 = arith.constant 0 : i32
      %dma_start3A_171 = tpu.memref_slice %arg9[%mul3A_166, %dma_start3A_170] : memref<10240x128xf32, #tpu.memory_space<vmem_shared>> -> memref<640x128xf32, #tpu.memory_space<vmem_shared>>
      tpu.enqueue_dma source(%dma_start3A_171 : memref<640x128xf32, #tpu.memory_space<vmem_shared>>) target(%dma_start3A_169 : memref<640x128xf32, #tpu.memory_space<hbm>>) target_semaphore(%run_scoped3A : memref<!tpu.dma_semaphore, #tpu.memory_space<semaphore_mem>>)
      %dma_wait3A_172 = arith.constant 0 : i32
      %dma_wait3A_173 = tpu.memref_slice %arg5[%arg0, %mul3A_166, %dma_wait3A_172] : memref<2x10240x128xf32, #tpu.memory_space<hbm>> -> memref<1x640x128xf32, #tpu.memory_space<hbm>>
      %dma_wait3A_174 = tpu.memref_squeeze %dma_wait3A_173 : memref<1x640x128xf32, #tpu.memory_space<hbm>> -> memref<640x128xf32, #tpu.memory_space<hbm>>
      %dma_wait3A_175 = arith.constant 0 : i32
      %dma_wait3A_176 = tpu.memref_slice %arg9[%mul3A_166, %dma_wait3A_175] : memref<10240x128xf32, #tpu.memory_space<vmem_shared>> -> memref<640x128xf32, #tpu.memory_space<vmem_shared>>
      tpu.wait_dma2 semaphore(%run_scoped3A : memref<!tpu.dma_semaphore, #tpu.memory_space<semaphore_mem>>) src(%dma_wait3A_176 : memref<640x128xf32, #tpu.memory_space<vmem_shared>>) dst(%dma_wait3A_174 : memref<640x128xf32, #tpu.memory_space<hbm>>)
      tpu.yield
    }) : () -> ()
    return
  }
}

module attributes {stable_mosaic.version = 14 : i64} {
  func.func @_transform_body(%arg0: i32, %arg1: memref<2560x128xf32, #tpu.memory_space<vmem>>, %arg2: memref<128x256xf32, #tpu.memory_space<vmem>>, %arg3: memref<2x2560xf32, #tpu.memory_space<vmem>>, %arg4: memref<2x2560x128xf32, #tpu.memory_space<vmem>>) attributes {dimension_semantics = [#tpu.dimension_semantics<arbitrary>], iteration_bounds = array<i64: 4>, scalar_prefetch = 0 : i64, scratch_operands = 0 : i64, tpu.core_type = #tpu.core_type<tc>, window_params = [{transform_indices = @transform_0, window_bounds = array<i64: 2560, 128>}, {pipeline_mode = #tpu.pipeline_mode<synchronous>, transform_indices = @transform_1, window_bounds = array<i64: 128, 256>}, {transform_indices = @transform_2, window_bounds = array<i64: 2, 2560>}, {transform_indices = @transform_3, window_bounds = array<i64: 2, 2560, 128>}]} {
    %get3A = arith.constant 0 : index
    %get3A_0 = arith.constant 0 : index
    %get3A_1 = vector.load %arg1[%get3A, %get3A_0] : memref<2560x128xf32, #tpu.memory_space<vmem>>, vector<2560x128xf32>
    %get3A_2 = arith.constant 0 : index
    %get3A_3 = arith.constant 0 : index
    %get3A_4 = vector.load %arg2[%get3A_2, %get3A_3] : memref<128x256xf32, #tpu.memory_space<vmem>>, vector<128x256xf32>
    %dot_general3A = arith.constant dense<0.000000e+00> : vector<2560x256xf32>
    %dot_general3A_5 = tpu.matmul %get3A_1, %get3A_4, %dot_general3A {dimension_numbers = #tpu.dot_dimension_numbers<[1], [0], [0], [1], [0, 0, 1, 1], [], []>, precision = #tpu.contract_precision<fp32>, transpose_lhs_hint = false} : vector<2560x128xf32>, vector<128x256xf32>, vector<2560x256xf32> -> vector<2560x256xf32>
    %get3A_6 = arith.constant 0 : index
    %get3A_7 = arith.constant 0 : index
    %get3A_8 = vector.load %arg3[%get3A_6, %get3A_7] : memref<2x2560xf32, #tpu.memory_space<vmem>>, vector<2x2560xf32>
    %transpose3A = tpu.transpose %get3A_8, [1, 0] : vector<2x2560xf32> -> vector<2560x2xf32>
    %slice3A = vector.extract_strided_slice %transpose3A {offsets = [0, 0], sizes = [2560, 1], strides = [1, 1]} : vector<2560x2xf32> to vector<2560x1xf32>
    %gt3A = arith.constant 0.000000e+00 : f32
    %gt3A_9 = vector.broadcast %gt3A : f32 to vector<2560x1xf32>
    %gt3A_10 = arith.cmpf ogt, %slice3A, %gt3A_9 : vector<2560x1xf32>
    %slice3A_11 = vector.extract_strided_slice %transpose3A {offsets = [0, 0], sizes = [2560, 1], strides = [1, 1]} : vector<2560x2xf32> to vector<2560x1xf32>
    %rsqrt3A = math.rsqrt %slice3A_11 : vector<2560x1xf32>
    %jit3A = arith.constant 0.000000e+00 : f32
    %broadcast_in_dim3A = vector.broadcast %jit3A : f32 to vector<2560x1xf32>
    %select_n3A = arith.select %gt3A_10, %rsqrt3A, %broadcast_in_dim3A : vector<2560x1xi1>, vector<2560x1xf32>
    %slice3A_12 = vector.extract_strided_slice %transpose3A {offsets = [0, 1], sizes = [2560, 1], strides = [1, 1]} : vector<2560x2xf32> to vector<2560x1xf32>
    %gt3A_13 = arith.constant 0.000000e+00 : f32
    %gt3A_14 = vector.broadcast %gt3A_13 : f32 to vector<2560x1xf32>
    %gt3A_15 = arith.cmpf ogt, %slice3A_12, %gt3A_14 : vector<2560x1xf32>
    %slice3A_16 = vector.extract_strided_slice %transpose3A {offsets = [0, 1], sizes = [2560, 1], strides = [1, 1]} : vector<2560x2xf32> to vector<2560x1xf32>
    %rsqrt3A_17 = math.rsqrt %slice3A_16 : vector<2560x1xf32>
    %jit3A_18 = arith.constant 0.000000e+00 : f32
    %broadcast_in_dim3A_19 = vector.broadcast %jit3A_18 : f32 to vector<2560x1xf32>
    %select_n3A_20 = arith.select %gt3A_15, %rsqrt3A_17, %broadcast_in_dim3A_19 : vector<2560x1xi1>, vector<2560x1xf32>
    %slice3A_21 = vector.extract_strided_slice %dot_general3A_5 {offsets = [0, 0], sizes = [2560, 128], strides = [1, 1]} : vector<2560x256xf32> to vector<2560x128xf32>
    %mul3A = vector.broadcast %select_n3A_20 : vector<2560x1xf32> to vector<2560x128xf32>
    %mul3A_22 = arith.mulf %mul3A, %slice3A_21 : vector<2560x128xf32>
    %swap3A = arith.constant 0 : index
    %swap3A_23 = arith.constant 0 : index
    %swap3A_24 = arith.constant 0 : index
    %swap3A_25 = vector.load %arg4[%swap3A, %swap3A_23, %swap3A_24] : memref<2x2560x128xf32, #tpu.memory_space<vmem>>, vector<1x2560x128xf32>
    %swap3A_26 = vector.shape_cast %swap3A_25 : vector<1x2560x128xf32> to vector<2560x128xf32>
    %swap3A_27 = vector.shape_cast %mul3A_22 : vector<2560x128xf32> to vector<1x2560x128xf32>
    tpu.vector_store %arg4[%swap3A, %swap3A_23, %swap3A_24], %swap3A_27 {strides = array<i32>} : memref<2x2560x128xf32, #tpu.memory_space<vmem>>, vector<1x2560x128xf32>,
    %slice3A_28 = vector.extract_strided_slice %dot_general3A_5 {offsets = [0, 128], sizes = [2560, 128], strides = [1, 1]} : vector<2560x256xf32> to vector<2560x128xf32>
    %mul3A_29 = vector.broadcast %select_n3A : vector<2560x1xf32> to vector<2560x128xf32>
    %mul3A_30 = arith.mulf %mul3A_29, %slice3A_28 : vector<2560x128xf32>
    %swap3A_31 = arith.constant 1 : index
    %swap3A_32 = arith.constant 0 : index
    %swap3A_33 = arith.constant 0 : index
    %swap3A_34 = vector.load %arg4[%swap3A_31, %swap3A_32, %swap3A_33] : memref<2x2560x128xf32, #tpu.memory_space<vmem>>, vector<1x2560x128xf32>
    %swap3A_35 = vector.shape_cast %swap3A_34 : vector<1x2560x128xf32> to vector<2560x128xf32>
    %swap3A_36 = vector.shape_cast %mul3A_30 : vector<2560x128xf32> to vector<1x2560x128xf32>
    tpu.vector_store %arg4[%swap3A_31, %swap3A_32, %swap3A_33], %swap3A_36 {strides = array<i32>} : memref<2x2560x128xf32, #tpu.memory_space<vmem>>, vector<1x2560x128xf32>,
    return
  }
  func.func @transform_0(%arg0: i32) -> (i32, i32) {
    %c0_i32 = arith.constant 0 : i32
    %c0_i32_0 = arith.constant 0 : i32
    return %arg0, %c0_i32 : i32, i32
  }
  func.func @transform_1(%arg0: i32) -> (i32, i32) {
    %c0_i32 = arith.constant 0 : i32
    %c0_i32_0 = arith.constant 0 : i32
    %c0_i32_1 = arith.constant 0 : i32
    return %c0_i32, %c0_i32_0 : i32, i32
  }
  func.func @transform_2(%arg0: i32) -> (i32, i32) {
    %c0_i32 = arith.constant 0 : i32
    %c0_i32_0 = arith.constant 0 : i32
    return %c0_i32, %arg0 : i32, i32
  }
  func.func @transform_3(%arg0: i32) -> (i32, i32, i32) {
    %c0_i32 = arith.constant 0 : i32
    %c0_i32_0 = arith.constant 0 : i32
    %c0_i32_1 = arith.constant 0 : i32
    return %c0_i32, %arg0, %c0_i32_0 : i32, i32, i32
  }
}

module attributes {stable_mosaic.version = 14 : i64} {
  func.func @_combine_body(%arg0: i32, %arg1: memref<2x2560x128xf32, #tpu.memory_space<vmem>>, %arg2: memref<2x2560xf32, #tpu.memory_space<vmem>>, %arg3: memref<1x128xf32, #tpu.memory_space<vmem>>, %arg4: memref<2560x128xf32, #tpu.memory_space<vmem>>) attributes {dimension_semantics = [#tpu.dimension_semantics<arbitrary>], iteration_bounds = array<i64: 4>, scalar_prefetch = 0 : i64, scratch_operands = 0 : i64, tpu.core_type = #tpu.core_type<tc>, window_params = [{transform_indices = @transform_0, window_bounds = array<i64: 2, 2560, 128>}, {transform_indices = @transform_1, window_bounds = array<i64: 2, 2560>}, {pipeline_mode = #tpu.pipeline_mode<synchronous>, transform_indices = @transform_2, window_bounds = array<i64: 1, 128>}, {transform_indices = @transform_3, window_bounds = array<i64: 2560, 128>}]} {
    %get3A = arith.constant 0 : index
    %get3A_0 = arith.constant 0 : index
    %get3A_1 = vector.load %arg2[%get3A, %get3A_0] : memref<2x2560xf32, #tpu.memory_space<vmem>>, vector<2x2560xf32>
    %transpose3A = tpu.transpose %get3A_1, [1, 0] : vector<2x2560xf32> -> vector<2560x2xf32>
    %slice3A = vector.extract_strided_slice %transpose3A {offsets = [0, 0], sizes = [2560, 1], strides = [1, 1]} : vector<2560x2xf32> to vector<2560x1xf32>
    %gt3A = arith.constant 0.000000e+00 : f32
    %gt3A_2 = vector.broadcast %gt3A : f32 to vector<2560x1xf32>
    %gt3A_3 = arith.cmpf ogt, %slice3A, %gt3A_2 : vector<2560x1xf32>
    %slice3A_4 = vector.extract_strided_slice %transpose3A {offsets = [0, 0], sizes = [2560, 1], strides = [1, 1]} : vector<2560x2xf32> to vector<2560x1xf32>
    %rsqrt3A = math.rsqrt %slice3A_4 : vector<2560x1xf32>
    %jit3A = arith.constant 0.000000e+00 : f32
    %broadcast_in_dim3A = vector.broadcast %jit3A : f32 to vector<2560x1xf32>
    %select_n3A = arith.select %gt3A_3, %rsqrt3A, %broadcast_in_dim3A : vector<2560x1xi1>, vector<2560x1xf32>
    %slice3A_5 = vector.extract_strided_slice %transpose3A {offsets = [0, 1], sizes = [2560, 1], strides = [1, 1]} : vector<2560x2xf32> to vector<2560x1xf32>
    %gt3A_6 = arith.constant 0.000000e+00 : f32
    %gt3A_7 = vector.broadcast %gt3A_6 : f32 to vector<2560x1xf32>
    %gt3A_8 = arith.cmpf ogt, %slice3A_5, %gt3A_7 : vector<2560x1xf32>
    %slice3A_9 = vector.extract_strided_slice %transpose3A {offsets = [0, 1], sizes = [2560, 1], strides = [1, 1]} : vector<2560x2xf32> to vector<2560x1xf32>
    %rsqrt3A_10 = math.rsqrt %slice3A_9 : vector<2560x1xf32>
    %jit3A_11 = arith.constant 0.000000e+00 : f32
    %broadcast_in_dim3A_12 = vector.broadcast %jit3A_11 : f32 to vector<2560x1xf32>
    %select_n3A_13 = arith.select %gt3A_8, %rsqrt3A_10, %broadcast_in_dim3A_12 : vector<2560x1xi1>, vector<2560x1xf32>
    %get3A_14 = arith.constant 0 : index
    %get3A_15 = arith.constant 0 : index
    %get3A_16 = arith.constant 0 : index
    %get3A_17 = vector.load %arg1[%get3A_14, %get3A_15, %get3A_16] : memref<2x2560x128xf32, #tpu.memory_space<vmem>>, vector<1x2560x128xf32>
    %get3A_18 = vector.shape_cast %get3A_17 : vector<1x2560x128xf32> to vector<2560x128xf32>
    %mul3A = vector.broadcast %select_n3A : vector<2560x1xf32> to vector<2560x128xf32>
    %mul3A_19 = arith.mulf %mul3A, %get3A_18 : vector<2560x128xf32>
    %get3A_20 = arith.constant 1 : index
    %get3A_21 = arith.constant 0 : index
    %get3A_22 = arith.constant 0 : index
    %get3A_23 = vector.load %arg1[%get3A_20, %get3A_21, %get3A_22] : memref<2x2560x128xf32, #tpu.memory_space<vmem>>, vector<1x2560x128xf32>
    %get3A_24 = vector.shape_cast %get3A_23 : vector<1x2560x128xf32> to vector<2560x128xf32>
    %mul3A_25 = vector.broadcast %select_n3A_13 : vector<2560x1xf32> to vector<2560x128xf32>
    %mul3A_26 = arith.mulf %mul3A_25, %get3A_24 : vector<2560x128xf32>
    %add3A = arith.addf %mul3A_19, %mul3A_26 : vector<2560x128xf32>
    %get3A_27 = arith.constant 0 : index
    %get3A_28 = arith.constant 0 : index
    %get3A_29 = vector.load %arg3[%get3A_27, %get3A_28] : memref<1x128xf32, #tpu.memory_space<vmem>>, vector<1x128xf32>
    %add3A_30 = vector.broadcast %get3A_29 : vector<1x128xf32> to vector<2560x128xf32>
    %add3A_31 = arith.addf %add3A, %add3A_30 : vector<2560x128xf32>
    %swap3A = arith.constant 0 : index
    %swap3A_32 = arith.constant 0 : index
    %swap3A_33 = vector.load %arg4[%swap3A, %swap3A_32] : memref<2560x128xf32, #tpu.memory_space<vmem>>, vector<2560x128xf32>
    tpu.vector_store %arg4[%swap3A, %swap3A_32], %add3A_31 {strides = array<i32>} : memref<2560x128xf32, #tpu.memory_space<vmem>>, vector<2560x128xf32>,
    return
  }
  func.func @transform_0(%arg0: i32) -> (i32, i32, i32) {
    %c0_i32 = arith.constant 0 : i32
    %c0_i32_0 = arith.constant 0 : i32
    %c0_i32_1 = arith.constant 0 : i32
    return %c0_i32, %arg0, %c0_i32_0 : i32, i32, i32
  }
  func.func @transform_1(%arg0: i32) -> (i32, i32) {
    %c0_i32 = arith.constant 0 : i32
    %c0_i32_0 = arith.constant 0 : i32
    return %c0_i32, %arg0 : i32, i32
  }
  func.func @transform_2(%arg0: i32) -> (i32, i32) {
    %c0_i32 = arith.constant 0 : i32
    %c0_i32_0 = arith.constant 0 : i32
    %c0_i32_1 = arith.constant 0 : i32
    return %c0_i32, %c0_i32_0 : i32, i32
  }
  func.func @transform_3(%arg0: i32) -> (i32, i32) {
    %c0_i32 = arith.constant 0 : i32
    %c0_i32_0 = arith.constant 0 : i32
    return %arg0, %c0_i32 : i32, i32
  }
}

</mosaic_0001>

<sc_bundles>
// kernel: kernel.6.cloned.1.call-start
scs
__scs_entry_jumppad:
0x0: {  	(pc) =	sbr.rel $0x88, $3  }
0x1: {  	(tag) =	ssettag $0x0;
	lr =	simm.s32 $0x1  }
0x2: {  	[smem:$0x3F9B] =	sst lr;
	_ =	strace $0xD0000000  }
0x3: {  	_ = 	snop  }
0x4: {  	_ = 	snop  }
0x5: {  	_ = 	snop  }
0x6: {  	_ = 	snop  }
0x7: {  	_ = 	snop  }
__scs_overlays_trampoline_lowered:
0x8: {  	[smem:$0x3FAA] =	sst s0  }
0x9: {  	[smem:$0x3FAB] =	sst s1  }
0xa: {  	[smem:$0x3FAC] =	sst s2  }
0xb: {  	[smem:$0x3FAD] =	sst s3  }
0xc: {  	[smem:$0x3FAE] =	sst s4  }
0xd: {  	[smem:$0x3FAF] =	sst s5  }
0xe: {  	[smem:$0x3FB0] =	sst s6  }
0xf: {  	[smem:$0x3FB1] =	sst s7  }
0x10: {  	[smem:$0x3FB2] =	sst s8  }
0x11: {  	[smem:$0x3FB3] =	sst s9;
	s0 =	simm.s32 @!p0 $0x0  }
0x12: {  	s1 =	sld [smem:$0x3F99];
	s0 =	simm.s32 @p0 $0x1  }
0x13: {  	[smem:$0x3FB4] =	sst s0;
	s0 =	simm.s32 @!p1 $0x0  }
0x14: {  	s2 =	sld [smem:$0x3F98];
	s0 =	simm.s32 @p1 $0x1  }
0x15: {  	[smem:$0x3FB5] =	sst s0;
	s0 =	simm.s32 @!p2 $0x0  }
0x16: {  	s3 =	sld [smem:$0x3FDB];
	s0 =	simm.s32 @p2 $0x1  }
0x17: {  	s4 =	simm.s32 $0x1BF5;
	[smem:$0x3FB7] =	sst s0  }
0x18: {  	s0 =	sld [smem:$0x3F9A];
	_ =	swait.ge [sflag:s4], $0x0  }
0x19: {  	s7 =	sld [smem:$0x3F9B]  }
0x1a: {  	s8 =	sadd.s32 $0xFFFFE003, lr  }
0x1b: {  	s9 =	sadd.s32 $0xFFFFFEF7, lr;
	s5 =	simm.s32 $0xFFFFFFFF;
	p2 =	slt.u32 s8, $0xFFFFF086  }
0x1c: {  	p1 =	slt.u32 s9, $0xF7A;
	s5 =	simm.s32 @!p2 $0x0  }
0x1d: {  	s5 =	simm.s32 @p1 $0x1;
	p0 =	seq.s32 s7, s2  }
0x1e: {  	s7 =	smul.u32 @!p0 $0xF7A, s2;
	p2 =	seq.s32 @!p0 s5, $0x0  }
0x1f: {  	s9 =	smul.u32 $0xF7A, s1;
	s8 =	simm.s32 @!p0 $0x1BF5;
	p2 =	por !p2, p0  }
0x20: {  	[sflag:s8] =	ssyncset.s32 @!p0 $0xFFFFF086;
	s6 =	sadd.s32 @!p0 s3, s7;
	s7 =	simm.s32 @!p0 $0x108  }
0x21: {  	s3 =	sadd.s32 s3, s9;
	s6 =	sadd.s32 @!p0 $0x88, s6;
	s7 =	simm.s32 @p2 $0x1082  }
0x22: {  	[simem:s7], [sflag:s8] =	dma.local @!p0 [hbm:s6], $0xF7A  }
0x23: {  	s9 =	sor.u32 $0xD0000000, s2;
	s6 =	simm.s32 $0x108;
	_ =	swait.ge @!p0 [sflag:s8], $0x0  }
0x24: {  	s3 =	sadd.s32 $0x88, s3;
	s6 =	simm.s32 @!p1 $0x1082;
	[sflag:s4] =	ssyncset.s32 $0xFFFFF086  }
0x25: {  	[simem:s6], [sflag:s4] =	dma.local [hbm:s3], $0xF7A  }
0x26: {  	[smem:$0x3F9B] =	sst s1;
	(tag) =	ssettag s2;
	_ =	strace s9  }
0x27: {  	s1 =	sld [smem:$0x3FAB]  }
0x28: {  	s2 =	sld [smem:$0x3FAC]  }
0x29: {  	s4 =	sld [smem:$0x3FAE]  }
0x2a: {  	p0 =	seq.s32 s5, $0x0;
	s5 =	sld [smem:$0x3FAF]  }
0x2b: {  	s6 =	sld [smem:$0x3FB0]  }
0x2c: {  	s7 =	sld [smem:$0x3FB1]  }
0x2d: {  	s3 =	simm.s32 $0x108;
	s8 =	sld [smem:$0x3FB2]  }
0x2e: {  	s3 =	simm.s32 @!p0 $0x1082;
	s9 =	sld [smem:$0x3FB3]  }
0x2f: {  	lr =	sadd.s32 s0, s3;
	s0 =	sld [smem:$0x3FAA]  }
0x30: {  	s3 =	sld [smem:$0x3FAD]  }
0x31: {  	[smem:$0x3FB6] =	sst s10  }
0x32: {  	s10 =	sld [smem:$0x3FB4];
	_ =	sdelay $0x3  }
0x33: {  	p0 =	seq.s32 s10, $0x1;
	s10 =	sld [smem:$0x3FB6];
	_ =	sdelay $0x3  }
0x34: {  	[smem:$0x3FB6] =	sst s10  }
0x35: {  	s10 =	sld [smem:$0x3FB5];
	_ =	sdelay $0x3  }
0x36: {  	p1 =	seq.s32 s10, $0x1;
	s10 =	sld [smem:$0x3FB6];
	_ =	sdelay $0x3  }
0x37: {  	[smem:$0x3FB6] =	sst s10  }
0x38: {  	s10 =	sld [smem:$0x3FB7]  }
0x39: {  	_ = 	snop;
	(pc) =	sbr.ind lr, $3  }
0x3a: {  	_ = 	snop  }
0x3b: {  	_ = 	snop  }
0x3c: {  	p2 =	seq.s32 s10, $0x1;
	s10 =	sld [smem:$0x3FB6]  }
0x3d: {  	_ =	shalt  }
0x3e: {  	_ =	shalt  }
0x3f: {  	_ =	shalt  }
0x40: {  	_ =	shalt  }
0x41: {  	_ =	shalt  }
0x42: {  	_ =	shalt  }
0x43: {  	_ =	shalt  }
0x44: {  	_ =	shalt  }
0x45: {  	_ =	shalt  }
0x46: {  	_ =	shalt  }
0x47: {  	_ =	shalt  }
0x48: {  	_ =	shalt  }
0x49: {  	_ =	shalt  }
0x4a: {  	_ =	shalt  }
0x4b: {  	_ =	shalt  }
0x4c: {  	_ =	shalt  }
0x4d: {  	_ =	shalt  }
0x4e: {  	_ =	shalt  }
0x4f: {  	_ =	shalt  }
0x50: {  	_ =	shalt  }
0x51: {  	_ =	shalt  }
0x52: {  	_ =	shalt  }
0x53: {  	_ =	shalt  }
0x54: {  	_ =	shalt  }
0x55: {  	_ =	shalt  }
0x56: {  	_ =	shalt  }
0x57: {  	_ =	shalt  }
0x58: {  	_ =	shalt  }
0x59: {  	_ =	shalt  }
0x5a: {  	_ =	shalt  }
0x5b: {  	_ =	shalt  }
0x5c: {  	_ =	shalt  }
0x5d: {  	_ =	shalt  }
0x5e: {  	_ =	shalt  }
0x5f: {  	_ =	shalt  }
0x60: {  	_ =	shalt  }
0x61: {  	_ =	shalt  }
0x62: {  	_ =	shalt  }
0x63: {  	_ =	shalt  }
0x64: {  	_ =	shalt  }
0x65: {  	_ =	shalt  }
0x66: {  	_ =	shalt  }
0x67: {  	_ =	shalt  }
0x68: {  	_ =	shalt  }
0x69: {  	_ =	shalt  }
0x6a: {  	_ =	shalt  }
0x6b: {  	_ =	shalt  }
0x6c: {  	_ =	shalt  }
0x6d: {  	_ =	shalt  }
0x6e: {  	_ =	shalt  }
0x6f: {  	_ =	shalt  }
0x70: {  	_ =	shalt  }
0x71: {  	_ =	shalt  }
0x72: {  	_ =	shalt  }
0x73: {  	_ =	shalt  }
0x74: {  	_ =	shalt  }
0x75: {  	_ =	shalt  }
0x76: {  	_ =	shalt  }
0x77: {  	_ =	shalt  }
0x78: {  	_ =	shalt  }
0x79: {  	_ =	shalt  }
0x7a: {  	_ =	shalt  }
0x7b: {  	_ =	shalt  }
0x7c: {  	_ =	shalt  }
0x7d: {  	_ =	shalt  }
0x7e: {  	_ =	shalt  }
0x7f: {  	_ =	shalt  }
0x80: {  	_ =	shalt  }
0x81: {  	_ =	shalt  }
0x82: {  	_ =	shalt  }
0x83: {  	_ =	shalt  }
0x84: {  	_ =	shalt  }
0x85: {  	_ =	shalt  }
0x86: {  	_ =	shalt  }
0x87: {  	_ =	shalt  }
.Lfunc_end0:
.L_simem_size_0:
called_computation_lowered:
.L_overlay_start_0:
0x88: {  	s2 =	sld [smem:$0x3FD9]  }
0x89: {  	s3 =	sld [smem:$0x3FFE];
	_ =	sdelay $0x1  }
0x8a: {  	s1 =	srdreg.scid  }
0x8b: {  	s0 =	sand.u32 $0x1, s1  }
0x8c: {  	s17 =	sshll.u32 s0, $0xA;
	s2 =	sadd.s32 s3, s2  }
0x8d: {  	s2 =	sadd.s32 s2, s17  }
0x8e: {  	[smem:$0x3FC2] =	sst s2  }
0x8f: {  	_ = 	snop  }
0x90: {  	s2 =	sld [smem:$0x3FD0];
	(tm) =	ssettm $0x1  }
0x91: {  	s18 =	sld [smem:$0x3FFB];
	_ =	sdelay $0x3  }
0x92: {  	_ =	strace s18  }
0x93: {  	s3 =	sld [smem:$0x3FFC];
	_ =	sdelay $0x3  }
0x94: {  	_ =	strace s3  }
0x95: {  	s3 =	sld [smem:$0x3FFD];
	_ =	sdelay $0x3  }
0x96: {  	_ =	strace s3  }
0x97: {  	_ =	strace $0x8FFFFFFF  }
0x98: {  	s19 =	sld [smem:$0x3FDB];
	_ =	sdelay $0x1  }
0x99: {  	s4 =	simm.s32 $_scs_section_size  }
0x9a: {  	s5 =	simm.s32 $_size__tile_overlayer_lowered;
	s6 =	simm.s32 $_tile_overlayer_lowered  }
0x9b: {  	s22 =	simm.s32 $0x1BFF;
	s21 =	sshll.u32 s6, $0x1;
	s3 =	sadd.s32 s4, s19  }
0x9c: {  	s7 =	simm.s32 $0x0;
	s20 =	sshll.u32 s5, $0x1;
	s5 =	sadd.s32 s21, s3  }
0x9d: {  	[timem:s7], [sflag:s22] =	dma.local [hbm:s5], s20  }
0x9e: {  	_ =	swait.ge [sflag:s22], s20  }
0x9f: {  	s4 =	ssub.s32 $0x0, s20;
	[sflag:s22] =	ssyncset.done $0x0  }
0xa0: {  	[sflag:s22] =	ssyncadd.s32 s4;
	_ =	sdelay $0x1  }
0xa1: {  	s23 =	simm.s32 $0x1B8B  }
0xa2: {  	_ =	swait.ge [sflag:s23], $0x1  }
0xa3: {  	[sflag:s23] =	ssyncset.done $0x0  }
0xa4: {  	s25 =	simm.s32 $0x1B8E;
	s24 =	sld [smem:$0x3FFE];
	[sflag:s23] =	ssyncadd.s32 $0xFFFFFFFF  }
0xa5: {  	s26 =	simm.s32 $execute0_lowered;
	[smem:$0x3FD2] =	sst s25  }
0xa6: {  	s5 =	sshll.u32 s26, $0x1;
	_ =	strace $0x80000046;
	[dreg:$0x1] =	wrdreg $0xFFFFFFFF  }
0xa7: {  	s28 =	simm.s32 $_size_execute0_lowered;
	s3 =	sadd.s32 s3, s5;
	[dreg:$0x0] =	wrdreg $0x0  }
0xa8: {  	s5 =	sshll.u32 s28, $0x1;
	[dreg:$0x2] =	wrdreg s3  }
0xa9: {  	[dreg:$0x3] =	wrdreg s5  }
0xaa: {  	[dreg:$0x4] =	wrdreg $0xC0  }
0xab: {  	_ =	task [dreg:s7], $0x5FFFF  }
0xac: {  	[dreg:$0x1] =	wrdreg $0xFFFFFFFF  }
0xad: {  	[dreg:$0x0] =	wrdreg $0x60  }
0xae: {  	[dreg:$0x2] =	wrdreg s2  }
0xaf: {  	[dreg:$0x3] =	wrdreg s24  }
0xb0: {  	[dreg:$0x4] =	wrdreg $0x18800  }
0xb1: {  	[dreg:$0x5] =	wrdreg $0x9  }
0xb2: {  	_ =	task.clear_ibuf [dreg:s7], $0x6FFFF;
	_ =	strace $0x90000046  }
0xb3: {  	s29 =	simm.s32 $0x9;
	_ =	strace $0x80000048  }
0xb4: {  	_ =	swait.ge [sflag:s29], $0x1  }
0xb5: {  	[sflag:s29] =	ssyncadd.s32 $0xFFFFFFFF  }
0xb6: {  	_ =	strace $0x90000048  }
0xb7: {  	_ =	sfence  }
0xb8: {  	s30 =	sld [smem:$0x0];
	_ =	sdelay $0x2  }
0xb9: {  	s31 =	sshll.u32 s1, $0xD;
	s1 =	sshrl.u32 s1, $0x2  }
0xba: {  	s3 =	sand.u32 $0x4000, s31;
	s1 =	sadd.s32 s1, s30  }
0xbb: {  	s0 =	sor.u32 s3, s0;
	s1 =	sshll.u32 s1, $0x11  }
0xbc: {  	s0 =	sor.u32 s1, s0  }
0xbd: {  	s0 =	sadd.s32 $0x8F2B, s0  }
0xbe: {  	[sflag:s0] =	ssyncadd.remote.s32 $0x1  }
0xbf: {  	_ =	sfence.sel $0xFFFF  }
0xc0: {  	[dreg:$0x0] =	wrdreg $0xFFFFFFFF;
	(pc) =	sbr.abs _section_cstart, $3  }
0xc1: {  	[dreg:$0x1] =	wrdreg $0xFFFFFFFF  }
0xc2: {  	_ =	task.clear_ibuf [dreg:s7], $0x2FFFF;
	_ =	strace $0x9FFFFFFF  }
0xc3: {  	(tm) =	ssettm $0x7FFFFFFF  }
tec
execute0_lowered:
.L_overlay_start_1:
0x0: {  	(tag) =	ssettag $0x1  }
0x1: {  	s2 =	rddreg [dreg:$0x0]  }
0x2: {  	s7 =	rddreg [dreg:$0x1]  }
0x3: {  	s3 =	rddreg [dreg:$0x2];
	s4 =	srdreg.scid  }
0x4: {  	s1 =	stileid.u32;
	s0 =	rddreg [dreg:$0x3]  }
0x5: {  	s12 =	simm.s32 $0x800;
	s14 =	simm.s32 $0x6;
	s15 =	simm.s32 $0x1  }
0x6: {  	s16 =	simm.s32 $0x80;
	s17 =	simm.s32 $0x1800;
	s18 =	simm.s32 $0x1000  }
0x7: {  	s19 =	simm.s32 $0x4;
	s20 =	simm.s32 $0x5;
	s21 =	simm.s32 $0x20  }
0x8: {  	s22 =	simm.s32 $0x10;
	s23 =	simm.s32 $0x0;
	s5 =	smul.u32 $0x500, s1  }
0x9: {  	s6 =	sand.u32 $0x1, s4;
	s4 =	simm.s32 $0x0;
	s10 =	smul.u32 $0x5000, s1  }
0xa: {  	s26 =	smul.u32 $0xA00, s1;
	s31 =	sshll.u32 s1, $0x6;
	s8 =	sshll.u32 s6, $0x7  }
0xb: {  	s9 =	smul.u32 $0x50000, s6;
	[smem:$0x7FF] =	sst s4;
	s11 =	ssub.s32 $0x2, s6  }
0xc: {  	s8 =	sor.u32 s8, s5;
	_ =	strace $0x80000047;
	s5 =	sadd.s32 $0x2000, s7  }
.Ltmp0:
0xd: {  	s29 =	sshrl.u32 s11, $0x1;
	s8 =	sshrl.u32 s8, $0x3;
	(pc) =	sbr.rel .LBB2_1-.Ltmp0, $4  }
0xe: {  	s6 =	sadd.s32 s10, s9;
	s11 =	ssub.s32 s11, s29;
	s9 =	sshrl.u32 s26, $0x2  }
0xf: {  	s28 =	sadd.s32 s8, s7;
	s30 =	sshrl.u32 s6, $0x3;
	s13 =	sadd.s32 s9, s3  }
0x10: {  	s9 =	sor.u32 $0x1C06, s31;
	s11 =	smax.u32 s11, $0x1;
	s7 =	sadd.s32 s2, s30  }
0x11: {  	v0 =	vimm.f32 $1.000000000e+00;
	s10 =	sadd.s32 $0x2200, s28;
	s13 =	sshrl.u32 s13, $0x3;
	s8 =	sadd.s32 $0x100, s7  }
.LBB2_11:
0x12: {  	_ =	swait.ge [sflag:s19], $0x80  }
0x13: {  	[sflag:s19] =	ssyncset.done $0x0  }
0x14: {  	[sflag:s19] =	ssyncadd.s32 $0xFFFFFF80  }
0x15: {  	_ =	swait.ge [sflag:s20], $0x80  }
0x16: {  	s23 =	sadd.s32 $0x1, s23;
	[sflag:s20] =	ssyncset.done $0x0  }
0x17: {  	p0 =	sne.s32 s23, s11;
	[sflag:s20] =	ssyncadd.s32 $0xFFFFFF80  }
.Ltmp1:
0x18: {  	[bflag:$0x0] =	sbarrier.arrive $0xFFFF;
	(pc) =	sbr.rel @!p0 .LBB2_12-.Ltmp1, $4  }
0x19: {  	[hbm:s10@s21], [sflag:s9] =	dma.strided [spmem:s13@s22], $0x50, s15, $0x10   }
0x1a: {  	_ =	swait.ge [sflag:s14], $0x50  }
0x1b: {  	[sflag:s14] =	ssyncset.done $0x0  }
0x1c: {  	[sflag:s14] =	ssyncadd.s32 $0xFFFFFFB0  }
.LBB2_1:
0x1d: {  	[tilespmem:$0x1800] =	vst v0  }
0x1e: {  	[tilespmem:$0x1810] =	vst v0  }
0x1f: {  	[tilespmem:$0x1820] =	vst v0  }
0x20: {  	[tilespmem:$0x1830] =	vst v0  }
0x21: {  	[tilespmem:$0x1840] =	vst v0  }
0x22: {  	[tilespmem:$0x1850] =	vst v0  }
0x23: {  	[tilespmem:$0x1860] =	vst v0  }
0x24: {  	[tilespmem:$0x1870] =	vst v0  }
0x25: {  	[tilespmem:s4], [sflag:$0x1] =	stream.linear.gather [hbm4b:s7+s4], $0x800, $0x38;
	[tilespmem:$0x1B00] =	vst v63  }
0x26: {  	_ = 	snop  }
0x27: {  	[tilespmem:s12], [sflag:$0x2] =	stream.linear.gather [hbm4b:s8+s4], $0x800, $0x38;
	[tilespmem:$0x1B00] =	vst v63  }
0x28: {  	[spmem:s13], [sflag:s9] =	dma.local [hbm:s5], $0x50  }
.Ltmp2:
0x29: {  	_ =	swait.ge [sflag:s14], $0x50;
	(pc) =	sbr.rel .LBB2_2-.Ltmp2, $4  }
0x2a: {  	[sflag:s14] =	ssyncset.done $0x0  }
0x2b: {  	[sflag:s14] =	ssyncadd.s32 $0xFFFFFFB0  }
0x2c: {  	[bflag:$0x0] =	sbarrier.arrive $0xFFFF  }
0x2d: {  	s24 =	simm.s32 $0x0;
	s25 =	simm.s32 $0x0  }
.LBB2_6:
0x2e: {  	s28 =	sshll.u32 s28, $0xB  }
0x2f: {  	s28 =	sadd.s32 s28, s6  }
0x30: {  	s28 =	sshrl.u32 s28, $0x3  }
0x31: {  	s28 =	sadd.s32 s2, s28  }
0x32: {  	[tilespmem:s18], [sflag:$0x3] =	stream.linear.gather [hbm4b:s28+s4], $0x800, $0x38;
	[tilespmem:$0x1B00] =	vst v63  }
.LBB2_10:
0x33: {  	s24 =	sadd.s32 $0x2, s24  }
0x34: {  	p0 =	sne.s32 s24, $0xA0  }
.Ltmp3:
0x35: {  	_ = 	snop;
	(pc) =	sbr.rel @!p0 .LBB2_11-.Ltmp3, $3  }
0x36: {  	_ =	sdelay $0x1  }
0x37: {  	s26 =	sadd.s32 $0x80, s26;
	s25 =	sadd.s32 $0x1, s25  }
0x38: {  	[spmem:s3] =	stream.indirect.scatter.add.f32 [tilespmem:s17], [sflag:$0x5], $0x1, s26, s16, $0xb8;
	[tilespmem:$0x1B00] =	vst v63  }
.LBB2_2:
0x39: {  	s28 =	sshrl.u32 s25, $0x3  }
0x3a: {  	s26 =	smul.u32 $0xAB, s28;
	_ =	sdelay $0x1  }
0x3b: {  	s26 =	sshrl.u32 s26, $0x9  }
0x3c: {  	s26 =	sand.u32 $0x7F, s26  }
0x3d: {  	s29 =	smul.u32 $0x3, s26;
	s26 =	sand.u32 $0xE, s24  }
0x3e: {  	p1 =	sne.s32 s26, $0x0  }
.Ltmp4:
0x3f: {  	p0 =	seq.s32 s24, $0x0;
	(pc) =	sbr.rel @p1 .LBB2_4-.Ltmp4, $4  }
0x40: {  	s31 =	simm.s32 @!p0 $0x4  }
0x41: {  	_ =	swait.ge @!p0 [sflag:s31], $0x80  }
0x42: {  	[sflag:s31] =	ssyncset.done @!p0 $0x0;
	s29 =	ssub.s32 s28, s29  }
0x43: {  	[sflag:s31] =	ssyncadd.s32 @!p0 $0xFFFFFF80;
	s30 =	sand.u32 $0xFF, s29  }
0x44: {  	p2 =	seq.s32 s30, $0x0  }
0x45: {  	p3 =	seq.s32 @!p2 s30, $0x2  }
0x46: {  	p3 =	por !p3, p2  }
0x47: {  	s31 =	simm.s32 @!p3 $0x3  }
0x48: {  	s31 =	simm.s32 @p3 $0x2  }
0x49: {  	s31 =	simm.s32 @p2 $0x1  }
0x4a: {  	_ =	swait.ge [sflag:s31], $0x800  }
0x4b: {  	[sflag:s31] =	ssyncset.done $0x0  }
0x4c: {  	[sflag:s31] =	ssyncadd.s32 $0xFFFFF800  }
.LBB2_4:
0x4d: {  	s30 =	sshll.u32 s30, $0xB;
	s26 =	sshll.u32 s26, $0x7  }
.Ltmp5:
0x4e: {  	s26 =	sor.u32 s26, s30;
	s30 =	simm.s32 @!p0 $0x5;
	(pc) =	sbr.rel @p1 .LBB2_10-.Ltmp5, $4  }
0x4f: {  	[spmem:s3] =	stream.indirect.scatter.add.f32 [tilespmem:s17], [sflag:$0x4], $0x1, s26, s16, $0xb8;
	[tilespmem:$0x1B00] =	vst v63  }
0x50: {  	_ =	swait.ge @!p0 [sflag:s30], $0x80  }
0x51: {  	[sflag:s30] =	ssyncset.done @!p0 $0x0  }
0x52: {  	[sflag:s30] =	ssyncadd.s32 @!p0 $0xFFFFFF80  }
0x53: {  	p0 =	sgt.u32 s25, $0x3F  }
0x54: {  	s29 =	sand.u32 @!p0 $0xFF, s29  }
0x55: {  	p1 =	sne.s32 @!p0 s29, $0x0  }
0x56: {  	p1 =	por p0, p1  }
.Ltmp6:
0x57: {  	_ = 	snop;
	(pc) =	sbr.rel @!p1 .LBB2_6-.Ltmp6, $2  }
0x58: {  	_ =	sdelay $0x2  }
0x59: {  	s28 =	sadd.s32 $0x2, s28  }
0x5a: {  	p1 =	sne.s32 @!p0 s29, $0x1  }
0x5b: {  	p1 =	por p0, p1  }
.Ltmp7:
0x5c: {  	_ = 	snop;
	(pc) =	sbr.rel @p1 .LBB2_9-.Ltmp7, $1  }
0x5d: {  	_ =	sdelay $0x3  }
.Ltmp8:
0x5e: {  	s28 =	sshll.u32 s28, $0xB;
	(pc) =	sbr.rel .LBB2_10-.Ltmp8, $4  }
0x5f: {  	s28 =	sadd.s32 s28, s6  }
0x60: {  	s28 =	sshrl.u32 s28, $0x3  }
0x61: {  	s28 =	sadd.s32 s2, s28  }
0x62: {  	[tilespmem:s4], [sflag:$0x1] =	stream.linear.gather [hbm4b:s28+s4], $0x800, $0x38;
	[tilespmem:$0x1B00] =	vst v63  }
.LBB2_9:
0x63: {  	p1 =	sne.s32 @!p0 s29, $0x2  }
0x64: {  	p0 =	por p1, p0  }
.Ltmp9:
0x65: {  	s28 =	sshll.u32 @!p0 s28, $0xB;
	(pc) =	sbr.rel .LBB2_10-.Ltmp9, $4  }
0x66: {  	s28 =	sadd.s32 @!p0 s28, s6  }
0x67: {  	s28 =	sshrl.u32 @!p0 s28, $0x3  }
0x68: {  	s29 =	simm.s32 @!p0 $0x0;
	s30 =	simm.s32 @!p0 $0x800;
	s28 =	sadd.s32 @!p0 s2, s28  }
0x69: {  	[tilespmem:s30], [sflag:$0x2] =	stream.linear.gather @!p0 [hbm4b:s28+s29], $0x800, $0x38;
	[tilespmem:$0x1B00] =	vst v63  }
.LBB2_12:
0x6a: {  	_ =	sfence.sel $0x180000  }
0x6b: {  	[bflag:$0x0] =	sbarrier.arrive $0xFFFF  }
0x6c: {  	p0 =	sne.s32 s1, $0x0;
	_ =	strace $0x90000047  }
0x6d: {  	s0 =	sadd.s32 @!p0 $0x100000, s0;
	[bflag:$0x2] =	sbarrier.arrive $0xFFFF  }
0x6e: {  	[sflag:s0] =	ssyncadd.tile.s32 @!p0 $0x1;
	_ =	shalt  }
.Lfunc_end2:
_tile_overlayer_lowered:
.L_overlay_start_2:
0x6f: {  	(tag) =	ssettag $0x2  }
0x70: {  	s0 =	rddreg [dreg:$0x0];
	s2 =	stileid.u32  }
0x71: {  	s1 =	rddreg [dreg:$0x1];
	p0 =	sne.s32 s2, $0x0  }
0x72: {  	s3 =	rddreg [dreg:$0x2];
	[bflag:$0x3] =	sbarrier.arrive $0xFFFF;
	s2 =	simm.s32 @!p0 $0x1C06  }
0x73: {  	[timem:s3], [sflag:s2] =	dma.local @!p0 [hbm:s0], s1  }
0x74: {  	s0 =	simm.s32 @!p0 $0x6  }
0x75: {  	_ =	swait.ge @!p0 [sflag:s0], s1  }
0x76: {  	s1 =	ssub.s32 @!p0 $0x0, s1;
	[sflag:s0] =	ssyncset.done @!p0 $0x0  }
0x77: {  	[sflag:s0] =	ssyncadd.s32 @!p0 s1  }
0x78: {  	[bflag:$0x3] =	sbarrier.arrive $0xFFFF  }
0x79: {  	_ =	shalt  }

// kernel: kernel.9.cloned.1.call-start
scs
__scs_entry_jumppad:
0x0: {  	(pc) =	sbr.rel $0x88, $3  }
0x1: {  	(tag) =	ssettag $0x0;
	lr =	simm.s32 $0x1  }
0x2: {  	[smem:$0x3F9B] =	sst lr;
	_ =	strace $0xD0000000  }
0x3: {  	_ = 	snop  }
0x4: {  	_ = 	snop  }
0x5: {  	_ = 	snop  }
0x6: {  	_ = 	snop  }
0x7: {  	_ = 	snop  }
__scs_overlays_trampoline_lowered:
0x8: {  	[smem:$0x3FAA] =	sst s0  }
0x9: {  	[smem:$0x3FAB] =	sst s1  }
0xa: {  	[smem:$0x3FAC] =	sst s2  }
0xb: {  	[smem:$0x3FAD] =	sst s3  }
0xc: {  	[smem:$0x3FAE] =	sst s4  }
0xd: {  	[smem:$0x3FAF] =	sst s5  }
0xe: {  	[smem:$0x3FB0] =	sst s6  }
0xf: {  	[smem:$0x3FB1] =	sst s7  }
0x10: {  	[smem:$0x3FB2] =	sst s8  }
0x11: {  	[smem:$0x3FB3] =	sst s9;
	s0 =	simm.s32 @!p0 $0x0  }
0x12: {  	s1 =	sld [smem:$0x3F99];
	s0 =	simm.s32 @p0 $0x1  }
0x13: {  	[smem:$0x3FB4] =	sst s0;
	s0 =	simm.s32 @!p1 $0x0  }
0x14: {  	s2 =	sld [smem:$0x3F98];
	s0 =	simm.s32 @p1 $0x1  }
0x15: {  	[smem:$0x3FB5] =	sst s0;
	s0 =	simm.s32 @!p2 $0x0  }
0x16: {  	s3 =	sld [smem:$0x3FDB];
	s0 =	simm.s32 @p2 $0x1  }
0x17: {  	s4 =	simm.s32 $0x1BF5;
	[smem:$0x3FB7] =	sst s0  }
0x18: {  	s0 =	sld [smem:$0x3F9A];
	_ =	swait.ge [sflag:s4], $0x0  }
0x19: {  	s7 =	sld [smem:$0x3F9B]  }
0x1a: {  	s8 =	sadd.s32 $0xFFFFE003, lr  }
0x1b: {  	s9 =	sadd.s32 $0xFFFFFEF7, lr;
	s5 =	simm.s32 $0xFFFFFFFF;
	p2 =	slt.u32 s8, $0xFFFFF086  }
0x1c: {  	p1 =	slt.u32 s9, $0xF7A;
	s5 =	simm.s32 @!p2 $0x0  }
0x1d: {  	s5 =	simm.s32 @p1 $0x1;
	p0 =	seq.s32 s7, s2  }
0x1e: {  	s7 =	smul.u32 @!p0 $0xF7A, s2;
	p2 =	seq.s32 @!p0 s5, $0x0  }
0x1f: {  	s9 =	smul.u32 $0xF7A, s1;
	s8 =	simm.s32 @!p0 $0x1BF5;
	p2 =	por !p2, p0  }
0x20: {  	[sflag:s8] =	ssyncset.s32 @!p0 $0xFFFFF086;
	s6 =	sadd.s32 @!p0 s3, s7;
	s7 =	simm.s32 @!p0 $0x108  }
0x21: {  	s3 =	sadd.s32 s3, s9;
	s6 =	sadd.s32 @!p0 $0x88, s6;
	s7 =	simm.s32 @p2 $0x1082  }
0x22: {  	[simem:s7], [sflag:s8] =	dma.local @!p0 [hbm:s6], $0xF7A  }
0x23: {  	s9 =	sor.u32 $0xD0000000, s2;
	s6 =	simm.s32 $0x108;
	_ =	swait.ge @!p0 [sflag:s8], $0x0  }
0x24: {  	s3 =	sadd.s32 $0x88, s3;
	s6 =	simm.s32 @!p1 $0x1082;
	[sflag:s4] =	ssyncset.s32 $0xFFFFF086  }
0x25: {  	[simem:s6], [sflag:s4] =	dma.local [hbm:s3], $0xF7A  }
0x26: {  	[smem:$0x3F9B] =	sst s1;
	(tag) =	ssettag s2;
	_ =	strace s9  }
0x27: {  	s1 =	sld [smem:$0x3FAB]  }
0x28: {  	s2 =	sld [smem:$0x3FAC]  }
0x29: {  	s4 =	sld [smem:$0x3FAE]  }
0x2a: {  	p0 =	seq.s32 s5, $0x0;
	s5 =	sld [smem:$0x3FAF]  }
0x2b: {  	s6 =	sld [smem:$0x3FB0]  }
0x2c: {  	s7 =	sld [smem:$0x3FB1]  }
0x2d: {  	s3 =	simm.s32 $0x108;
	s8 =	sld [smem:$0x3FB2]  }
0x2e: {  	s3 =	simm.s32 @!p0 $0x1082;
	s9 =	sld [smem:$0x3FB3]  }
0x2f: {  	lr =	sadd.s32 s0, s3;
	s0 =	sld [smem:$0x3FAA]  }
0x30: {  	s3 =	sld [smem:$0x3FAD]  }
0x31: {  	[smem:$0x3FB6] =	sst s10  }
0x32: {  	s10 =	sld [smem:$0x3FB4];
	_ =	sdelay $0x3  }
0x33: {  	p0 =	seq.s32 s10, $0x1;
	s10 =	sld [smem:$0x3FB6];
	_ =	sdelay $0x3  }
0x34: {  	[smem:$0x3FB6] =	sst s10  }
0x35: {  	s10 =	sld [smem:$0x3FB5];
	_ =	sdelay $0x3  }
0x36: {  	p1 =	seq.s32 s10, $0x1;
	s10 =	sld [smem:$0x3FB6];
	_ =	sdelay $0x3  }
0x37: {  	[smem:$0x3FB6] =	sst s10  }
0x38: {  	s10 =	sld [smem:$0x3FB7]  }
0x39: {  	_ = 	snop;
	(pc) =	sbr.ind lr, $3  }
0x3a: {  	_ = 	snop  }
0x3b: {  	_ = 	snop  }
0x3c: {  	p2 =	seq.s32 s10, $0x1;
	s10 =	sld [smem:$0x3FB6]  }
0x3d: {  	_ =	shalt  }
0x3e: {  	_ =	shalt  }
0x3f: {  	_ =	shalt  }
0x40: {  	_ =	shalt  }
0x41: {  	_ =	shalt  }
0x42: {  	_ =	shalt  }
0x43: {  	_ =	shalt  }
0x44: {  	_ =	shalt  }
0x45: {  	_ =	shalt  }
0x46: {  	_ =	shalt  }
0x47: {  	_ =	shalt  }
0x48: {  	_ =	shalt  }
0x49: {  	_ =	shalt  }
0x4a: {  	_ =	shalt  }
0x4b: {  	_ =	shalt  }
0x4c: {  	_ =	shalt  }
0x4d: {  	_ =	shalt  }
0x4e: {  	_ =	shalt  }
0x4f: {  	_ =	shalt  }
0x50: {  	_ =	shalt  }
0x51: {  	_ =	shalt  }
0x52: {  	_ =	shalt  }
0x53: {  	_ =	shalt  }
0x54: {  	_ =	shalt  }
0x55: {  	_ =	shalt  }
0x56: {  	_ =	shalt  }
0x57: {  	_ =	shalt  }
0x58: {  	_ =	shalt  }
0x59: {  	_ =	shalt  }
0x5a: {  	_ =	shalt  }
0x5b: {  	_ =	shalt  }
0x5c: {  	_ =	shalt  }
0x5d: {  	_ =	shalt  }
0x5e: {  	_ =	shalt  }
0x5f: {  	_ =	shalt  }
0x60: {  	_ =	shalt  }
0x61: {  	_ =	shalt  }
0x62: {  	_ =	shalt  }
0x63: {  	_ =	shalt  }
0x64: {  	_ =	shalt  }
0x65: {  	_ =	shalt  }
0x66: {  	_ =	shalt  }
0x67: {  	_ =	shalt  }
0x68: {  	_ =	shalt  }
0x69: {  	_ =	shalt  }
0x6a: {  	_ =	shalt  }
0x6b: {  	_ =	shalt  }
0x6c: {  	_ =	shalt  }
0x6d: {  	_ =	shalt  }
0x6e: {  	_ =	shalt  }
0x6f: {  	_ =	shalt  }
0x70: {  	_ =	shalt  }
0x71: {  	_ =	shalt  }
0x72: {  	_ =	shalt  }
0x73: {  	_ =	shalt  }
0x74: {  	_ =	shalt  }
0x75: {  	_ =	shalt  }
0x76: {  	_ =	shalt  }
0x77: {  	_ =	shalt  }
0x78: {  	_ =	shalt  }
0x79: {  	_ =	shalt  }
0x7a: {  	_ =	shalt  }
0x7b: {  	_ =	shalt  }
0x7c: {  	_ =	shalt  }
0x7d: {  	_ =	shalt  }
0x7e: {  	_ =	shalt  }
0x7f: {  	_ =	shalt  }
0x80: {  	_ =	shalt  }
0x81: {  	_ =	shalt  }
0x82: {  	_ =	shalt  }
0x83: {  	_ =	shalt  }
0x84: {  	_ =	shalt  }
0x85: {  	_ =	shalt  }
0x86: {  	_ =	shalt  }
0x87: {  	_ =	shalt  }
.Lfunc_end0:
.L_simem_size_0:
called_computation.1_lowered:
.L_overlay_start_0:
0x88: {  	s2 =	sld [smem:$0x3FD9]  }
0x89: {  	s3 =	sld [smem:$0x3FFE];
	_ =	sdelay $0x1  }
0x8a: {  	s1 =	srdreg.scid  }
0x8b: {  	s0 =	sand.u32 $0x1, s1  }
0x8c: {  	s17 =	sshll.u32 s0, $0xA;
	s2 =	sadd.s32 s3, s2  }
0x8d: {  	s2 =	sadd.s32 s2, s17  }
0x8e: {  	[smem:$0x3FC2] =	sst s2  }
0x8f: {  	_ = 	snop  }
0x90: {  	s2 =	sld [smem:$0x3FD0];
	(tm) =	ssettm $0x1  }
0x91: {  	s18 =	sld [smem:$0x3FFB];
	_ =	sdelay $0x3  }
0x92: {  	_ =	strace s18  }
0x93: {  	s3 =	sld [smem:$0x3FFC];
	_ =	sdelay $0x3  }
0x94: {  	_ =	strace s3  }
0x95: {  	s3 =	sld [smem:$0x3FFD];
	_ =	sdelay $0x3  }
0x96: {  	_ =	strace s3  }
0x97: {  	_ =	strace $0x8FFFFFFF  }
0x98: {  	s19 =	sld [smem:$0x3FDB];
	_ =	sdelay $0x1  }
0x99: {  	s4 =	simm.s32 $_scs_section_size  }
0x9a: {  	s5 =	simm.s32 $_size__tile_overlayer_lowered;
	s6 =	simm.s32 $_tile_overlayer_lowered  }
0x9b: {  	s22 =	simm.s32 $0x1BFF;
	s21 =	sshll.u32 s6, $0x1;
	s3 =	sadd.s32 s4, s19  }
0x9c: {  	s7 =	simm.s32 $0x0;
	s20 =	sshll.u32 s5, $0x1;
	s5 =	sadd.s32 s21, s3  }
0x9d: {  	[timem:s7], [sflag:s22] =	dma.local [hbm:s5], s20  }
0x9e: {  	_ =	swait.ge [sflag:s22], s20  }
0x9f: {  	s4 =	ssub.s32 $0x0, s20;
	[sflag:s22] =	ssyncset.done $0x0  }
0xa0: {  	[sflag:s22] =	ssyncadd.s32 s4;
	_ =	sdelay $0x1  }
0xa1: {  	s23 =	simm.s32 $0x1B8B  }
0xa2: {  	_ =	swait.ge [sflag:s23], $0x1  }
0xa3: {  	[sflag:s23] =	ssyncset.done $0x0  }
0xa4: {  	s25 =	simm.s32 $0x1B8E;
	s24 =	sld [smem:$0x3FFE];
	[sflag:s23] =	ssyncadd.s32 $0xFFFFFFFF  }
0xa5: {  	s26 =	simm.s32 $execute0_lowered;
	[smem:$0x3FD2] =	sst s25  }
0xa6: {  	s5 =	sshll.u32 s26, $0x1;
	_ =	strace $0x80000049;
	[dreg:$0x1] =	wrdreg $0xFFFFFFFF  }
0xa7: {  	s28 =	simm.s32 $_size_execute0_lowered;
	s3 =	sadd.s32 s3, s5;
	[dreg:$0x0] =	wrdreg $0x0  }
0xa8: {  	s5 =	sshll.u32 s28, $0x1;
	[dreg:$0x2] =	wrdreg s3  }
0xa9: {  	[dreg:$0x3] =	wrdreg s5  }
0xaa: {  	[dreg:$0x4] =	wrdreg $0xC0  }
0xab: {  	_ =	task [dreg:s7], $0x5FFFF  }
0xac: {  	[dreg:$0x1] =	wrdreg $0xFFFFFFFF  }
0xad: {  	[dreg:$0x0] =	wrdreg $0x60  }
0xae: {  	[dreg:$0x2] =	wrdreg s24  }
0xaf: {  	[dreg:$0x3] =	wrdreg s2  }
0xb0: {  	[dreg:$0x4] =	wrdreg $0xB0000  }
0xb1: {  	[dreg:$0x5] =	wrdreg $0x9  }
0xb2: {  	_ =	task.clear_ibuf [dreg:s7], $0x6FFFF;
	_ =	strace $0x90000049  }
0xb3: {  	s29 =	simm.s32 $0x9;
	_ =	strace $0x8000004B  }
0xb4: {  	_ =	swait.ge [sflag:s29], $0x1  }
0xb5: {  	[sflag:s29] =	ssyncadd.s32 $0xFFFFFFFF  }
0xb6: {  	_ =	strace $0x9000004B  }
0xb7: {  	_ =	sfence  }
0xb8: {  	s30 =	sld [smem:$0x0];
	_ =	sdelay $0x2  }
0xb9: {  	s31 =	sshll.u32 s1, $0xD;
	s1 =	sshrl.u32 s1, $0x2  }
0xba: {  	s3 =	sand.u32 $0x4000, s31;
	s1 =	sadd.s32 s1, s30  }
0xbb: {  	s0 =	sor.u32 s3, s0;
	s1 =	sshll.u32 s1, $0x11  }
0xbc: {  	s0 =	sor.u32 s1, s0  }
0xbd: {  	s0 =	sadd.s32 $0x8F2B, s0  }
0xbe: {  	[sflag:s0] =	ssyncadd.remote.s32 $0x1  }
0xbf: {  	_ =	sfence.sel $0xFFFF  }
0xc0: {  	[dreg:$0x0] =	wrdreg $0xFFFFFFFF;
	(pc) =	sbr.abs _section_cstart, $3  }
0xc1: {  	[dreg:$0x1] =	wrdreg $0xFFFFFFFF  }
0xc2: {  	_ =	task.clear_ibuf [dreg:s7], $0x2FFFF;
	_ =	strace $0x9FFFFFFF  }
0xc3: {  	(tm) =	ssettm $0x7FFFFFFF  }
tec
execute0_lowered:
.L_overlay_start_1:
0x0: {  	(tag) =	ssettag $0x1  }
0x1: {  	s0 =	rddreg [dreg:$0x0]  }
0x2: {  	s2 =	rddreg [dreg:$0x1]  }
0x3: {  	s1 =	srdreg.scid;
	s11 =	stileid.u32  }
0x4: {  	s3 =	rddreg [dreg:$0x2];
	s8 =	smul.u32 $0x14000, s11  }
0x5: {  	s4 =	simm.s32 $0x0;
	s1 =	sand.u32 $0x1, s1;
	s10 =	smul.u32 $0x5000, s11  }
0x6: {  	[smem:$0x7FF] =	sst s4;
	s7 =	smul.u32 $0x140000, s1  }
0x7: {  	s5 =	sadd.s32 $0x16C00, s0;
	s9 =	smul.u32 $0x50000, s1;
	s1 =	ssub.s32 $0x2, s1  }
0x8: {  	s6 =	sadd.s32 $0x2C00, s0;
	s30 =	sshrl.u32 s1, $0x1;
	s7 =	sadd.s32 s8, s7  }
0x9: {  	s1 =	ssub.s32 s1, s30;
	s8 =	sshrl.u32 s7, $0x3;
	s7 =	sadd.s32 s10, s9  }
0xa: {  	s11 =	smul.u32 $0x50000, s11;
	s14 =	smax.u32 s1, $0x1;
	s10 =	sshrl.u32 s7, $0x3  }
0xb: {  	_ =	strace $0x8000004A;
	[dreg:$0x9] =	wrdreg s14;
	s31 =	sadd.s32 s6, s10  }
0xc: {  	s0 =	sadd.s32 s8, s0;
	s9 =	sadd.s32 s2, s10;
	[dreg:$0x4] =	wrdreg s31  }
0xd: {  	s12 =	sor.u32 $0x100, s10;
	s0 =	sadd.s32 $0x66C00, s0;
	[dreg:$0x5] =	wrdreg s9  }
0xe: {  	s13 =	sshrl.u32 s11, $0x2;
	s10 =	sadd.s32 s6, s12;
	[dreg:$0x8] =	wrdreg s0  }
0xf: {  	s8 =	sadd.s32 s2, s12;
	s12 =	sadd.s32 s13, s3;
	[dreg:$0x6] =	wrdreg s10  }
0x10: {  	[dreg:$0x7] =	wrdreg s8;
	s15 =	sadd.s32 $0x1000, s12  }
0x11: {  	s16 =	sadd.s32 $0x2000, s12;
	[dreg:$0xa] =	wrdreg s15  }
0x12: {  	s17 =	sadd.s32 $0x3000, s12;
	[dreg:$0xb] =	wrdreg s16  }
0x13: {  	s18 =	sadd.s32 $0x4000, s12;
	[dreg:$0xc] =	wrdreg s17  }
0x14: {  	s19 =	sadd.s32 $0x5000, s12;
	[dreg:$0xd] =	wrdreg s18  }
0x15: {  	s20 =	sadd.s32 $0x6000, s12;
	[dreg:$0xe] =	wrdreg s19  }
0x16: {  	s21 =	sadd.s32 $0x7000, s12;
	[dreg:$0xf] =	wrdreg s20  }
0x17: {  	s22 =	sadd.s32 $0x8000, s12;
	[dreg:$0x10] =	wrdreg s21  }
0x18: {  	s11 =	simm.s32 $0x7;
	s23 =	sadd.s32 $0x9000, s12;
	[dreg:$0x11] =	wrdreg s22  }
0x19: {  	s14 =	simm.s32 $0x1000;
	s24 =	sadd.s32 $0xA000, s12;
	[dreg:$0x12] =	wrdreg s23  }
0x1a: {  	s9 =	simm.s32 $0x1800;
	s25 =	sadd.s32 $0xB000, s12;
	[dreg:$0x13] =	wrdreg s24  }
0x1b: {  	s13 =	simm.s32 $0x80;
	s26 =	sadd.s32 $0xC000, s12;
	[dreg:$0x14] =	wrdreg s25  }
0x1c: {  	s28 =	sadd.s32 $0xD000, s12;
	s29 =	sadd.s32 $0xE000, s12;
	[dreg:$0x15] =	wrdreg s26  }
0x1d: {  	s30 =	sadd.s32 $0xF000, s12;
	s31 =	sadd.s32 $0x10000, s12;
	[dreg:$0x16] =	wrdreg s28  }
.Ltmp0:
0x1e: {  	s0 =	sadd.s32 $0x11000, s12;
	[dreg:$0x17] =	wrdreg s29;
	(pc) =	sbr.rel .LBB2_1-.Ltmp0, $4  }
0x1f: {  	s1 =	sadd.s32 $0x12000, s12;
	s8 =	sadd.s32 $0x13000, s12;
	[dreg:$0x18] =	wrdreg s30  }
0x20: {  	s10 =	simm.s32 $0x3000;
	[dreg:$0x19] =	wrdreg s31;
	s15 =	simm.s32 $0x2800  }
0x21: {  	s16 =	simm.s32 $0x7000;
	s17 =	simm.s32 $0x8;
	s18 =	simm.s32 $0x9  }
0x22: {  	v0 =	vimm.f32 $0.0e+00;
	s19 =	simm.s32 $0xA;
	s20 =	simm.s32 $0xB;
	s21 =	simm.s32 $0x0  }
.LBB2_16:
0x23: {  	_ =	swait.ge [sflag:s17], $0x4000  }
0x24: {  	[sflag:s17] =	ssyncset.done $0x0  }
0x25: {  	s22 =	simm.s32 $0x1F80;
	[sflag:s17] =	ssyncadd.s32 $0xFFFFC000  }
0x26: {  	[spmem:s3] =	stream.indirect.scatter.add.f32 [tilespmem:s16], [sflag:$0xA], $0x80, s22, s13, $0xb8;
	[tilespmem:$0x1F000] =	vst v63  }
0x27: {  	_ =	swait.ge [sflag:s18], $0x4000  }
0x28: {  	[sflag:s18] =	ssyncset.done $0x0  }
0x29: {  	[sflag:s18] =	ssyncadd.s32 $0xFFFFC000  }
0x2a: {  	_ =	swait.ge [sflag:s19], $0x4000  }
0x2b: {  	[sflag:s19] =	ssyncset.done $0x0  }
0x2c: {  	s30 =	stileid.u32;
	[sflag:s19] =	ssyncadd.s32 $0xFFFFC000  }
0x2d: {  	s22 =	sshll.u32 s30, $0x6;
	[bflag:$0x0] =	sbarrier.arrive $0xFFFF  }
0x2e: {  	s23 =	sshrl.u32 s12, $0x3;
	s22 =	sor.u32 $0x1C0B, s22;
	s24 =	rddreg [dreg:$0x8]  }
0x2f: {  	[hbm:s24], [sflag:s22] =	dma.local [spmem:s23], $0x2800  }
0x30: {  	_ =	swait.ge [sflag:s20], $0x2800  }
0x31: {  	s21 =	sadd.s32 $0x1, s21;
	s31 =	rddreg [dreg:$0x9]  }
0x32: {  	p0 =	sne.s32 s21, s31  }
.Ltmp1:
0x33: {  	_ = 	snop;
	(pc) =	sbr.rel @!p0 .LBB2_17-.Ltmp1, $3  }
0x34: {  	_ =	sdelay $0x1  }
0x35: {  	[sflag:s20] =	ssyncset.done $0x0  }
0x36: {  	[sflag:s20] =	ssyncadd.s32 $0xFFFFD800  }
.LBB2_1:
0x37: {  	s22 =	rddreg [dreg:$0x4]  }
0x38: {  	s28 =	rddreg [dreg:$0x5]  }
0x39: {  	[tilespmem:s4], [sflag:$0x1] =	stream.linear.gather [hbm4b:s22+s4], $0x800, $0x38;
	[tilespmem:$0x1F000] =	vst v63  }
0x3a: {  	s29 =	rddreg [dreg:$0x6]  }
0x3b: {  	[tilespmem:s9], [sflag:$0x4] =	stream.linear.gather [hbm4b:s28+s4], $0x800, $0x38;
	[tilespmem:$0x1F000] =	vst v63  }
0x3c: {  	s23 =	simm.s32 $0x800;
	s30 =	rddreg [dreg:$0x7]  }
0x3d: {  	[tilespmem:s23], [sflag:$0x2] =	stream.linear.gather [hbm4b:s29+s4], $0x800, $0x38;
	[tilespmem:$0x1F000] =	vst v63  }
0x3e: {  	s31 =	simm.s32 $0x2000;
	s22 =	simm.s32 $0x0;
	s23 =	simm.s32 $0x200  }
0x3f: {  	[tilespmem:s31], [sflag:$0x5] =	stream.linear.gather [hbm4b:s30+s4], $0x800, $0x38;
	[tilespmem:$0x1F000] =	vst v63  }
.LBB2_2:
0x40: {  	p0 =	sne.s32 s23, $0x3E00;
	[tilespmem:s22+$0x3070] =	vst v0  }
0x41: {  	[tilespmem:s22+$0x3000] =	vst v0  }
0x42: {  	[tilespmem:s22+$0x3010] =	vst v0  }
.Ltmp2:
0x43: {  	[tilespmem:s22+$0x3020] =	vst v0;
	(pc) =	sbr.rel @p0 .LBB2_2-.Ltmp2, $4  }
0x44: {  	[tilespmem:s22+$0x3030] =	vst v0  }
0x45: {  	[tilespmem:s22+$0x3040] =	vst v0  }
0x46: {  	[tilespmem:s22+$0x3050] =	vst v0  }
0x47: {  	[tilespmem:s22+$0x3060] =	vst v0;
	s22 =	sshra.s32 s23, $0x2;
	s23 =	sadd.s32 $0x200, s23  }
0x48: {  	[tilespmem:s22+$0x3070] =	vst v0  }
0x49: {  	[tilespmem:s22+$0x3000] =	vst v0  }
0x4a: {  	[tilespmem:s22+$0x3010] =	vst v0  }
0x4b: {  	[tilespmem:s22+$0x3020] =	vst v0  }
0x4c: {  	[tilespmem:s22+$0x3030] =	vst v0  }
0x4d: {  	[tilespmem:s22+$0x3040] =	vst v0  }
0x4e: {  	[tilespmem:s22+$0x3050] =	vst v0  }
0x4f: {  	[tilespmem:s22+$0x3060] =	vst v0  }
0x50: {  	[spmem:s12] =	stream.linear.scatter [tilespmem:s10], [sflag:$0x7], $0x1000, $0x38;
	[tilespmem:$0x1F000] =	vst v63  }
0x51: {  	s23 =	rddreg [dreg:$0xa]  }
0x52: {  	[spmem:s23] =	stream.linear.scatter [tilespmem:s10], [sflag:$0x7], $0x1000, $0x38;
	[tilespmem:$0x1F000] =	vst v63  }
0x53: {  	s24 =	rddreg [dreg:$0xb]  }
0x54: {  	[spmem:s24] =	stream.linear.scatter [tilespmem:s10], [sflag:$0x7], $0x1000, $0x38;
	[tilespmem:$0x1F000] =	vst v63  }
0x55: {  	s25 =	rddreg [dreg:$0xc]  }
0x56: {  	[spmem:s25] =	stream.linear.scatter [tilespmem:s10], [sflag:$0x7], $0x1000, $0x38;
	[tilespmem:$0x1F000] =	vst v63  }
0x57: {  	s26 =	rddreg [dreg:$0xd]  }
0x58: {  	[spmem:s26] =	stream.linear.scatter [tilespmem:s10], [sflag:$0x7], $0x1000, $0x38;
	[tilespmem:$0x1F000] =	vst v63  }
0x59: {  	s28 =	rddreg [dreg:$0xe]  }
0x5a: {  	[spmem:s28] =	stream.linear.scatter [tilespmem:s10], [sflag:$0x7], $0x1000, $0x38;
	[tilespmem:$0x1F000] =	vst v63  }
0x5b: {  	s29 =	rddreg [dreg:$0xf]  }
0x5c: {  	[spmem:s29] =	stream.linear.scatter [tilespmem:s10], [sflag:$0x7], $0x1000, $0x38;
	[tilespmem:$0x1F000] =	vst v63  }
0x5d: {  	s30 =	rddreg [dreg:$0x10]  }
0x5e: {  	[spmem:s30] =	stream.linear.scatter [tilespmem:s10], [sflag:$0x7], $0x1000, $0x38;
	[tilespmem:$0x1F000] =	vst v63  }
0x5f: {  	s31 =	rddreg [dreg:$0x11]  }
0x60: {  	[spmem:s31] =	stream.linear.scatter [tilespmem:s10], [sflag:$0x7], $0x1000, $0x38;
	[tilespmem:$0x1F000] =	vst v63  }
0x61: {  	s23 =	rddreg [dreg:$0x12]  }
0x62: {  	[spmem:s23] =	stream.linear.scatter [tilespmem:s10], [sflag:$0x7], $0x1000, $0x38;
	[tilespmem:$0x1F000] =	vst v63  }
0x63: {  	s24 =	rddreg [dreg:$0x13]  }
0x64: {  	[spmem:s24] =	stream.linear.scatter [tilespmem:s10], [sflag:$0x7], $0x1000, $0x38;
	[tilespmem:$0x1F000] =	vst v63  }
0x65: {  	s25 =	rddreg [dreg:$0x14]  }
0x66: {  	[spmem:s25] =	stream.linear.scatter [tilespmem:s10], [sflag:$0x7], $0x1000, $0x38;
	[tilespmem:$0x1F000] =	vst v63  }
0x67: {  	s26 =	rddreg [dreg:$0x15]  }
0x68: {  	[spmem:s26] =	stream.linear.scatter [tilespmem:s10], [sflag:$0x7], $0x1000, $0x38;
	[tilespmem:$0x1F000] =	vst v63  }
0x69: {  	s28 =	rddreg [dreg:$0x16]  }
0x6a: {  	[spmem:s28] =	stream.linear.scatter [tilespmem:s10], [sflag:$0x7], $0x1000, $0x38;
	[tilespmem:$0x1F000] =	vst v63  }
0x6b: {  	s29 =	rddreg [dreg:$0x17]  }
0x6c: {  	[spmem:s29] =	stream.linear.scatter [tilespmem:s10], [sflag:$0x7], $0x1000, $0x38;
	[tilespmem:$0x1F000] =	vst v63  }
0x6d: {  	s30 =	rddreg [dreg:$0x18]  }
0x6e: {  	[spmem:s30] =	stream.linear.scatter [tilespmem:s10], [sflag:$0x7], $0x1000, $0x38;
	[tilespmem:$0x1F000] =	vst v63  }
0x6f: {  	s31 =	rddreg [dreg:$0x19]  }
0x70: {  	[spmem:s31] =	stream.linear.scatter [tilespmem:s10], [sflag:$0x7], $0x1000, $0x38;
	[tilespmem:$0x1F000] =	vst v63  }
0x71: {  	_ = 	snop  }
0x72: {  	[spmem:s0] =	stream.linear.scatter [tilespmem:s10], [sflag:$0x7], $0x1000, $0x38;
	[tilespmem:$0x1F000] =	vst v63  }
0x73: {  	_ = 	snop  }
0x74: {  	[spmem:s1] =	stream.linear.scatter [tilespmem:s10], [sflag:$0x7], $0x1000, $0x38;
	[tilespmem:$0x1F000] =	vst v63  }
0x75: {  	_ = 	snop  }
0x76: {  	[spmem:s8] =	stream.linear.scatter [tilespmem:s10], [sflag:$0x7], $0x1000, $0x38;
	[tilespmem:$0x1F000] =	vst v63  }
0x77: {  	_ =	swait.ge [sflag:s11], $0x1000  }
0x78: {  	[sflag:s11] =	ssyncset.done $0x0  }
0x79: {  	[sflag:s11] =	ssyncadd.s32 $0xFFFFF000  }
0x7a: {  	_ =	swait.ge [sflag:s11], $0x1000  }
0x7b: {  	[sflag:s11] =	ssyncset.done $0x0  }
0x7c: {  	[sflag:s11] =	ssyncadd.s32 $0xFFFFF000  }
0x7d: {  	_ =	swait.ge [sflag:s11], $0x1000  }
0x7e: {  	[sflag:s11] =	ssyncset.done $0x0  }
0x7f: {  	[sflag:s11] =	ssyncadd.s32 $0xFFFFF000  }
0x80: {  	_ =	swait.ge [sflag:s11], $0x1000  }
0x81: {  	[sflag:s11] =	ssyncset.done $0x0  }
0x82: {  	[sflag:s11] =	ssyncadd.s32 $0xFFFFF000  }
0x83: {  	_ =	swait.ge [sflag:s11], $0x1000  }
0x84: {  	[sflag:s11] =	ssyncset.done $0x0  }
0x85: {  	[sflag:s11] =	ssyncadd.s32 $0xFFFFF000  }
0x86: {  	_ =	swait.ge [sflag:s11], $0x1000  }
0x87: {  	[sflag:s11] =	ssyncset.done $0x0  }
0x88: {  	[sflag:s11] =	ssyncadd.s32 $0xFFFFF000  }
0x89: {  	_ =	swait.ge [sflag:s11], $0x1000  }
0x8a: {  	[sflag:s11] =	ssyncset.done $0x0  }
0x8b: {  	[sflag:s11] =	ssyncadd.s32 $0xFFFFF000  }
0x8c: {  	_ =	swait.ge [sflag:s11], $0x1000  }
0x8d: {  	[sflag:s11] =	ssyncset.done $0x0  }
0x8e: {  	[sflag:s11] =	ssyncadd.s32 $0xFFFFF000  }
0x8f: {  	_ =	swait.ge [sflag:s11], $0x1000  }
0x90: {  	[sflag:s11] =	ssyncset.done $0x0  }
0x91: {  	[sflag:s11] =	ssyncadd.s32 $0xFFFFF000  }
0x92: {  	_ =	swait.ge [sflag:s11], $0x1000  }
0x93: {  	[sflag:s11] =	ssyncset.done $0x0  }
0x94: {  	[sflag:s11] =	ssyncadd.s32 $0xFFFFF000  }
0x95: {  	_ =	swait.ge [sflag:s11], $0x1000  }
0x96: {  	[sflag:s11] =	ssyncset.done $0x0  }
0x97: {  	[sflag:s11] =	ssyncadd.s32 $0xFFFFF000  }
0x98: {  	_ =	swait.ge [sflag:s11], $0x1000  }
0x99: {  	[sflag:s11] =	ssyncset.done $0x0  }
0x9a: {  	[sflag:s11] =	ssyncadd.s32 $0xFFFFF000  }
0x9b: {  	_ =	swait.ge [sflag:s11], $0x1000  }
0x9c: {  	[sflag:s11] =	ssyncset.done $0x0  }
0x9d: {  	[sflag:s11] =	ssyncadd.s32 $0xFFFFF000  }
0x9e: {  	_ =	swait.ge [sflag:s11], $0x1000  }
0x9f: {  	[sflag:s11] =	ssyncset.done $0x0  }
0xa0: {  	[sflag:s11] =	ssyncadd.s32 $0xFFFFF000  }
0xa1: {  	_ =	swait.ge [sflag:s11], $0x1000  }
0xa2: {  	[sflag:s11] =	ssyncset.done $0x0  }
0xa3: {  	[sflag:s11] =	ssyncadd.s32 $0xFFFFF000  }
0xa4: {  	_ =	swait.ge [sflag:s11], $0x1000  }
0xa5: {  	[sflag:s11] =	ssyncset.done $0x0  }
0xa6: {  	[sflag:s11] =	ssyncadd.s32 $0xFFFFF000  }
0xa7: {  	_ =	swait.ge [sflag:s11], $0x1000  }
0xa8: {  	[sflag:s11] =	ssyncset.done $0x0  }
0xa9: {  	[sflag:s11] =	ssyncadd.s32 $0xFFFFF000  }
0xaa: {  	_ =	swait.ge [sflag:s11], $0x1000  }
0xab: {  	[sflag:s11] =	ssyncset.done $0x0  }
0xac: {  	[sflag:s11] =	ssyncadd.s32 $0xFFFFF000  }
0xad: {  	_ =	swait.ge [sflag:s11], $0x1000  }
0xae: {  	[sflag:s11] =	ssyncset.done $0x0  }
0xaf: {  	[sflag:s11] =	ssyncadd.s32 $0xFFFFF000  }
.Ltmp3:
0xb0: {  	_ =	swait.ge [sflag:s11], $0x1000;
	(pc) =	sbr.rel .LBB2_4-.Ltmp3, $4  }
0xb1: {  	[sflag:s11] =	ssyncset.done $0x0  }
0xb2: {  	[sflag:s11] =	ssyncadd.s32 $0xFFFFF000  }
0xb3: {  	[bflag:$0x0] =	sbarrier.arrive $0xFFFF  }
0xb4: {  	s22 =	simm.s32 $0x0;
	s23 =	simm.s32 $0xFFFFFFFF;
	s24 =	simm.s32 $0xFFFFFE00  }
.LBB2_11:
0xb5: {  	s25 =	sshll.u32 s25, $0xB  }
0xb6: {  	s25 =	sadd.s32 s25, s7  }
0xb7: {  	s25 =	sshrl.u32 s25, $0x3  }
0xb8: {  	s28 =	sadd.s32 s6, s25  }
0xb9: {  	[tilespmem:s14], [sflag:$0x3] =	stream.linear.gather [hbm4b:s28+s4], $0x800, $0x38;
	[tilespmem:$0x1F000] =	vst v63  }
0xba: {  	s25 =	sadd.s32 s2, s25  }
0xbb: {  	[tilespmem:s15], [sflag:$0x6] =	stream.linear.gather [hbm4b:s25+s4], $0x800, $0x38;
	[tilespmem:$0x1F000] =	vst v63  }
.LBB2_15:
0xbc: {  	s25 =	sadd.s32 $0x80, s26;
	s22 =	sadd.s32 $0x1, s22  }
0xbd: {  	[tilespmem:s16], [sflag:$0x8] =	stream.indirect.gather [hbm4b:s5+s13], $0x80, s25, s13, $0xb8;
	[tilespmem:$0x1F000] =	vst v63  }
0xbe: {  	p0 =	sne.s32 s22, $0x50  }
.Ltmp4:
0xbf: {  	_ = 	snop;
	(pc) =	sbr.rel @!p0 .LBB2_16-.Ltmp4, $4  }
0xc0: {  	_ =	swait.ge [sflag:s11], $0x4000  }
0xc1: {  	s31 =	sadd.s32 $0x1800, s26;
	[sflag:s11] =	ssyncset.done $0x0  }
0xc2: {  	s23 =	sadd.s32 $0x2, s23;
	s24 =	sadd.s32 $0x400, s24;
	[sflag:s11] =	ssyncadd.s32 $0xFFFFC000  }
0xc3: {  	[spmem:s3] =	stream.indirect.scatter.add.f32 [tilespmem:s10], [sflag:$0x9], $0x80, s31, s13, $0xb8;
	[tilespmem:$0x1F000] =	vst v63  }
.LBB2_4:
0xc4: {  	s25 =	sshrl.u32 s22, $0x3  }
0xc5: {  	s26 =	smul.u32 $0xAB, s25;
	_ =	sdelay $0x1  }
0xc6: {  	s26 =	sshrl.u32 s26, $0x9  }
0xc7: {  	s28 =	sadd.s32 $0x1, s23;
	s26 =	sand.u32 $0x7F, s26  }
0xc8: {  	s29 =	smul.u32 $0x3, s26;
	s26 =	sand.u32 $0xE, s28  }
0xc9: {  	p1 =	sne.s32 s26, $0x0  }
.Ltmp5:
0xca: {  	p0 =	seq.s32 s22, $0x0;
	(pc) =	sbr.rel @p1 .LBB2_9-.Ltmp5, $4  }
0xcb: {  	s30 =	simm.s32 @!p0 $0x9  }
0xcc: {  	_ =	swait.ge @!p0 [sflag:s30], $0x4000  }
0xcd: {  	[sflag:s30] =	ssyncset.done @!p0 $0x0;
	s28 =	ssub.s32 s25, s29  }
0xce: {  	[sflag:s30] =	ssyncadd.s32 @!p0 $0xFFFFC000;
	s29 =	sand.u32 $0xFF, s28  }
0xcf: {  	p2 =	seq.s32 s29, $0x0  }
.Ltmp6:
0xd0: {  	_ = 	snop;
	(pc) =	sbr.rel @p2 .LBB2_6-.Ltmp6, $1  }
0xd1: {  	_ =	sdelay $0x3  }
.Ltmp7:
0xd2: {  	(pc) =	sbr.rel .LBB2_8-.Ltmp7, $4  }
0xd3: {  	_ = 	snop  }
0xd4: {  	p2 =	seq.s32 s29, $0x2  }
0xd5: {  	s30 =	simm.s32 @p2 $0x6;
	s31 =	simm.s32 @p2 $0x3  }
0xd6: {  	s30 =	simm.s32 @!p2 $0x5;
	s31 =	simm.s32 @!p2 $0x2  }
.LBB2_6:
0xd7: {  	s30 =	simm.s32 $0x4;
	s31 =	simm.s32 $0x1  }
.LBB2_8:
0xd8: {  	_ =	swait.ge [sflag:s31], $0x800  }
0xd9: {  	[sflag:s31] =	ssyncset.done $0x0  }
0xda: {  	[sflag:s31] =	ssyncadd.s32 $0xFFFFF800  }
0xdb: {  	_ =	swait.ge [sflag:s30], $0x800  }
0xdc: {  	[sflag:s30] =	ssyncset.done $0x0  }
0xdd: {  	[sflag:s30] =	ssyncadd.s32 $0xFFFFF800  }
.LBB2_9:
0xde: {  	s29 =	sshll.u32 s29, $0xB;
	s26 =	sshll.u32 s26, $0x7;
	s30 =	sshrl.u32 @!p0 s23, $0x4  }
0xdf: {  	s26 =	sor.u32 s26, s29;
	s29 =	smulhi.u32 @!p0 $0x55555556, s30;
	_ =	sdelay $0x1  }
0xe0: {  	s31 =	simm.s32 @!p0 $0x8;
	s29 =	smul.u32 @!p0 $0x3, s29  }
0xe1: {  	[tilespmem:s10], [sflag:$0x7] =	stream.indirect.gather [hbm4b:s5+s13], $0x80, s26, s13, $0xb8;
	[tilespmem:$0x1F000] =	vst v63  }
0xe2: {  	_ =	swait.ge @!p0 [sflag:s31], $0x4000;
	s29 =	ssub.s32 @!p0 s30, s29;
	s30 =	sand.u32 @!p0 $0x1E00, s24  }
0xe3: {  	[sflag:s31] =	ssyncset.done @!p0 $0x0;
	s29 =	sshll.u32 @!p0 s29, $0xB;
	s30 =	sshrl.u32 @!p0 s30, $0x2  }
0xe4: {  	[sflag:s31] =	ssyncadd.s32 @!p0 $0xFFFFC000;
	s29 =	sor.u32 @!p0 s30, s29  }
0xe5: {  	s31 =	simm.s32 @!p0 $0x7000;
	s30 =	simm.s32 @!p0 $0x80;
	s29 =	sadd.s32 @!p0 $0x1800, s29  }
0xe6: {  	[spmem:s3] =	stream.indirect.scatter.add.f32 @!p0 [tilespmem:s31], [sflag:$0xA], $0x80, s29, s30, $0xb8;
	[tilespmem:$0x1F000] =	vst v63  }
.Ltmp8:
0xe7: {  	_ = 	snop;
	(pc) =	sbr.rel @p1 .LBB2_15-.Ltmp8, $4  }
0xe8: {  	s29 =	simm.s32 @!p0 $0xA  }
0xe9: {  	_ =	swait.ge @!p0 [sflag:s29], $0x4000  }
0xea: {  	[sflag:s29] =	ssyncset.done @!p0 $0x0  }
0xeb: {  	[sflag:s29] =	ssyncadd.s32 @!p0 $0xFFFFC000  }
0xec: {  	p0 =	sgt.u32 s22, $0x3F  }
0xed: {  	s28 =	sand.u32 @!p0 $0xFF, s28  }
0xee: {  	p1 =	sne.s32 @!p0 s28, $0x0  }
0xef: {  	p1 =	por p0, p1  }
.Ltmp9:
0xf0: {  	_ = 	snop;
	(pc) =	sbr.rel @!p1 .LBB2_11-.Ltmp9, $2  }
0xf1: {  	_ =	sdelay $0x2  }
0xf2: {  	s25 =	sadd.s32 $0x2, s25  }
0xf3: {  	p1 =	sne.s32 @!p0 s28, $0x1  }
0xf4: {  	p1 =	por p0, p1  }
.Ltmp10:
0xf5: {  	_ = 	snop;
	(pc) =	sbr.rel @p1 .LBB2_14-.Ltmp10, $1  }
0xf6: {  	_ =	sdelay $0x3  }
0xf7: {  	s25 =	sshll.u32 s25, $0xB  }
0xf8: {  	s25 =	sadd.s32 s25, s7  }
.Ltmp11:
0xf9: {  	s25 =	sshrl.u32 s25, $0x3;
	(pc) =	sbr.rel .LBB2_15-.Ltmp11, $4  }
0xfa: {  	s28 =	sadd.s32 s6, s25  }
0xfb: {  	[tilespmem:s4], [sflag:$0x1] =	stream.linear.gather [hbm4b:s28+s4], $0x800, $0x38;
	[tilespmem:$0x1F000] =	vst v63  }
0xfc: {  	s25 =	sadd.s32 s2, s25  }
0xfd: {  	[tilespmem:s9], [sflag:$0x4] =	stream.linear.gather [hbm4b:s25+s4], $0x800, $0x38;
	[tilespmem:$0x1F000] =	vst v63  }
.LBB2_14:
0xfe: {  	p1 =	sne.s32 @!p0 s28, $0x2  }
0xff: {  	p0 =	por p1, p0  }
0x100: {  	s25 =	sshll.u32 @!p0 s25, $0xB  }
0x101: {  	s25 =	sadd.s32 @!p0 s25, s7  }
.Ltmp12:
0x102: {  	s25 =	sshrl.u32 @!p0 s25, $0x3;
	(pc) =	sbr.rel .LBB2_15-.Ltmp12, $4  }
0x103: {  	s29 =	simm.s32 @!p0 $0x0;
	s30 =	simm.s32 @!p0 $0x800;
	s28 =	sadd.s32 @!p0 s6, s25  }
0x104: {  	[tilespmem:s30], [sflag:$0x2] =	stream.linear.gather @!p0 [hbm4b:s28+s29], $0x800, $0x38;
	[tilespmem:$0x1F000] =	vst v63  }
0x105: {  	s25 =	sadd.s32 @!p0 s2, s25;
	s28 =	simm.s32 @!p0 $0x2000  }
0x106: {  	[tilespmem:s28], [sflag:$0x5] =	stream.linear.gather @!p0 [hbm4b:s25+s29], $0x800, $0x38;
	[tilespmem:$0x1F000] =	vst v63  }
.LBB2_17:
0x107: {  	_ =	sfence.sel $0x180000  }
0x108: {  	[bflag:$0x0] =	sbarrier.arrive $0xFFFF  }
0x109: {  	_ =	strace $0x9000004A  }
0x10a: {  	s0 =	stileid.u32;
	[bflag:$0x2] =	sbarrier.arrive $0xFFFF  }
0x10b: {  	p0 =	sne.s32 s0, $0x0;
	s0 =	rddreg [dreg:$0x3]  }
0x10c: {  	s0 =	sadd.s32 @!p0 $0x100000, s0  }
0x10d: {  	[sflag:s0] =	ssyncadd.tile.s32 @!p0 $0x1;
	_ =	shalt  }
.Lfunc_end2:
_tile_overlayer_lowered:
.L_overlay_start_2:
0x10e: {  	(tag) =	ssettag $0x2  }
0x10f: {  	s0 =	rddreg [dreg:$0x0];
	s2 =	stileid.u32  }
0x110: {  	s1 =	rddreg [dreg:$0x1];
	p0 =	sne.s32 s2, $0x0  }
0x111: {  	s3 =	rddreg [dreg:$0x2];
	[bflag:$0x3] =	sbarrier.arrive $0xFFFF;
	s2 =	simm.s32 @!p0 $0x1C0B  }
0x112: {  	[timem:s3], [sflag:s2] =	dma.local @!p0 [hbm:s0], s1  }
0x113: {  	s0 =	simm.s32 @!p0 $0xB  }
0x114: {  	_ =	swait.ge @!p0 [sflag:s0], s1  }
0x115: {  	s1 =	ssub.s32 @!p0 $0x0, s1;
	[sflag:s0] =	ssyncset.done @!p0 $0x0  }
0x116: {  	[sflag:s0] =	ssyncadd.s32 @!p0 s1  }
0x117: {  	[bflag:$0x3] =	sbarrier.arrive $0xFFFF  }
0x118: {  	_ =	shalt  }

</sc_bundles>
